<compile_context>
chip_gen: v7x
topology: tpu7x:2x2x1
jax: 0.10.2.dev20260603
libtpu: 0.0.44.dev20260713+nightly
codegen_flags: <defaults>
</compile_context>

<pallas_src>
import functools

import jax
import jax.numpy as jnp
from jax import lax
from jax.experimental import pallas as pl
from jax.experimental.pallas import tpu as pltpu
from jax.experimental.pallas import tpu_sc as plsc


_DIM = 2048
_H = 8
_M = 1024
_DH = _DIM // _H
_TB = 1024


def _tc_body(z_ref, c2_ref, cb_ref, idx_ref, gidx_ref, md_ref):
    iot = jax.lax.broadcasted_iota(jnp.int32, (_TB, _M), 1)
    for h in range(_H):
        zb = z_ref[:, h * _DH:(h + 1) * _DH]
        cross = jax.lax.dot_general(
            zb, cb_ref[h],
            dimension_numbers=(((1,), (1,)), ((), ())),
            preferred_element_type=jnp.float32)
        z2 = jnp.sum(zb * zb, axis=1, keepdims=True)
        c2 = c2_ref[h:h + 1, :]
        d = (z2 + c2) - 2.0 * cross
        d = jnp.maximum(d, 0.0)
        m = jnp.min(d, axis=1, keepdims=True)
        idx = jnp.min(jnp.where(d == m, iot, _M), axis=1)
        idx_ref[:, h:h + 1] = idx[:, None]
        gidx_ref[h:h + 1, :] = (idx + h * _M)[None, :]
        md_ref[:, h:h + 1] = m


def _tc_call(zr, c2, codebook):
    N = zr.shape[0]
    grid = (N // _TB,)
    return pl.pallas_call(
        _tc_body,
        grid=grid,
        in_specs=[
            pl.BlockSpec((_TB, _DIM), lambda i: (i, 0)),
            pl.BlockSpec((_H, _M), lambda i: (0, 0)),
            pl.BlockSpec((_H, _M, _DH), lambda i: (0, 0, 0)),
        ],
        out_specs=[
            pl.BlockSpec((_TB, _H), lambda i: (i, 0)),
            pl.BlockSpec((_H, _TB), lambda i: (0, i)),
            pl.BlockSpec((_TB, _H), lambda i: (i, 0)),
        ],
        out_shape=[
            jax.ShapeDtypeStruct((N, _H), jnp.int32),
            jax.ShapeDtypeStruct((_H, N), jnp.int32),
            jax.ShapeDtypeStruct((N, _H), jnp.float32),
        ],
    )(zr, c2, codebook)


_SC_CHUNK = 128
_SC_SEGS = 4


def _sc_gather(table, gidx):
    N = gidx.shape[1]
    toks_per_w = N // _SC_SEGS
    n_chunks = toks_per_w // _SC_CHUNK
    mesh = plsc.VectorSubcoreMesh(core_axis_name="c", subcore_axis_name="s")

    @functools.partial(
        pl.kernel, mesh=mesh,
        out_type=jax.ShapeDtypeStruct((N, _DIM), jnp.float32),
        scratch_types=[
            pltpu.VMEM((_SC_CHUNK,), jnp.int32),
            pltpu.VMEM((_SC_CHUNK, _DH), jnp.float32),
            pltpu.SemaphoreType.DMA,
        ],
    )
    def k(table_hbm, gidx_hbm, out_hbm, idx_v, rows_v, sem):
        wid = lax.axis_index("s") * 2 + lax.axis_index("c")
        h = wid % _H
        tok0 = (wid // _H) * toks_per_w
        for c in range(n_chunks):
            off = tok0 + c * _SC_CHUNK
            pltpu.sync_copy(gidx_hbm.at[h, pl.ds(off, _SC_CHUNK)], idx_v)
            pltpu.async_copy(table_hbm.at[idx_v], rows_v, sem).wait()
            pltpu.sync_copy(
                rows_v,
                out_hbm.at[pl.ds(off, _SC_CHUNK), pl.ds(h * _DH, _DH)])

    return k(table, gidx)


def kernel(z, codebook):
    Bb, Ll, dim = z.shape
    N = Bb * Ll
    zr = z.reshape(N, dim)
    c2 = jnp.sum(codebook ** 2, axis=-1)

    idx, gidx, md = _tc_call(zr, c2, codebook)

    table = codebook.reshape(_H * _M, _DH)
    zq = _sc_gather(table, gidx)

    return (zq.reshape(Bb, Ll, dim),
            idx.reshape(Bb, Ll, _H),
            md.reshape(Bb, Ll, _H))

# --- scband reference (transcript-rebuilt; emitter-appended) ---
"""Pipeline reference for scband-multi-headed-codebook-9113920602162 (READ-ONLY COPY).

The authoritative reference and input builder live on the scoring server;
editing this copy changes nothing except your own understanding.
"""

import jax, jax.numpy as jnp
import numpy as np

DIM = 2048
N_HEADS = 8
ENTRIES = 1024
D_HEAD = DIM // N_HEADS
B, L = 2, 4096


def setup_inputs(seed: int = 0) -> dict:
    key = jax.random.key(seed)
    k1, k2 = jax.random.split(key)
    z = jax.random.normal(k1, (B, L, DIM), dtype=jnp.float32)
    codebook = jax.random.normal(k2, (N_HEADS, ENTRIES, D_HEAD), dtype=jnp.float32) * 0.02
    return {"z": z, "codebook": codebook}


def reference(z, codebook):
    # Faithful port of MultiHeadedCodebook.quantise with hard=True (default path).
    Bb, Ll, dim = z.shape
    H, M, d_head = codebook.shape
    N = Bb * Ll
    z_h = z.reshape(N, H, d_head)
    # squared L2 distances per head: ||z||^2 + ||c||^2 - 2 z.c
    z2 = jnp.sum(z_h ** 2, axis=-1, keepdims=True)            # [N, H, 1]
    c2 = jnp.sum(codebook ** 2, axis=-1)                      # [H, M]
    cross = jnp.einsum('nhd,hmd->nhm', z_h, codebook)         # [N, H, M]
    dists = jnp.clip(z2 + c2[None, :, :] - 2.0 * cross, 0.0)  # [N, H, M]
    idx = jnp.argmin(dists, axis=2)                           # [N, H]
    # gather nearest codebook entries per head
    e = codebook[jnp.arange(H)[None, :], idx]                 # [N, H, d_head]
    # straight-through estimator: z_q = z + sg(e - z)
    z_q_h = z_h + jax.lax.stop_gradient(e - z_h)              # [N, H, d_head]
    min_dists = jnp.take_along_axis(dists, idx[:, :, None], axis=2)[:, :, 0]  # [N, H]
    z_q = z_q_h.reshape(Bb, Ll, dim)
    indices = idx.reshape(Bb, Ll, H)
    per_head_distances = min_dists.reshape(Bb, Ll, H)
    return z_q, indices, per_head_distances

if __name__ == "__main__":
    import jax
    _d = setup_inputs()
    print(jax.jit(kernel)(*tuple(_d.values())))

</pallas_src>

<mosaic_0001>
#map = affine_map<(d0, d1) -> (0, 0)>
module attributes {stable_mosaic.version = 14 : i64} {
  func.func @k(%arg0: i32, %arg1: i32, %arg2: memref<8192x256xf32, #tpu.memory_space<hbm>>, %arg3: memref<8x8192xi32, #tpu.memory_space<hbm>>, %arg4: memref<8192x2048xf32, #tpu.memory_space<hbm>>, %arg5: memref<128xi32, #tpu.memory_space<vmem>>, %arg6: memref<128x256xf32, #tpu.memory_space<vmem>>, %arg7: memref<!tpu.dma_semaphore, #tpu.memory_space<semaphore_mem>>) attributes {dimension_semantics = [#tpu.dimension_semantics<core_parallel>, #tpu.dimension_semantics<subcore_parallel>], iteration_bounds = array<i64: 2, 16>, scalar_prefetch = 0 : i64, scratch_operands = 3 : i64, tpu.core_type = #tpu.core_type<sc_vector_subcore>, window_params = [{transform_indices = #map}, {transform_indices = #map}, {transform_indices = #map}]} {
    %mul3A = arith.constant 2 : i32
    %mul3A_0 = arith.muli %arg1, %mul3A : i32
    %add3A = arith.addi %mul3A_0, %arg0 : i32
    %jit3A = arith.constant 8 : i32
    %eq3A = arith.constant 0 : i32
    %eq3A_1 = arith.cmpi eq, %jit3A, %eq3A : i32
    %jit3A_2 = arith.constant 1 : i32
    %select_n3A = arith.select %eq3A_1, %jit3A_2, %jit3A : i32
    %rem3A = arith.remsi %add3A, %select_n3A : i32
    %ne3A = arith.constant 0 : i32
    %ne3A_3 = arith.cmpi ne, %rem3A, %ne3A : i32
    %lt3A = arith.constant 0 : i32
    %lt3A_4 = arith.cmpi slt, %rem3A, %lt3A : i32
    %lt3A_5 = arith.constant 0 : i32
    %lt3A_6 = arith.cmpi slt, %select_n3A, %lt3A_5 : i32
    %ne3A_7 = arith.xori %lt3A_4, %lt3A_6 : i1
    %and3A = arith.andi %ne3A_7, %ne3A_3 : i1
    %add3A_8 = arith.addi %rem3A, %select_n3A : i32
    %select_n3A_9 = arith.select %and3A, %add3A_8, %rem3A : i32
    %jit3A_10 = arith.constant 8 : i32
    %div3A = arith.divsi %add3A, %jit3A_10 : i32
    %sign3A = arith.constant 0 : i32
    %sign3A_11 = arith.cmpi sgt, %add3A, %sign3A : i32
    %sign3A_12 = arith.extui %sign3A_11 : i1 to i32
    %sign3A_13 = arith.constant 0 : i32
    %sign3A_14 = arith.cmpi slt, %add3A, %sign3A_13 : i32
    %sign3A_15 = arith.extui %sign3A_14 : i1 to i32
    %sign3A_16 = arith.subi %sign3A_12, %sign3A_15 : i32
    %sign3A_17 = arith.constant 0 : i32
    %sign3A_18 = arith.cmpi sgt, %jit3A_10, %sign3A_17 : i32
    %sign3A_19 = arith.extui %sign3A_18 : i1 to i32
    %sign3A_20 = arith.constant 0 : i32
    %sign3A_21 = arith.cmpi slt, %jit3A_10, %sign3A_20 : i32
    %sign3A_22 = arith.extui %sign3A_21 : i1 to i32
    %sign3A_23 = arith.subi %sign3A_19, %sign3A_22 : i32
    %ne3A_24 = arith.cmpi ne, %sign3A_16, %sign3A_23 : i32
    %rem3A_25 = arith.remsi %add3A, %jit3A_10 : i32
    %ne3A_26 = arith.constant 0 : i32
    %ne3A_27 = arith.cmpi ne, %rem3A_25, %ne3A_26 : i32
    %and3A_28 = arith.andi %ne3A_24, %ne3A_27 : i1
    %sub3A = arith.constant 1 : i32
    %sub3A_29 = arith.subi %div3A, %sub3A : i32
    %select_n3A_30 = arith.select %and3A_28, %sub3A_29, %div3A : i32
    %mul3A_31 = arith.constant 2048 : i32
    %mul3A_32 = arith.muli %select_n3A_30, %mul3A_31 : i32
    %add3A_33 = arith.constant 0 : i32
    %add3A_34 = arith.addi %mul3A_32, %add3A_33 : i32
    "tpu.region"() ({
      %run_scoped3A = tpu.sem_alloc : memref<!tpu.dma_semaphore, #tpu.memory_space<semaphore_mem>>
      %dma_start3A_191 = tpu.memref_slice %arg3[%select_n3A_9, %add3A_34] : memref<8x8192xi32, #tpu.memory_space<hbm>> -> memref<1x128xi32, #tpu.memory_space<hbm>>
      %dma_start3A_192 = tpu.memref_squeeze %dma_start3A_191 : memref<1x128xi32, #tpu.memory_space<hbm>> -> memref<128xi32, #tpu.memory_space<hbm>>
      %dma_start3A_193 = tpu.memref_slice %arg3[%select_n3A_9, %add3A_34] : memref<8x8192xi32, #tpu.memory_space<hbm>> -> memref<1x128xi32, #tpu.memory_space<hbm>>
      %dma_start3A_194 = tpu.memref_squeeze %dma_start3A_193 : memref<1x128xi32, #tpu.memory_space<hbm>> -> memref<128xi32, #tpu.memory_space<hbm>>
      tpu.enqueue_dma source(%dma_start3A_194 : memref<128xi32, #tpu.memory_space<hbm>>) target(%arg5 : memref<128xi32, #tpu.memory_space<vmem>>) target_semaphore(%run_scoped3A : memref<!tpu.dma_semaphore, #tpu.memory_space<semaphore_mem>>)
      %dma_wait3A_195 = tpu.memref_slice %arg3[%select_n3A_9, %add3A_34] : memref<8x8192xi32, #tpu.memory_space<hbm>> -> memref<1x128xi32, #tpu.memory_space<hbm>>
      %dma_wait3A_196 = tpu.memref_squeeze %dma_wait3A_195 : memref<1x128xi32, #tpu.memory_space<hbm>> -> memref<128xi32, #tpu.memory_space<hbm>>
      %dma_wait3A_197 = tpu.memref_slice %arg3[%select_n3A_9, %add3A_34] : memref<8x8192xi32, #tpu.memory_space<hbm>> -> memref<1x128xi32, #tpu.memory_space<hbm>>
      %dma_wait3A_198 = tpu.memref_squeeze %dma_wait3A_197 : memref<1x128xi32, #tpu.memory_space<hbm>> -> memref<128xi32, #tpu.memory_space<hbm>>
      tpu.wait_dma2 semaphore(%run_scoped3A : memref<!tpu.dma_semaphore, #tpu.memory_space<semaphore_mem>>) src(%dma_wait3A_198 : memref<128xi32, #tpu.memory_space<hbm>>) dst(%arg5 : memref<128xi32, #tpu.memory_space<vmem>>)
      tpu.yield
    }) : () -> ()
    %dma_start3A = arith.constant 0 : i32
    %dma_start3A_35 = arith.constant 0 : i32
    %dma_start3A_36 = tpu.memref_slice %arg2[%dma_start3A, %dma_start3A_35] : memref<8192x256xf32, #tpu.memory_space<hbm>> -> memref<8192x256xf32, #tpu.memory_space<hbm>>
    tpu.enqueue_indirect_dma source(%dma_start3A_36 : memref<8192x256xf32, #tpu.memory_space<hbm>>) target(%arg6 : memref<128x256xf32, #tpu.memory_space<vmem>>) offsets(%arg5 : memref<128xi32, #tpu.memory_space<vmem>>) semaphore(%arg7 : memref<!tpu.dma_semaphore, #tpu.memory_space<semaphore_mem>>)
    %dma_wait3A = arith.constant 0 : i32
    %dma_wait3A_37 = arith.constant 0 : i32
    %dma_wait3A_38 = tpu.memref_slice %arg2[%dma_wait3A, %dma_wait3A_37] : memref<8192x256xf32, #tpu.memory_space<hbm>> -> memref<8192x256xf32, #tpu.memory_space<hbm>>
    tpu.wait_indirect_dma semaphore(%arg7 : memref<!tpu.dma_semaphore, #tpu.memory_space<semaphore_mem>>) src(%dma_wait3A_38 : memref<8192x256xf32, #tpu.memory_space<hbm>>) dst(%arg6 : memref<128x256xf32, #tpu.memory_space<vmem>>)
    %mul3A_39 = arith.constant 256 : i32
    %mul3A_40 = arith.muli %select_n3A_9, %mul3A_39 : i32
    "tpu.region"() ({
      %run_scoped3A = tpu.sem_alloc : memref<!tpu.dma_semaphore, #tpu.memory_space<semaphore_mem>>
      %dma_start3A_191 = tpu.memref_slice %arg4[%add3A_34, %mul3A_40] : memref<8192x2048xf32, #tpu.memory_space<hbm>> -> memref<128x256xf32, #tpu.memory_space<hbm>>
      %dma_start3A_192 = tpu.memref_slice %arg4[%add3A_34, %mul3A_40] : memref<8192x2048xf32, #tpu.memory_space<hbm>> -> memref<128x256xf32, #tpu.memory_space<hbm>>
      tpu.enqueue_dma source(%arg6 : memref<128x256xf32, #tpu.memory_space<vmem>>) target(%dma_start3A_192 : memref<128x256xf32, #tpu.memory_space<hbm>>) target_semaphore(%run_scoped3A : memref<!tpu.dma_semaphore, #tpu.memory_space<semaphore_mem>>)
      %dma_wait3A_193 = tpu.memref_slice %arg4[%add3A_34, %mul3A_40] : memref<8192x2048xf32, #tpu.memory_space<hbm>> -> memref<128x256xf32, #tpu.memory_space<hbm>>
      %dma_wait3A_194 = tpu.memref_slice %arg4[%add3A_34, %mul3A_40] : memref<8192x2048xf32, #tpu.memory_space<hbm>> -> memref<128x256xf32, #tpu.memory_space<hbm>>
      tpu.wait_dma2 semaphore(%run_scoped3A : memref<!tpu.dma_semaphore, #tpu.memory_space<semaphore_mem>>) src(%arg6 : memref<128x256xf32, #tpu.memory_space<vmem>>) dst(%dma_wait3A_194 : memref<128x256xf32, #tpu.memory_space<hbm>>)
      tpu.yield
    }) : () -> ()
    %add3A_41 = arith.constant 128 : i32
    %add3A_42 = arith.addi %mul3A_32, %add3A_41 : i32
    "tpu.region"() ({
      %run_scoped3A = tpu.sem_alloc : memref<!tpu.dma_semaphore, #tpu.memory_space<semaphore_mem>>
      %dma_start3A_191 = tpu.memref_slice %arg3[%select_n3A_9, %add3A_42] : memref<8x8192xi32, #tpu.memory_space<hbm>> -> memref<1x128xi32, #tpu.memory_space<hbm>>
      %dma_start3A_192 = tpu.memref_squeeze %dma_start3A_191 : memref<1x128xi32, #tpu.memory_space<hbm>> -> memref<128xi32, #tpu.memory_space<hbm>>
      %dma_start3A_193 = tpu.memref_slice %arg3[%select_n3A_9, %add3A_42] : memref<8x8192xi32, #tpu.memory_space<hbm>> -> memref<1x128xi32, #tpu.memory_space<hbm>>
      %dma_start3A_194 = tpu.memref_squeeze %dma_start3A_193 : memref<1x128xi32, #tpu.memory_space<hbm>> -> memref<128xi32, #tpu.memory_space<hbm>>
      tpu.enqueue_dma source(%dma_start3A_194 : memref<128xi32, #tpu.memory_space<hbm>>) target(%arg5 : memref<128xi32, #tpu.memory_space<vmem>>) target_semaphore(%run_scoped3A : memref<!tpu.dma_semaphore, #tpu.memory_space<semaphore_mem>>)
      %dma_wait3A_195 = tpu.memref_slice %arg3[%select_n3A_9, %add3A_42] : memref<8x8192xi32, #tpu.memory_space<hbm>> -> memref<1x128xi32, #tpu.memory_space<hbm>>
      %dma_wait3A_196 = tpu.memref_squeeze %dma_wait3A_195 : memref<1x128xi32, #tpu.memory_space<hbm>> -> memref<128xi32, #tpu.memory_space<hbm>>
      %dma_wait3A_197 = tpu.memref_slice %arg3[%select_n3A_9, %add3A_42] : memref<8x8192xi32, #tpu.memory_space<hbm>> -> memref<1x128xi32, #tpu.memory_space<hbm>>
      %dma_wait3A_198 = tpu.memref_squeeze %dma_wait3A_197 : memref<1x128xi32, #tpu.memory_space<hbm>> -> memref<128xi32, #tpu.memory_space<hbm>>
      tpu.wait_dma2 semaphore(%run_scoped3A : memref<!tpu.dma_semaphore, #tpu.memory_space<semaphore_mem>>) src(%dma_wait3A_198 : memref<128xi32, #tpu.memory_space<hbm>>) dst(%arg5 : memref<128xi32, #tpu.memory_space<vmem>>)
      tpu.yield
    }) : () -> ()
    %dma_start3A_43 = arith.constant 0 : i32
    %dma_start3A_44 = arith.constant 0 : i32
    %dma_start3A_45 = tpu.memref_slice %arg2[%dma_start3A_43, %dma_start3A_44] : memref<8192x256xf32, #tpu.memory_space<hbm>> -> memref<8192x256xf32, #tpu.memory_space<hbm>>
    tpu.enqueue_indirect_dma source(%dma_start3A_45 : memref<8192x256xf32, #tpu.memory_space<hbm>>) target(%arg6 : memref<128x256xf32, #tpu.memory_space<vmem>>) offsets(%arg5 : memref<128xi32, #tpu.memory_space<vmem>>) semaphore(%arg7 : memref<!tpu.dma_semaphore, #tpu.memory_space<semaphore_mem>>)
    %dma_wait3A_46 = arith.constant 0 : i32
    %dma_wait3A_47 = arith.constant 0 : i32
    %dma_wait3A_48 = tpu.memref_slice %arg2[%dma_wait3A_46, %dma_wait3A_47] : memref<8192x256xf32, #tpu.memory_space<hbm>> -> memref<8192x256xf32, #tpu.memory_space<hbm>>
    tpu.wait_indirect_dma semaphore(%arg7 : memref<!tpu.dma_semaphore, #tpu.memory_space<semaphore_mem>>) src(%dma_wait3A_48 : memref<8192x256xf32, #tpu.memory_space<hbm>>) dst(%arg6 : memref<128x256xf32, #tpu.memory_space<vmem>>)
    %mul3A_49 = arith.constant 256 : i32
    %mul3A_50 = arith.muli %select_n3A_9, %mul3A_49 : i32
    "tpu.region"() ({
      %run_scoped3A = tpu.sem_alloc : memref<!tpu.dma_semaphore, #tpu.memory_space<semaphore_mem>>
      %dma_start3A_191 = tpu.memref_slice %arg4[%add3A_42, %mul3A_50] : memref<8192x2048xf32, #tpu.memory_space<hbm>> -> memref<128x256xf32, #tpu.memory_space<hbm>>
      %dma_start3A_192 = tpu.memref_slice %arg4[%add3A_42, %mul3A_50] : memref<8192x2048xf32, #tpu.memory_space<hbm>> -> memref<128x256xf32, #tpu.memory_space<hbm>>
      tpu.enqueue_dma source(%arg6 : memref<128x256xf32, #tpu.memory_space<vmem>>) target(%dma_start3A_192 : memref<128x256xf32, #tpu.memory_space<hbm>>) target_semaphore(%run_scoped3A : memref<!tpu.dma_semaphore, #tpu.memory_space<semaphore_mem>>)
      %dma_wait3A_193 = tpu.memref_slice %arg4[%add3A_42, %mul3A_50] : memref<8192x2048xf32, #tpu.memory_space<hbm>> -> memref<128x256xf32, #tpu.memory_space<hbm>>
      %dma_wait3A_194 = tpu.memref_slice %arg4[%add3A_42, %mul3A_50] : memref<8192x2048xf32, #tpu.memory_space<hbm>> -> memref<128x256xf32, #tpu.memory_space<hbm>>
      tpu.wait_dma2 semaphore(%run_scoped3A : memref<!tpu.dma_semaphore, #tpu.memory_space<semaphore_mem>>) src(%arg6 : memref<128x256xf32, #tpu.memory_space<vmem>>) dst(%dma_wait3A_194 : memref<128x256xf32, #tpu.memory_space<hbm>>)
      tpu.yield
    }) : () -> ()
    %add3A_51 = arith.constant 256 : i32
    %add3A_52 = arith.addi %mul3A_32, %add3A_51 : i32
    "tpu.region"() ({
      %run_scoped3A = tpu.sem_alloc : memref<!tpu.dma_semaphore, #tpu.memory_space<semaphore_mem>>
      %dma_start3A_191 = tpu.memref_slice %arg3[%select_n3A_9, %add3A_52] : memref<8x8192xi32, #tpu.memory_space<hbm>> -> memref<1x128xi32, #tpu.memory_space<hbm>>
      %dma_start3A_192 = tpu.memref_squeeze %dma_start3A_191 : memref<1x128xi32, #tpu.memory_space<hbm>> -> memref<128xi32, #tpu.memory_space<hbm>>
      %dma_start3A_193 = tpu.memref_slice %arg3[%select_n3A_9, %add3A_52] : memref<8x8192xi32, #tpu.memory_space<hbm>> -> memref<1x128xi32, #tpu.memory_space<hbm>>
      %dma_start3A_194 = tpu.memref_squeeze %dma_start3A_193 : memref<1x128xi32, #tpu.memory_space<hbm>> -> memref<128xi32, #tpu.memory_space<hbm>>
      tpu.enqueue_dma source(%dma_start3A_194 : memref<128xi32, #tpu.memory_space<hbm>>) target(%arg5 : memref<128xi32, #tpu.memory_space<vmem>>) target_semaphore(%run_scoped3A : memref<!tpu.dma_semaphore, #tpu.memory_space<semaphore_mem>>)
      %dma_wait3A_195 = tpu.memref_slice %arg3[%select_n3A_9, %add3A_52] : memref<8x8192xi32, #tpu.memory_space<hbm>> -> memref<1x128xi32, #tpu.memory_space<hbm>>
      %dma_wait3A_196 = tpu.memref_squeeze %dma_wait3A_195 : memref<1x128xi32, #tpu.memory_space<hbm>> -> memref<128xi32, #tpu.memory_space<hbm>>
      %dma_wait3A_197 = tpu.memref_slice %arg3[%select_n3A_9, %add3A_52] : memref<8x8192xi32, #tpu.memory_space<hbm>> -> memref<1x128xi32, #tpu.memory_space<hbm>>
      %dma_wait3A_198 = tpu.memref_squeeze %dma_wait3A_197 : memref<1x128xi32, #tpu.memory_space<hbm>> -> memref<128xi32, #tpu.memory_space<hbm>>
      tpu.wait_dma2 semaphore(%run_scoped3A : memref<!tpu.dma_semaphore, #tpu.memory_space<semaphore_mem>>) src(%dma_wait3A_198 : memref<128xi32, #tpu.memory_space<hbm>>) dst(%arg5 : memref<128xi32, #tpu.memory_space<vmem>>)
      tpu.yield
    }) : () -> ()
    %dma_start3A_53 = arith.constant 0 : i32
    %dma_start3A_54 = arith.constant 0 : i32
    %dma_start3A_55 = tpu.memref_slice %arg2[%dma_start3A_53, %dma_start3A_54] : memref<8192x256xf32, #tpu.memory_space<hbm>> -> memref<8192x256xf32, #tpu.memory_space<hbm>>
    tpu.enqueue_indirect_dma source(%dma_start3A_55 : memref<8192x256xf32, #tpu.memory_space<hbm>>) target(%arg6 : memref<128x256xf32, #tpu.memory_space<vmem>>) offsets(%arg5 : memref<128xi32, #tpu.memory_space<vmem>>) semaphore(%arg7 : memref<!tpu.dma_semaphore, #tpu.memory_space<semaphore_mem>>)
    %dma_wait3A_56 = arith.constant 0 : i32
    %dma_wait3A_57 = arith.constant 0 : i32
    %dma_wait3A_58 = tpu.memref_slice %arg2[%dma_wait3A_56, %dma_wait3A_57] : memref<8192x256xf32, #tpu.memory_space<hbm>> -> memref<8192x256xf32, #tpu.memory_space<hbm>>
    tpu.wait_indirect_dma semaphore(%arg7 : memref<!tpu.dma_semaphore, #tpu.memory_space<semaphore_mem>>) src(%dma_wait3A_58 : memref<8192x256xf32, #tpu.memory_space<hbm>>) dst(%arg6 : memref<128x256xf32, #tpu.memory_space<vmem>>)
    %mul3A_59 = arith.constant 256 : i32
    %mul3A_60 = arith.muli %select_n3A_9, %mul3A_59 : i32
    "tpu.region"() ({
      %run_scoped3A = tpu.sem_alloc : memref<!tpu.dma_semaphore, #tpu.memory_space<semaphore_mem>>
      %dma_start3A_191 = tpu.memref_slice %arg4[%add3A_52, %mul3A_60] : memref<8192x2048xf32, #tpu.memory_space<hbm>> -> memref<128x256xf32, #tpu.memory_space<hbm>>
      %dma_start3A_192 = tpu.memref_slice %arg4[%add3A_52, %mul3A_60] : memref<8192x2048xf32, #tpu.memory_space<hbm>> -> memref<128x256xf32, #tpu.memory_space<hbm>>
      tpu.enqueue_dma source(%arg6 : memref<128x256xf32, #tpu.memory_space<vmem>>) target(%dma_start3A_192 : memref<128x256xf32, #tpu.memory_space<hbm>>) target_semaphore(%run_scoped3A : memref<!tpu.dma_semaphore, #tpu.memory_space<semaphore_mem>>)
      %dma_wait3A_193 = tpu.memref_slice %arg4[%add3A_52, %mul3A_60] : memref<8192x2048xf32, #tpu.memory_space<hbm>> -> memref<128x256xf32, #tpu.memory_space<hbm>>
      %dma_wait3A_194 = tpu.memref_slice %arg4[%add3A_52, %mul3A_60] : memref<8192x2048xf32, #tpu.memory_space<hbm>> -> memref<128x256xf32, #tpu.memory_space<hbm>>
      tpu.wait_dma2 semaphore(%run_scoped3A : memref<!tpu.dma_semaphore, #tpu.memory_space<semaphore_mem>>) src(%arg6 : memref<128x256xf32, #tpu.memory_space<vmem>>) dst(%dma_wait3A_194 : memref<128x256xf32, #tpu.memory_space<hbm>>)
      tpu.yield
    }) : () -> ()
    %add3A_61 = arith.constant 384 : i32
    %add3A_62 = arith.addi %mul3A_32, %add3A_61 : i32
    "tpu.region"() ({
      %run_scoped3A = tpu.sem_alloc : memref<!tpu.dma_semaphore, #tpu.memory_space<semaphore_mem>>
      %dma_start3A_191 = tpu.memref_slice %arg3[%select_n3A_9, %add3A_62] : memref<8x8192xi32, #tpu.memory_space<hbm>> -> memref<1x128xi32, #tpu.memory_space<hbm>>
      %dma_start3A_192 = tpu.memref_squeeze %dma_start3A_191 : memref<1x128xi32, #tpu.memory_space<hbm>> -> memref<128xi32, #tpu.memory_space<hbm>>
      %dma_start3A_193 = tpu.memref_slice %arg3[%select_n3A_9, %add3A_62] : memref<8x8192xi32, #tpu.memory_space<hbm>> -> memref<1x128xi32, #tpu.memory_space<hbm>>
      %dma_start3A_194 = tpu.memref_squeeze %dma_start3A_193 : memref<1x128xi32, #tpu.memory_space<hbm>> -> memref<128xi32, #tpu.memory_space<hbm>>
      tpu.enqueue_dma source(%dma_start3A_194 : memref<128xi32, #tpu.memory_space<hbm>>) target(%arg5 : memref<128xi32, #tpu.memory_space<vmem>>) target_semaphore(%run_scoped3A : memref<!tpu.dma_semaphore, #tpu.memory_space<semaphore_mem>>)
      %dma_wait3A_195 = tpu.memref_slice %arg3[%select_n3A_9, %add3A_62] : memref<8x8192xi32, #tpu.memory_space<hbm>> -> memref<1x128xi32, #tpu.memory_space<hbm>>
      %dma_wait3A_196 = tpu.memref_squeeze %dma_wait3A_195 : memref<1x128xi32, #tpu.memory_space<hbm>> -> memref<128xi32, #tpu.memory_space<hbm>>
      %dma_wait3A_197 = tpu.memref_slice %arg3[%select_n3A_9, %add3A_62] : memref<8x8192xi32, #tpu.memory_space<hbm>> -> memref<1x128xi32, #tpu.memory_space<hbm>>
      %dma_wait3A_198 = tpu.memref_squeeze %dma_wait3A_197 : memref<1x128xi32, #tpu.memory_space<hbm>> -> memref<128xi32, #tpu.memory_space<hbm>>
      tpu.wait_dma2 semaphore(%run_scoped3A : memref<!tpu.dma_semaphore, #tpu.memory_space<semaphore_mem>>) src(%dma_wait3A_198 : memref<128xi32, #tpu.memory_space<hbm>>) dst(%arg5 : memref<128xi32, #tpu.memory_space<vmem>>)
      tpu.yield
    }) : () -> ()
    %dma_start3A_63 = arith.constant 0 : i32
    %dma_start3A_64 = arith.constant 0 : i32
    %dma_start3A_65 = tpu.memref_slice %arg2[%dma_start3A_63, %dma_start3A_64] : memref<8192x256xf32, #tpu.memory_space<hbm>> -> memref<8192x256xf32, #tpu.memory_space<hbm>>
    tpu.enqueue_indirect_dma source(%dma_start3A_65 : memref<8192x256xf32, #tpu.memory_space<hbm>>) target(%arg6 : memref<128x256xf32, #tpu.memory_space<vmem>>) offsets(%arg5 : memref<128xi32, #tpu.memory_space<vmem>>) semaphore(%arg7 : memref<!tpu.dma_semaphore, #tpu.memory_space<semaphore_mem>>)
    %dma_wait3A_66 = arith.constant 0 : i32
    %dma_wait3A_67 = arith.constant 0 : i32
    %dma_wait3A_68 = tpu.memref_slice %arg2[%dma_wait3A_66, %dma_wait3A_67] : memref<8192x256xf32, #tpu.memory_space<hbm>> -> memref<8192x256xf32, #tpu.memory_space<hbm>>
    tpu.wait_indirect_dma semaphore(%arg7 : memref<!tpu.dma_semaphore, #tpu.memory_space<semaphore_mem>>) src(%dma_wait3A_68 : memref<8192x256xf32, #tpu.memory_space<hbm>>) dst(%arg6 : memref<128x256xf32, #tpu.memory_space<vmem>>)
    %mul3A_69 = arith.constant 256 : i32
    %mul3A_70 = arith.muli %select_n3A_9, %mul3A_69 : i32
    "tpu.region"() ({
      %run_scoped3A = tpu.sem_alloc : memref<!tpu.dma_semaphore, #tpu.memory_space<semaphore_mem>>
      %dma_start3A_191 = tpu.memref_slice %arg4[%add3A_62, %mul3A_70] : memref<8192x2048xf32, #tpu.memory_space<hbm>> -> memref<128x256xf32, #tpu.memory_space<hbm>>
      %dma_start3A_192 = tpu.memref_slice %arg4[%add3A_62, %mul3A_70] : memref<8192x2048xf32, #tpu.memory_space<hbm>> -> memref<128x256xf32, #tpu.memory_space<hbm>>
      tpu.enqueue_dma source(%arg6 : memref<128x256xf32, #tpu.memory_space<vmem>>) target(%dma_start3A_192 : memref<128x256xf32, #tpu.memory_space<hbm>>) target_semaphore(%run_scoped3A : memref<!tpu.dma_semaphore, #tpu.memory_space<semaphore_mem>>)
      %dma_wait3A_193 = tpu.memref_slice %arg4[%add3A_62, %mul3A_70] : memref<8192x2048xf32, #tpu.memory_space<hbm>> -> memref<128x256xf32, #tpu.memory_space<hbm>>
      %dma_wait3A_194 = tpu.memref_slice %arg4[%add3A_62, %mul3A_70] : memref<8192x2048xf32, #tpu.memory_space<hbm>> -> memref<128x256xf32, #tpu.memory_space<hbm>>
      tpu.wait_dma2 semaphore(%run_scoped3A : memref<!tpu.dma_semaphore, #tpu.memory_space<semaphore_mem>>) src(%arg6 : memref<128x256xf32, #tpu.memory_space<vmem>>) dst(%dma_wait3A_194 : memref<128x256xf32, #tpu.memory_space<hbm>>)
      tpu.yield
    }) : () -> ()
    %add3A_71 = arith.constant 512 : i32
    %add3A_72 = arith.addi %mul3A_32, %add3A_71 : i32
    "tpu.region"() ({
      %run_scoped3A = tpu.sem_alloc : memref<!tpu.dma_semaphore, #tpu.memory_space<semaphore_mem>>
      %dma_start3A_191 = tpu.memref_slice %arg3[%select_n3A_9, %add3A_72] : memref<8x8192xi32, #tpu.memory_space<hbm>> -> memref<1x128xi32, #tpu.memory_space<hbm>>
      %dma_start3A_192 = tpu.memref_squeeze %dma_start3A_191 : memref<1x128xi32, #tpu.memory_space<hbm>> -> memref<128xi32, #tpu.memory_space<hbm>>
      %dma_start3A_193 = tpu.memref_slice %arg3[%select_n3A_9, %add3A_72] : memref<8x8192xi32, #tpu.memory_space<hbm>> -> memref<1x128xi32, #tpu.memory_space<hbm>>
      %dma_start3A_194 = tpu.memref_squeeze %dma_start3A_193 : memref<1x128xi32, #tpu.memory_space<hbm>> -> memref<128xi32, #tpu.memory_space<hbm>>
      tpu.enqueue_dma source(%dma_start3A_194 : memref<128xi32, #tpu.memory_space<hbm>>) target(%arg5 : memref<128xi32, #tpu.memory_space<vmem>>) target_semaphore(%run_scoped3A : memref<!tpu.dma_semaphore, #tpu.memory_space<semaphore_mem>>)
      %dma_wait3A_195 = tpu.memref_slice %arg3[%select_n3A_9, %add3A_72] : memref<8x8192xi32, #tpu.memory_space<hbm>> -> memref<1x128xi32, #tpu.memory_space<hbm>>
      %dma_wait3A_196 = tpu.memref_squeeze %dma_wait3A_195 : memref<1x128xi32, #tpu.memory_space<hbm>> -> memref<128xi32, #tpu.memory_space<hbm>>
      %dma_wait3A_197 = tpu.memref_slice %arg3[%select_n3A_9, %add3A_72] : memref<8x8192xi32, #tpu.memory_space<hbm>> -> memref<1x128xi32, #tpu.memory_space<hbm>>
      %dma_wait3A_198 = tpu.memref_squeeze %dma_wait3A_197 : memref<1x128xi32, #tpu.memory_space<hbm>> -> memref<128xi32, #tpu.memory_space<hbm>>
      tpu.wait_dma2 semaphore(%run_scoped3A : memref<!tpu.dma_semaphore, #tpu.memory_space<semaphore_mem>>) src(%dma_wait3A_198 : memref<128xi32, #tpu.memory_space<hbm>>) dst(%arg5 : memref<128xi32, #tpu.memory_space<vmem>>)
      tpu.yield
    }) : () -> ()
    %dma_start3A_73 = arith.constant 0 : i32
    %dma_start3A_74 = arith.constant 0 : i32
    %dma_start3A_75 = tpu.memref_slice %arg2[%dma_start3A_73, %dma_start3A_74] : memref<8192x256xf32, #tpu.memory_space<hbm>> -> memref<8192x256xf32, #tpu.memory_space<hbm>>
    tpu.enqueue_indirect_dma source(%dma_start3A_75 : memref<8192x256xf32, #tpu.memory_space<hbm>>) target(%arg6 : memref<128x256xf32, #tpu.memory_space<vmem>>) offsets(%arg5 : memref<128xi32, #tpu.memory_space<vmem>>) semaphore(%arg7 : memref<!tpu.dma_semaphore, #tpu.memory_space<semaphore_mem>>)
    %dma_wait3A_76 = arith.constant 0 : i32
    %dma_wait3A_77 = arith.constant 0 : i32
    %dma_wait3A_78 = tpu.memref_slice %arg2[%dma_wait3A_76, %dma_wait3A_77] : memref<8192x256xf32, #tpu.memory_space<hbm>> -> memref<8192x256xf32, #tpu.memory_space<hbm>>
    tpu.wait_indirect_dma semaphore(%arg7 : memref<!tpu.dma_semaphore, #tpu.memory_space<semaphore_mem>>) src(%dma_wait3A_78 : memref<8192x256xf32, #tpu.memory_space<hbm>>) dst(%arg6 : memref<128x256xf32, #tpu.memory_space<vmem>>)
    %mul3A_79 = arith.constant 256 : i32
    %mul3A_80 = arith.muli %select_n3A_9, %mul3A_79 : i32
    "tpu.region"() ({
      %run_scoped3A = tpu.sem_alloc : memref<!tpu.dma_semaphore, #tpu.memory_space<semaphore_mem>>
      %dma_start3A_191 = tpu.memref_slice %arg4[%add3A_72, %mul3A_80] : memref<8192x2048xf32, #tpu.memory_space<hbm>> -> memref<128x256xf32, #tpu.memory_space<hbm>>
      %dma_start3A_192 = tpu.memref_slice %arg4[%add3A_72, %mul3A_80] : memref<8192x2048xf32, #tpu.memory_space<hbm>> -> memref<128x256xf32, #tpu.memory_space<hbm>>
      tpu.enqueue_dma source(%arg6 : memref<128x256xf32, #tpu.memory_space<vmem>>) target(%dma_start3A_192 : memref<128x256xf32, #tpu.memory_space<hbm>>) target_semaphore(%run_scoped3A : memref<!tpu.dma_semaphore, #tpu.memory_space<semaphore_mem>>)
      %dma_wait3A_193 = tpu.memref_slice %arg4[%add3A_72, %mul3A_80] : memref<8192x2048xf32, #tpu.memory_space<hbm>> -> memref<128x256xf32, #tpu.memory_space<hbm>>
      %dma_wait3A_194 = tpu.memref_slice %arg4[%add3A_72, %mul3A_80] : memref<8192x2048xf32, #tpu.memory_space<hbm>> -> memref<128x256xf32, #tpu.memory_space<hbm>>
      tpu.wait_dma2 semaphore(%run_scoped3A : memref<!tpu.dma_semaphore, #tpu.memory_space<semaphore_mem>>) src(%arg6 : memref<128x256xf32, #tpu.memory_space<vmem>>) dst(%dma_wait3A_194 : memref<128x256xf32, #tpu.memory_space<hbm>>)
      tpu.yield
    }) : () -> ()
    %add3A_81 = arith.constant 640 : i32
    %add3A_82 = arith.addi %mul3A_32, %add3A_81 : i32
    "tpu.region"() ({
      %run_scoped3A = tpu.sem_alloc : memref<!tpu.dma_semaphore, #tpu.memory_space<semaphore_mem>>
      %dma_start3A_191 = tpu.memref_slice %arg3[%select_n3A_9, %add3A_82] : memref<8x8192xi32, #tpu.memory_space<hbm>> -> memref<1x128xi32, #tpu.memory_space<hbm>>
      %dma_start3A_192 = tpu.memref_squeeze %dma_start3A_191 : memref<1x128xi32, #tpu.memory_space<hbm>> -> memref<128xi32, #tpu.memory_space<hbm>>
      %dma_start3A_193 = tpu.memref_slice %arg3[%select_n3A_9, %add3A_82] : memref<8x8192xi32, #tpu.memory_space<hbm>> -> memref<1x128xi32, #tpu.memory_space<hbm>>
      %dma_start3A_194 = tpu.memref_squeeze %dma_start3A_193 : memref<1x128xi32, #tpu.memory_space<hbm>> -> memref<128xi32, #tpu.memory_space<hbm>>
      tpu.enqueue_dma source(%dma_start3A_194 : memref<128xi32, #tpu.memory_space<hbm>>) target(%arg5 : memref<128xi32, #tpu.memory_space<vmem>>) target_semaphore(%run_scoped3A : memref<!tpu.dma_semaphore, #tpu.memory_space<semaphore_mem>>)
      %dma_wait3A_195 = tpu.memref_slice %arg3[%select_n3A_9, %add3A_82] : memref<8x8192xi32, #tpu.memory_space<hbm>> -> memref<1x128xi32, #tpu.memory_space<hbm>>
      %dma_wait3A_196 = tpu.memref_squeeze %dma_wait3A_195 : memref<1x128xi32, #tpu.memory_space<hbm>> -> memref<128xi32, #tpu.memory_space<hbm>>
      %dma_wait3A_197 = tpu.memref_slice %arg3[%select_n3A_9, %add3A_82] : memref<8x8192xi32, #tpu.memory_space<hbm>> -> memref<1x128xi32, #tpu.memory_space<hbm>>
      %dma_wait3A_198 = tpu.memref_squeeze %dma_wait3A_197 : memref<1x128xi32, #tpu.memory_space<hbm>> -> memref<128xi32, #tpu.memory_space<hbm>>
      tpu.wait_dma2 semaphore(%run_scoped3A : memref<!tpu.dma_semaphore, #tpu.memory_space<semaphore_mem>>) src(%dma_wait3A_198 : memref<128xi32, #tpu.memory_space<hbm>>) dst(%arg5 : memref<128xi32, #tpu.memory_space<vmem>>)
      tpu.yield
    }) : () -> ()
    %dma_start3A_83 = arith.constant 0 : i32
    %dma_start3A_84 = arith.constant 0 : i32
    %dma_start3A_85 = tpu.memref_slice %arg2[%dma_start3A_83, %dma_start3A_84] : memref<8192x256xf32, #tpu.memory_space<hbm>> -> memref<8192x256xf32, #tpu.memory_space<hbm>>
    tpu.enqueue_indirect_dma source(%dma_start3A_85 : memref<8192x256xf32, #tpu.memory_space<hbm>>) target(%arg6 : memref<128x256xf32, #tpu.memory_space<vmem>>) offsets(%arg5 : memref<128xi32, #tpu.memory_space<vmem>>) semaphore(%arg7 : memref<!tpu.dma_semaphore, #tpu.memory_space<semaphore_mem>>)
    %dma_wait3A_86 = arith.constant 0 : i32
    %dma_wait3A_87 = arith.constant 0 : i32
    %dma_wait3A_88 = tpu.memref_slice %arg2[%dma_wait3A_86, %dma_wait3A_87] : memref<8192x256xf32, #tpu.memory_space<hbm>> -> memref<8192x256xf32, #tpu.memory_space<hbm>>
    tpu.wait_indirect_dma semaphore(%arg7 : memref<!tpu.dma_semaphore, #tpu.memory_space<semaphore_mem>>) src(%dma_wait3A_88 : memref<8192x256xf32, #tpu.memory_space<hbm>>) dst(%arg6 : memref<128x256xf32, #tpu.memory_space<vmem>>)
    %mul3A_89 = arith.constant 256 : i32
    %mul3A_90 = arith.muli %select_n3A_9, %mul3A_89 : i32
    "tpu.region"() ({
      %run_scoped3A = tpu.sem_alloc : memref<!tpu.dma_semaphore, #tpu.memory_space<semaphore_mem>>
      %dma_start3A_191 = tpu.memref_slice %arg4[%add3A_82, %mul3A_90] : memref<8192x2048xf32, #tpu.memory_space<hbm>> -> memref<128x256xf32, #tpu.memory_space<hbm>>
      %dma_start3A_192 = tpu.memref_slice %arg4[%add3A_82, %mul3A_90] : memref<8192x2048xf32, #tpu.memory_space<hbm>> -> memref<128x256xf32, #tpu.memory_space<hbm>>
      tpu.enqueue_dma source(%arg6 : memref<128x256xf32, #tpu.memory_space<vmem>>) target(%dma_start3A_192 : memref<128x256xf32, #tpu.memory_space<hbm>>) target_semaphore(%run_scoped3A : memref<!tpu.dma_semaphore, #tpu.memory_space<semaphore_mem>>)
      %dma_wait3A_193 = tpu.memref_slice %arg4[%add3A_82, %mul3A_90] : memref<8192x2048xf32, #tpu.memory_space<hbm>> -> memref<128x256xf32, #tpu.memory_space<hbm>>
      %dma_wait3A_194 = tpu.memref_slice %arg4[%add3A_82, %mul3A_90] : memref<8192x2048xf32, #tpu.memory_space<hbm>> -> memref<128x256xf32, #tpu.memory_space<hbm>>
      tpu.wait_dma2 semaphore(%run_scoped3A : memref<!tpu.dma_semaphore, #tpu.memory_space<semaphore_mem>>) src(%arg6 : memref<128x256xf32, #tpu.memory_space<vmem>>) dst(%dma_wait3A_194 : memref<128x256xf32, #tpu.memory_space<hbm>>)
      tpu.yield
    }) : () -> ()
    %add3A_91 = arith.constant 768 : i32
    %add3A_92 = arith.addi %mul3A_32, %add3A_91 : i32
    "tpu.region"() ({
      %run_scoped3A = tpu.sem_alloc : memref<!tpu.dma_semaphore, #tpu.memory_space<semaphore_mem>>
      %dma_start3A_191 = tpu.memref_slice %arg3[%select_n3A_9, %add3A_92] : memref<8x8192xi32, #tpu.memory_space<hbm>> -> memref<1x128xi32, #tpu.memory_space<hbm>>
      %dma_start3A_192 = tpu.memref_squeeze %dma_start3A_191 : memref<1x128xi32, #tpu.memory_space<hbm>> -> memref<128xi32, #tpu.memory_space<hbm>>
      %dma_start3A_193 = tpu.memref_slice %arg3[%select_n3A_9, %add3A_92] : memref<8x8192xi32, #tpu.memory_space<hbm>> -> memref<1x128xi32, #tpu.memory_space<hbm>>
      %dma_start3A_194 = tpu.memref_squeeze %dma_start3A_193 : memref<1x128xi32, #tpu.memory_space<hbm>> -> memref<128xi32, #tpu.memory_space<hbm>>
      tpu.enqueue_dma source(%dma_start3A_194 : memref<128xi32, #tpu.memory_space<hbm>>) target(%arg5 : memref<128xi32, #tpu.memory_space<vmem>>) target_semaphore(%run_scoped3A : memref<!tpu.dma_semaphore, #tpu.memory_space<semaphore_mem>>)
      %dma_wait3A_195 = tpu.memref_slice %arg3[%select_n3A_9, %add3A_92] : memref<8x8192xi32, #tpu.memory_space<hbm>> -> memref<1x128xi32, #tpu.memory_space<hbm>>
      %dma_wait3A_196 = tpu.memref_squeeze %dma_wait3A_195 : memref<1x128xi32, #tpu.memory_space<hbm>> -> memref<128xi32, #tpu.memory_space<hbm>>
      %dma_wait3A_197 = tpu.memref_slice %arg3[%select_n3A_9, %add3A_92] : memref<8x8192xi32, #tpu.memory_space<hbm>> -> memref<1x128xi32, #tpu.memory_space<hbm>>
      %dma_wait3A_198 = tpu.memref_squeeze %dma_wait3A_197 : memref<1x128xi32, #tpu.memory_space<hbm>> -> memref<128xi32, #tpu.memory_space<hbm>>
      tpu.wait_dma2 semaphore(%run_scoped3A : memref<!tpu.dma_semaphore, #tpu.memory_space<semaphore_mem>>) src(%dma_wait3A_198 : memref<128xi32, #tpu.memory_space<hbm>>) dst(%arg5 : memref<128xi32, #tpu.memory_space<vmem>>)
      tpu.yield
    }) : () -> ()
    %dma_start3A_93 = arith.constant 0 : i32
    %dma_start3A_94 = arith.constant 0 : i32
    %dma_start3A_95 = tpu.memref_slice %arg2[%dma_start3A_93, %dma_start3A_94] : memref<8192x256xf32, #tpu.memory_space<hbm>> -> memref<8192x256xf32, #tpu.memory_space<hbm>>
    tpu.enqueue_indirect_dma source(%dma_start3A_95 : memref<8192x256xf32, #tpu.memory_space<hbm>>) target(%arg6 : memref<128x256xf32, #tpu.memory_space<vmem>>) offsets(%arg5 : memref<128xi32, #tpu.memory_space<vmem>>) semaphore(%arg7 : memref<!tpu.dma_semaphore, #tpu.memory_space<semaphore_mem>>)
    %dma_wait3A_96 = arith.constant 0 : i32
    %dma_wait3A_97 = arith.constant 0 : i32
    %dma_wait3A_98 = tpu.memref_slice %arg2[%dma_wait3A_96, %dma_wait3A_97] : memref<8192x256xf32, #tpu.memory_space<hbm>> -> memref<8192x256xf32, #tpu.memory_space<hbm>>
    tpu.wait_indirect_dma semaphore(%arg7 : memref<!tpu.dma_semaphore, #tpu.memory_space<semaphore_mem>>) src(%dma_wait3A_98 : memref<8192x256xf32, #tpu.memory_space<hbm>>) dst(%arg6 : memref<128x256xf32, #tpu.memory_space<vmem>>)
    %mul3A_99 = arith.constant 256 : i32
    %mul3A_100 = arith.muli %select_n3A_9, %mul3A_99 : i32
    "tpu.region"() ({
      %run_scoped3A = tpu.sem_alloc : memref<!tpu.dma_semaphore, #tpu.memory_space<semaphore_mem>>
      %dma_start3A_191 = tpu.memref_slice %arg4[%add3A_92, %mul3A_100] : memref<8192x2048xf32, #tpu.memory_space<hbm>> -> memref<128x256xf32, #tpu.memory_space<hbm>>
      %dma_start3A_192 = tpu.memref_slice %arg4[%add3A_92, %mul3A_100] : memref<8192x2048xf32, #tpu.memory_space<hbm>> -> memref<128x256xf32, #tpu.memory_space<hbm>>
      tpu.enqueue_dma source(%arg6 : memref<128x256xf32, #tpu.memory_space<vmem>>) target(%dma_start3A_192 : memref<128x256xf32, #tpu.memory_space<hbm>>) target_semaphore(%run_scoped3A : memref<!tpu.dma_semaphore, #tpu.memory_space<semaphore_mem>>)
      %dma_wait3A_193 = tpu.memref_slice %arg4[%add3A_92, %mul3A_100] : memref<8192x2048xf32, #tpu.memory_space<hbm>> -> memref<128x256xf32, #tpu.memory_space<hbm>>
      %dma_wait3A_194 = tpu.memref_slice %arg4[%add3A_92, %mul3A_100] : memref<8192x2048xf32, #tpu.memory_space<hbm>> -> memref<128x256xf32, #tpu.memory_space<hbm>>
      tpu.wait_dma2 semaphore(%run_scoped3A : memref<!tpu.dma_semaphore, #tpu.memory_space<semaphore_mem>>) src(%arg6 : memref<128x256xf32, #tpu.memory_space<vmem>>) dst(%dma_wait3A_194 : memref<128x256xf32, #tpu.memory_space<hbm>>)
      tpu.yield
    }) : () -> ()
    %add3A_101 = arith.constant 896 : i32
    %add3A_102 = arith.addi %mul3A_32, %add3A_101 : i32
    "tpu.region"() ({
      %run_scoped3A = tpu.sem_alloc : memref<!tpu.dma_semaphore, #tpu.memory_space<semaphore_mem>>
      %dma_start3A_191 = tpu.memref_slice %arg3[%select_n3A_9, %add3A_102] : memref<8x8192xi32, #tpu.memory_space<hbm>> -> memref<1x128xi32, #tpu.memory_space<hbm>>
      %dma_start3A_192 = tpu.memref_squeeze %dma_start3A_191 : memref<1x128xi32, #tpu.memory_space<hbm>> -> memref<128xi32, #tpu.memory_space<hbm>>
      %dma_start3A_193 = tpu.memref_slice %arg3[%select_n3A_9, %add3A_102] : memref<8x8192xi32, #tpu.memory_space<hbm>> -> memref<1x128xi32, #tpu.memory_space<hbm>>
      %dma_start3A_194 = tpu.memref_squeeze %dma_start3A_193 : memref<1x128xi32, #tpu.memory_space<hbm>> -> memref<128xi32, #tpu.memory_space<hbm>>
      tpu.enqueue_dma source(%dma_start3A_194 : memref<128xi32, #tpu.memory_space<hbm>>) target(%arg5 : memref<128xi32, #tpu.memory_space<vmem>>) target_semaphore(%run_scoped3A : memref<!tpu.dma_semaphore, #tpu.memory_space<semaphore_mem>>)
      %dma_wait3A_195 = tpu.memref_slice %arg3[%select_n3A_9, %add3A_102] : memref<8x8192xi32, #tpu.memory_space<hbm>> -> memref<1x128xi32, #tpu.memory_space<hbm>>
      %dma_wait3A_196 = tpu.memref_squeeze %dma_wait3A_195 : memref<1x128xi32, #tpu.memory_space<hbm>> -> memref<128xi32, #tpu.memory_space<hbm>>
      %dma_wait3A_197 = tpu.memref_slice %arg3[%select_n3A_9, %add3A_102] : memref<8x8192xi32, #tpu.memory_space<hbm>> -> memref<1x128xi32, #tpu.memory_space<hbm>>
      %dma_wait3A_198 = tpu.memref_squeeze %dma_wait3A_197 : memref<1x128xi32, #tpu.memory_space<hbm>> -> memref<128xi32, #tpu.memory_space<hbm>>
      tpu.wait_dma2 semaphore(%run_scoped3A : memref<!tpu.dma_semaphore, #tpu.memory_space<semaphore_mem>>) src(%dma_wait3A_198 : memref<128xi32, #tpu.memory_space<hbm>>) dst(%arg5 : memref<128xi32, #tpu.memory_space<vmem>>)
      tpu.yield
    }) : () -> ()
    %dma_start3A_103 = arith.constant 0 : i32
    %dma_start3A_104 = arith.constant 0 : i32
    %dma_start3A_105 = tpu.memref_slice %arg2[%dma_start3A_103, %dma_start3A_104] : memref<8192x256xf32, #tpu.memory_space<hbm>> -> memref<8192x256xf32, #tpu.memory_space<hbm>>
    tpu.enqueue_indirect_dma source(%dma_start3A_105 : memref<8192x256xf32, #tpu.memory_space<hbm>>) target(%arg6 : memref<128x256xf32, #tpu.memory_space<vmem>>) offsets(%arg5 : memref<128xi32, #tpu.memory_space<vmem>>) semaphore(%arg7 : memref<!tpu.dma_semaphore, #tpu.memory_space<semaphore_mem>>)
    %dma_wait3A_106 = arith.constant 0 : i32
    %dma_wait3A_107 = arith.constant 0 : i32
    %dma_wait3A_108 = tpu.memref_slice %arg2[%dma_wait3A_106, %dma_wait3A_107] : memref<8192x256xf32, #tpu.memory_space<hbm>> -> memref<8192x256xf32, #tpu.memory_space<hbm>>
    tpu.wait_indirect_dma semaphore(%arg7 : memref<!tpu.dma_semaphore, #tpu.memory_space<semaphore_mem>>) src(%dma_wait3A_108 : memref<8192x256xf32, #tpu.memory_space<hbm>>) dst(%arg6 : memref<128x256xf32, #tpu.memory_space<vmem>>)
    %mul3A_109 = arith.constant 256 : i32
    %mul3A_110 = arith.muli %select_n3A_9, %mul3A_109 : i32
    "tpu.region"() ({
      %run_scoped3A = tpu.sem_alloc : memref<!tpu.dma_semaphore, #tpu.memory_space<semaphore_mem>>
      %dma_start3A_191 = tpu.memref_slice %arg4[%add3A_102, %mul3A_110] : memref<8192x2048xf32, #tpu.memory_space<hbm>> -> memref<128x256xf32, #tpu.memory_space<hbm>>
      %dma_start3A_192 = tpu.memref_slice %arg4[%add3A_102, %mul3A_110] : memref<8192x2048xf32, #tpu.memory_space<hbm>> -> memref<128x256xf32, #tpu.memory_space<hbm>>
      tpu.enqueue_dma source(%arg6 : memref<128x256xf32, #tpu.memory_space<vmem>>) target(%dma_start3A_192 : memref<128x256xf32, #tpu.memory_space<hbm>>) target_semaphore(%run_scoped3A : memref<!tpu.dma_semaphore, #tpu.memory_space<semaphore_mem>>)
      %dma_wait3A_193 = tpu.memref_slice %arg4[%add3A_102, %mul3A_110] : memref<8192x2048xf32, #tpu.memory_space<hbm>> -> memref<128x256xf32, #tpu.memory_space<hbm>>
      %dma_wait3A_194 = tpu.memref_slice %arg4[%add3A_102, %mul3A_110] : memref<8192x2048xf32, #tpu.memory_space<hbm>> -> memref<128x256xf32, #tpu.memory_space<hbm>>
      tpu.wait_dma2 semaphore(%run_scoped3A : memref<!tpu.dma_semaphore, #tpu.memory_space<semaphore_mem>>) src(%arg6 : memref<128x256xf32, #tpu.memory_space<vmem>>) dst(%dma_wait3A_194 : memref<128x256xf32, #tpu.memory_space<hbm>>)
      tpu.yield
    }) : () -> ()
    %add3A_111 = arith.constant 1024 : i32
    %add3A_112 = arith.addi %mul3A_32, %add3A_111 : i32
    "tpu.region"() ({
      %run_scoped3A = tpu.sem_alloc : memref<!tpu.dma_semaphore, #tpu.memory_space<semaphore_mem>>
      %dma_start3A_191 = tpu.memref_slice %arg3[%select_n3A_9, %add3A_112] : memref<8x8192xi32, #tpu.memory_space<hbm>> -> memref<1x128xi32, #tpu.memory_space<hbm>>
      %dma_start3A_192 = tpu.memref_squeeze %dma_start3A_191 : memref<1x128xi32, #tpu.memory_space<hbm>> -> memref<128xi32, #tpu.memory_space<hbm>>
      %dma_start3A_193 = tpu.memref_slice %arg3[%select_n3A_9, %add3A_112] : memref<8x8192xi32, #tpu.memory_space<hbm>> -> memref<1x128xi32, #tpu.memory_space<hbm>>
      %dma_start3A_194 = tpu.memref_squeeze %dma_start3A_193 : memref<1x128xi32, #tpu.memory_space<hbm>> -> memref<128xi32, #tpu.memory_space<hbm>>
      tpu.enqueue_dma source(%dma_start3A_194 : memref<128xi32, #tpu.memory_space<hbm>>) target(%arg5 : memref<128xi32, #tpu.memory_space<vmem>>) target_semaphore(%run_scoped3A : memref<!tpu.dma_semaphore, #tpu.memory_space<semaphore_mem>>)
      %dma_wait3A_195 = tpu.memref_slice %arg3[%select_n3A_9, %add3A_112] : memref<8x8192xi32, #tpu.memory_space<hbm>> -> memref<1x128xi32, #tpu.memory_space<hbm>>
      %dma_wait3A_196 = tpu.memref_squeeze %dma_wait3A_195 : memref<1x128xi32, #tpu.memory_space<hbm>> -> memref<128xi32, #tpu.memory_space<hbm>>
      %dma_wait3A_197 = tpu.memref_slice %arg3[%select_n3A_9, %add3A_112] : memref<8x8192xi32, #tpu.memory_space<hbm>> -> memref<1x128xi32, #tpu.memory_space<hbm>>
      %dma_wait3A_198 = tpu.memref_squeeze %dma_wait3A_197 : memref<1x128xi32, #tpu.memory_space<hbm>> -> memref<128xi32, #tpu.memory_space<hbm>>
      tpu.wait_dma2 semaphore(%run_scoped3A : memref<!tpu.dma_semaphore, #tpu.memory_space<semaphore_mem>>) src(%dma_wait3A_198 : memref<128xi32, #tpu.memory_space<hbm>>) dst(%arg5 : memref<128xi32, #tpu.memory_space<vmem>>)
      tpu.yield
    }) : () -> ()
    %dma_start3A_113 = arith.constant 0 : i32
    %dma_start3A_114 = arith.constant 0 : i32
    %dma_start3A_115 = tpu.memref_slice %arg2[%dma_start3A_113, %dma_start3A_114] : memref<8192x256xf32, #tpu.memory_space<hbm>> -> memref<8192x256xf32, #tpu.memory_space<hbm>>
    tpu.enqueue_indirect_dma source(%dma_start3A_115 : memref<8192x256xf32, #tpu.memory_space<hbm>>) target(%arg6 : memref<128x256xf32, #tpu.memory_space<vmem>>) offsets(%arg5 : memref<128xi32, #tpu.memory_space<vmem>>) semaphore(%arg7 : memref<!tpu.dma_semaphore, #tpu.memory_space<semaphore_mem>>)
    %dma_wait3A_116 = arith.constant 0 : i32
    %dma_wait3A_117 = arith.constant 0 : i32
    %dma_wait3A_118 = tpu.memref_slice %arg2[%dma_wait3A_116, %dma_wait3A_117] : memref<8192x256xf32, #tpu.memory_space<hbm>> -> memref<8192x256xf32, #tpu.memory_space<hbm>>
    tpu.wait_indirect_dma semaphore(%arg7 : memref<!tpu.dma_semaphore, #tpu.memory_space<semaphore_mem>>) src(%dma_wait3A_118 : memref<8192x256xf32, #tpu.memory_space<hbm>>) dst(%arg6 : memref<128x256xf32, #tpu.memory_space<vmem>>)
    %mul3A_119 = arith.constant 256 : i32
    %mul3A_120 = arith.muli %select_n3A_9, %mul3A_119 : i32
    "tpu.region"() ({
      %run_scoped3A = tpu.sem_alloc : memref<!tpu.dma_semaphore, #tpu.memory_space<semaphore_mem>>
      %dma_start3A_191 = tpu.memref_slice %arg4[%add3A_112, %mul3A_120] : memref<8192x2048xf32, #tpu.memory_space<hbm>> -> memref<128x256xf32, #tpu.memory_space<hbm>>
      %dma_start3A_192 = tpu.memref_slice %arg4[%add3A_112, %mul3A_120] : memref<8192x2048xf32, #tpu.memory_space<hbm>> -> memref<128x256xf32, #tpu.memory_space<hbm>>
      tpu.enqueue_dma source(%arg6 : memref<128x256xf32, #tpu.memory_space<vmem>>) target(%dma_start3A_192 : memref<128x256xf32, #tpu.memory_space<hbm>>) target_semaphore(%run_scoped3A : memref<!tpu.dma_semaphore, #tpu.memory_space<semaphore_mem>>)
      %dma_wait3A_193 = tpu.memref_slice %arg4[%add3A_112, %mul3A_120] : memref<8192x2048xf32, #tpu.memory_space<hbm>> -> memref<128x256xf32, #tpu.memory_space<hbm>>
      %dma_wait3A_194 = tpu.memref_slice %arg4[%add3A_112, %mul3A_120] : memref<8192x2048xf32, #tpu.memory_space<hbm>> -> memref<128x256xf32, #tpu.memory_space<hbm>>
      tpu.wait_dma2 semaphore(%run_scoped3A : memref<!tpu.dma_semaphore, #tpu.memory_space<semaphore_mem>>) src(%arg6 : memref<128x256xf32, #tpu.memory_space<vmem>>) dst(%dma_wait3A_194 : memref<128x256xf32, #tpu.memory_space<hbm>>)
      tpu.yield
    }) : () -> ()
    %add3A_121 = arith.constant 1152 : i32
    %add3A_122 = arith.addi %mul3A_32, %add3A_121 : i32
    "tpu.region"() ({
      %run_scoped3A = tpu.sem_alloc : memref<!tpu.dma_semaphore, #tpu.memory_space<semaphore_mem>>
      %dma_start3A_191 = tpu.memref_slice %arg3[%select_n3A_9, %add3A_122] : memref<8x8192xi32, #tpu.memory_space<hbm>> -> memref<1x128xi32, #tpu.memory_space<hbm>>
      %dma_start3A_192 = tpu.memref_squeeze %dma_start3A_191 : memref<1x128xi32, #tpu.memory_space<hbm>> -> memref<128xi32, #tpu.memory_space<hbm>>
      %dma_start3A_193 = tpu.memref_slice %arg3[%select_n3A_9, %add3A_122] : memref<8x8192xi32, #tpu.memory_space<hbm>> -> memref<1x128xi32, #tpu.memory_space<hbm>>
      %dma_start3A_194 = tpu.memref_squeeze %dma_start3A_193 : memref<1x128xi32, #tpu.memory_space<hbm>> -> memref<128xi32, #tpu.memory_space<hbm>>
      tpu.enqueue_dma source(%dma_start3A_194 : memref<128xi32, #tpu.memory_space<hbm>>) target(%arg5 : memref<128xi32, #tpu.memory_space<vmem>>) target_semaphore(%run_scoped3A : memref<!tpu.dma_semaphore, #tpu.memory_space<semaphore_mem>>)
      %dma_wait3A_195 = tpu.memref_slice %arg3[%select_n3A_9, %add3A_122] : memref<8x8192xi32, #tpu.memory_space<hbm>> -> memref<1x128xi32, #tpu.memory_space<hbm>>
      %dma_wait3A_196 = tpu.memref_squeeze %dma_wait3A_195 : memref<1x128xi32, #tpu.memory_space<hbm>> -> memref<128xi32, #tpu.memory_space<hbm>>
      %dma_wait3A_197 = tpu.memref_slice %arg3[%select_n3A_9, %add3A_122] : memref<8x8192xi32, #tpu.memory_space<hbm>> -> memref<1x128xi32, #tpu.memory_space<hbm>>
      %dma_wait3A_198 = tpu.memref_squeeze %dma_wait3A_197 : memref<1x128xi32, #tpu.memory_space<hbm>> -> memref<128xi32, #tpu.memory_space<hbm>>
      tpu.wait_dma2 semaphore(%run_scoped3A : memref<!tpu.dma_semaphore, #tpu.memory_space<semaphore_mem>>) src(%dma_wait3A_198 : memref<128xi32, #tpu.memory_space<hbm>>) dst(%arg5 : memref<128xi32, #tpu.memory_space<vmem>>)
      tpu.yield
    }) : () -> ()
    %dma_start3A_123 = arith.constant 0 : i32
    %dma_start3A_124 = arith.constant 0 : i32
    %dma_start3A_125 = tpu.memref_slice %arg2[%dma_start3A_123, %dma_start3A_124] : memref<8192x256xf32, #tpu.memory_space<hbm>> -> memref<8192x256xf32, #tpu.memory_space<hbm>>
    tpu.enqueue_indirect_dma source(%dma_start3A_125 : memref<8192x256xf32, #tpu.memory_space<hbm>>) target(%arg6 : memref<128x256xf32, #tpu.memory_space<vmem>>) offsets(%arg5 : memref<128xi32, #tpu.memory_space<vmem>>) semaphore(%arg7 : memref<!tpu.dma_semaphore, #tpu.memory_space<semaphore_mem>>)
    %dma_wait3A_126 = arith.constant 0 : i32
    %dma_wait3A_127 = arith.constant 0 : i32
    %dma_wait3A_128 = tpu.memref_slice %arg2[%dma_wait3A_126, %dma_wait3A_127] : memref<8192x256xf32, #tpu.memory_space<hbm>> -> memref<8192x256xf32, #tpu.memory_space<hbm>>
    tpu.wait_indirect_dma semaphore(%arg7 : memref<!tpu.dma_semaphore, #tpu.memory_space<semaphore_mem>>) src(%dma_wait3A_128 : memref<8192x256xf32, #tpu.memory_space<hbm>>) dst(%arg6 : memref<128x256xf32, #tpu.memory_space<vmem>>)
    %mul3A_129 = arith.constant 256 : i32
    %mul3A_130 = arith.muli %select_n3A_9, %mul3A_129 : i32
    "tpu.region"() ({
      %run_scoped3A = tpu.sem_alloc : memref<!tpu.dma_semaphore, #tpu.memory_space<semaphore_mem>>
      %dma_start3A_191 = tpu.memref_slice %arg4[%add3A_122, %mul3A_130] : memref<8192x2048xf32, #tpu.memory_space<hbm>> -> memref<128x256xf32, #tpu.memory_space<hbm>>
      %dma_start3A_192 = tpu.memref_slice %arg4[%add3A_122, %mul3A_130] : memref<8192x2048xf32, #tpu.memory_space<hbm>> -> memref<128x256xf32, #tpu.memory_space<hbm>>
      tpu.enqueue_dma source(%arg6 : memref<128x256xf32, #tpu.memory_space<vmem>>) target(%dma_start3A_192 : memref<128x256xf32, #tpu.memory_space<hbm>>) target_semaphore(%run_scoped3A : memref<!tpu.dma_semaphore, #tpu.memory_space<semaphore_mem>>)
      %dma_wait3A_193 = tpu.memref_slice %arg4[%add3A_122, %mul3A_130] : memref<8192x2048xf32, #tpu.memory_space<hbm>> -> memref<128x256xf32, #tpu.memory_space<hbm>>
      %dma_wait3A_194 = tpu.memref_slice %arg4[%add3A_122, %mul3A_130] : memref<8192x2048xf32, #tpu.memory_space<hbm>> -> memref<128x256xf32, #tpu.memory_space<hbm>>
      tpu.wait_dma2 semaphore(%run_scoped3A : memref<!tpu.dma_semaphore, #tpu.memory_space<semaphore_mem>>) src(%arg6 : memref<128x256xf32, #tpu.memory_space<vmem>>) dst(%dma_wait3A_194 : memref<128x256xf32, #tpu.memory_space<hbm>>)
      tpu.yield
    }) : () -> ()
    %add3A_131 = arith.constant 1280 : i32
    %add3A_132 = arith.addi %mul3A_32, %add3A_131 : i32
    "tpu.region"() ({
      %run_scoped3A = tpu.sem_alloc : memref<!tpu.dma_semaphore, #tpu.memory_space<semaphore_mem>>
      %dma_start3A_191 = tpu.memref_slice %arg3[%select_n3A_9, %add3A_132] : memref<8x8192xi32, #tpu.memory_space<hbm>> -> memref<1x128xi32, #tpu.memory_space<hbm>>
      %dma_start3A_192 = tpu.memref_squeeze %dma_start3A_191 : memref<1x128xi32, #tpu.memory_space<hbm>> -> memref<128xi32, #tpu.memory_space<hbm>>
      %dma_start3A_193 = tpu.memref_slice %arg3[%select_n3A_9, %add3A_132] : memref<8x8192xi32, #tpu.memory_space<hbm>> -> memref<1x128xi32, #tpu.memory_space<hbm>>
      %dma_start3A_194 = tpu.memref_squeeze %dma_start3A_193 : memref<1x128xi32, #tpu.memory_space<hbm>> -> memref<128xi32, #tpu.memory_space<hbm>>
      tpu.enqueue_dma source(%dma_start3A_194 : memref<128xi32, #tpu.memory_space<hbm>>) target(%arg5 : memref<128xi32, #tpu.memory_space<vmem>>) target_semaphore(%run_scoped3A : memref<!tpu.dma_semaphore, #tpu.memory_space<semaphore_mem>>)
      %dma_wait3A_195 = tpu.memref_slice %arg3[%select_n3A_9, %add3A_132] : memref<8x8192xi32, #tpu.memory_space<hbm>> -> memref<1x128xi32, #tpu.memory_space<hbm>>
      %dma_wait3A_196 = tpu.memref_squeeze %dma_wait3A_195 : memref<1x128xi32, #tpu.memory_space<hbm>> -> memref<128xi32, #tpu.memory_space<hbm>>
      %dma_wait3A_197 = tpu.memref_slice %arg3[%select_n3A_9, %add3A_132] : memref<8x8192xi32, #tpu.memory_space<hbm>> -> memref<1x128xi32, #tpu.memory_space<hbm>>
      %dma_wait3A_198 = tpu.memref_squeeze %dma_wait3A_197 : memref<1x128xi32, #tpu.memory_space<hbm>> -> memref<128xi32, #tpu.memory_space<hbm>>
      tpu.wait_dma2 semaphore(%run_scoped3A : memref<!tpu.dma_semaphore, #tpu.memory_space<semaphore_mem>>) src(%dma_wait3A_198 : memref<128xi32, #tpu.memory_space<hbm>>) dst(%arg5 : memref<128xi32, #tpu.memory_space<vmem>>)
      tpu.yield
    }) : () -> ()
    %dma_start3A_133 = arith.constant 0 : i32
    %dma_start3A_134 = arith.constant 0 : i32
    %dma_start3A_135 = tpu.memref_slice %arg2[%dma_start3A_133, %dma_start3A_134] : memref<8192x256xf32, #tpu.memory_space<hbm>> -> memref<8192x256xf32, #tpu.memory_space<hbm>>
    tpu.enqueue_indirect_dma source(%dma_start3A_135 : memref<8192x256xf32, #tpu.memory_space<hbm>>) target(%arg6 : memref<128x256xf32, #tpu.memory_space<vmem>>) offsets(%arg5 : memref<128xi32, #tpu.memory_space<vmem>>) semaphore(%arg7 : memref<!tpu.dma_semaphore, #tpu.memory_space<semaphore_mem>>)
    %dma_wait3A_136 = arith.constant 0 : i32
    %dma_wait3A_137 = arith.constant 0 : i32
    %dma_wait3A_138 = tpu.memref_slice %arg2[%dma_wait3A_136, %dma_wait3A_137] : memref<8192x256xf32, #tpu.memory_space<hbm>> -> memref<8192x256xf32, #tpu.memory_space<hbm>>
    tpu.wait_indirect_dma semaphore(%arg7 : memref<!tpu.dma_semaphore, #tpu.memory_space<semaphore_mem>>) src(%dma_wait3A_138 : memref<8192x256xf32, #tpu.memory_space<hbm>>) dst(%arg6 : memref<128x256xf32, #tpu.memory_space<vmem>>)
    %mul3A_139 = arith.constant 256 : i32
    %mul3A_140 = arith.muli %select_n3A_9, %mul3A_139 : i32
    "tpu.region"() ({
      %run_scoped3A = tpu.sem_alloc : memref<!tpu.dma_semaphore, #tpu.memory_space<semaphore_mem>>
      %dma_start3A_191 = tpu.memref_slice %arg4[%add3A_132, %mul3A_140] : memref<8192x2048xf32, #tpu.memory_space<hbm>> -> memref<128x256xf32, #tpu.memory_space<hbm>>
      %dma_start3A_192 = tpu.memref_slice %arg4[%add3A_132, %mul3A_140] : memref<8192x2048xf32, #tpu.memory_space<hbm>> -> memref<128x256xf32, #tpu.memory_space<hbm>>
      tpu.enqueue_dma source(%arg6 : memref<128x256xf32, #tpu.memory_space<vmem>>) target(%dma_start3A_192 : memref<128x256xf32, #tpu.memory_space<hbm>>) target_semaphore(%run_scoped3A : memref<!tpu.dma_semaphore, #tpu.memory_space<semaphore_mem>>)
      %dma_wait3A_193 = tpu.memref_slice %arg4[%add3A_132, %mul3A_140] : memref<8192x2048xf32, #tpu.memory_space<hbm>> -> memref<128x256xf32, #tpu.memory_space<hbm>>
      %dma_wait3A_194 = tpu.memref_slice %arg4[%add3A_132, %mul3A_140] : memref<8192x2048xf32, #tpu.memory_space<hbm>> -> memref<128x256xf32, #tpu.memory_space<hbm>>
      tpu.wait_dma2 semaphore(%run_scoped3A : memref<!tpu.dma_semaphore, #tpu.memory_space<semaphore_mem>>) src(%arg6 : memref<128x256xf32, #tpu.memory_space<vmem>>) dst(%dma_wait3A_194 : memref<128x256xf32, #tpu.memory_space<hbm>>)
      tpu.yield
    }) : () -> ()
    %add3A_141 = arith.constant 1408 : i32
    %add3A_142 = arith.addi %mul3A_32, %add3A_141 : i32
    "tpu.region"() ({
      %run_scoped3A = tpu.sem_alloc : memref<!tpu.dma_semaphore, #tpu.memory_space<semaphore_mem>>
      %dma_start3A_191 = tpu.memref_slice %arg3[%select_n3A_9, %add3A_142] : memref<8x8192xi32, #tpu.memory_space<hbm>> -> memref<1x128xi32, #tpu.memory_space<hbm>>
      %dma_start3A_192 = tpu.memref_squeeze %dma_start3A_191 : memref<1x128xi32, #tpu.memory_space<hbm>> -> memref<128xi32, #tpu.memory_space<hbm>>
      %dma_start3A_193 = tpu.memref_slice %arg3[%select_n3A_9, %add3A_142] : memref<8x8192xi32, #tpu.memory_space<hbm>> -> memref<1x128xi32, #tpu.memory_space<hbm>>
      %dma_start3A_194 = tpu.memref_squeeze %dma_start3A_193 : memref<1x128xi32, #tpu.memory_space<hbm>> -> memref<128xi32, #tpu.memory_space<hbm>>
      tpu.enqueue_dma source(%dma_start3A_194 : memref<128xi32, #tpu.memory_space<hbm>>) target(%arg5 : memref<128xi32, #tpu.memory_space<vmem>>) target_semaphore(%run_scoped3A : memref<!tpu.dma_semaphore, #tpu.memory_space<semaphore_mem>>)
      %dma_wait3A_195 = tpu.memref_slice %arg3[%select_n3A_9, %add3A_142] : memref<8x8192xi32, #tpu.memory_space<hbm>> -> memref<1x128xi32, #tpu.memory_space<hbm>>
      %dma_wait3A_196 = tpu.memref_squeeze %dma_wait3A_195 : memref<1x128xi32, #tpu.memory_space<hbm>> -> memref<128xi32, #tpu.memory_space<hbm>>
      %dma_wait3A_197 = tpu.memref_slice %arg3[%select_n3A_9, %add3A_142] : memref<8x8192xi32, #tpu.memory_space<hbm>> -> memref<1x128xi32, #tpu.memory_space<hbm>>
      %dma_wait3A_198 = tpu.memref_squeeze %dma_wait3A_197 : memref<1x128xi32, #tpu.memory_space<hbm>> -> memref<128xi32, #tpu.memory_space<hbm>>
      tpu.wait_dma2 semaphore(%run_scoped3A : memref<!tpu.dma_semaphore, #tpu.memory_space<semaphore_mem>>) src(%dma_wait3A_198 : memref<128xi32, #tpu.memory_space<hbm>>) dst(%arg5 : memref<128xi32, #tpu.memory_space<vmem>>)
      tpu.yield
    }) : () -> ()
    %dma_start3A_143 = arith.constant 0 : i32
    %dma_start3A_144 = arith.constant 0 : i32
    %dma_start3A_145 = tpu.memref_slice %arg2[%dma_start3A_143, %dma_start3A_144] : memref<8192x256xf32, #tpu.memory_space<hbm>> -> memref<8192x256xf32, #tpu.memory_space<hbm>>
    tpu.enqueue_indirect_dma source(%dma_start3A_145 : memref<8192x256xf32, #tpu.memory_space<hbm>>) target(%arg6 : memref<128x256xf32, #tpu.memory_space<vmem>>) offsets(%arg5 : memref<128xi32, #tpu.memory_space<vmem>>) semaphore(%arg7 : memref<!tpu.dma_semaphore, #tpu.memory_space<semaphore_mem>>)
    %dma_wait3A_146 = arith.constant 0 : i32
    %dma_wait3A_147 = arith.constant 0 : i32
    %dma_wait3A_148 = tpu.memref_slice %arg2[%dma_wait3A_146, %dma_wait3A_147] : memref<8192x256xf32, #tpu.memory_space<hbm>> -> memref<8192x256xf32, #tpu.memory_space<hbm>>
    tpu.wait_indirect_dma semaphore(%arg7 : memref<!tpu.dma_semaphore, #tpu.memory_space<semaphore_mem>>) src(%dma_wait3A_148 : memref<8192x256xf32, #tpu.memory_space<hbm>>) dst(%arg6 : memref<128x256xf32, #tpu.memory_space<vmem>>)
    %mul3A_149 = arith.constant 256 : i32
    %mul3A_150 = arith.muli %select_n3A_9, %mul3A_149 : i32
    "tpu.region"() ({
      %run_scoped3A = tpu.sem_alloc : memref<!tpu.dma_semaphore, #tpu.memory_space<semaphore_mem>>
      %dma_start3A_191 = tpu.memref_slice %arg4[%add3A_142, %mul3A_150] : memref<8192x2048xf32, #tpu.memory_space<hbm>> -> memref<128x256xf32, #tpu.memory_space<hbm>>
      %dma_start3A_192 = tpu.memref_slice %arg4[%add3A_142, %mul3A_150] : memref<8192x2048xf32, #tpu.memory_space<hbm>> -> memref<128x256xf32, #tpu.memory_space<hbm>>
      tpu.enqueue_dma source(%arg6 : memref<128x256xf32, #tpu.memory_space<vmem>>) target(%dma_start3A_192 : memref<128x256xf32, #tpu.memory_space<hbm>>) target_semaphore(%run_scoped3A : memref<!tpu.dma_semaphore, #tpu.memory_space<semaphore_mem>>)
      %dma_wait3A_193 = tpu.memref_slice %arg4[%add3A_142, %mul3A_150] : memref<8192x2048xf32, #tpu.memory_space<hbm>> -> memref<128x256xf32, #tpu.memory_space<hbm>>
      %dma_wait3A_194 = tpu.memref_slice %arg4[%add3A_142, %mul3A_150] : memref<8192x2048xf32, #tpu.memory_space<hbm>> -> memref<128x256xf32, #tpu.memory_space<hbm>>
      tpu.wait_dma2 semaphore(%run_scoped3A : memref<!tpu.dma_semaphore, #tpu.memory_space<semaphore_mem>>) src(%arg6 : memref<128x256xf32, #tpu.memory_space<vmem>>) dst(%dma_wait3A_194 : memref<128x256xf32, #tpu.memory_space<hbm>>)
      tpu.yield
    }) : () -> ()
    %add3A_151 = arith.constant 1536 : i32
    %add3A_152 = arith.addi %mul3A_32, %add3A_151 : i32
    "tpu.region"() ({
      %run_scoped3A = tpu.sem_alloc : memref<!tpu.dma_semaphore, #tpu.memory_space<semaphore_mem>>
      %dma_start3A_191 = tpu.memref_slice %arg3[%select_n3A_9, %add3A_152] : memref<8x8192xi32, #tpu.memory_space<hbm>> -> memref<1x128xi32, #tpu.memory_space<hbm>>
      %dma_start3A_192 = tpu.memref_squeeze %dma_start3A_191 : memref<1x128xi32, #tpu.memory_space<hbm>> -> memref<128xi32, #tpu.memory_space<hbm>>
      %dma_start3A_193 = tpu.memref_slice %arg3[%select_n3A_9, %add3A_152] : memref<8x8192xi32, #tpu.memory_space<hbm>> -> memref<1x128xi32, #tpu.memory_space<hbm>>
      %dma_start3A_194 = tpu.memref_squeeze %dma_start3A_193 : memref<1x128xi32, #tpu.memory_space<hbm>> -> memref<128xi32, #tpu.memory_space<hbm>>
      tpu.enqueue_dma source(%dma_start3A_194 : memref<128xi32, #tpu.memory_space<hbm>>) target(%arg5 : memref<128xi32, #tpu.memory_space<vmem>>) target_semaphore(%run_scoped3A : memref<!tpu.dma_semaphore, #tpu.memory_space<semaphore_mem>>)
      %dma_wait3A_195 = tpu.memref_slice %arg3[%select_n3A_9, %add3A_152] : memref<8x8192xi32, #tpu.memory_space<hbm>> -> memref<1x128xi32, #tpu.memory_space<hbm>>
      %dma_wait3A_196 = tpu.memref_squeeze %dma_wait3A_195 : memref<1x128xi32, #tpu.memory_space<hbm>> -> memref<128xi32, #tpu.memory_space<hbm>>
      %dma_wait3A_197 = tpu.memref_slice %arg3[%select_n3A_9, %add3A_152] : memref<8x8192xi32, #tpu.memory_space<hbm>> -> memref<1x128xi32, #tpu.memory_space<hbm>>
      %dma_wait3A_198 = tpu.memref_squeeze %dma_wait3A_197 : memref<1x128xi32, #tpu.memory_space<hbm>> -> memref<128xi32, #tpu.memory_space<hbm>>
      tpu.wait_dma2 semaphore(%run_scoped3A : memref<!tpu.dma_semaphore, #tpu.memory_space<semaphore_mem>>) src(%dma_wait3A_198 : memref<128xi32, #tpu.memory_space<hbm>>) dst(%arg5 : memref<128xi32, #tpu.memory_space<vmem>>)
      tpu.yield
    }) : () -> ()
    %dma_start3A_153 = arith.constant 0 : i32
    %dma_start3A_154 = arith.constant 0 : i32
    %dma_start3A_155 = tpu.memref_slice %arg2[%dma_start3A_153, %dma_start3A_154] : memref<8192x256xf32, #tpu.memory_space<hbm>> -> memref<8192x256xf32, #tpu.memory_space<hbm>>
    tpu.enqueue_indirect_dma source(%dma_start3A_155 : memref<8192x256xf32, #tpu.memory_space<hbm>>) target(%arg6 : memref<128x256xf32, #tpu.memory_space<vmem>>) offsets(%arg5 : memref<128xi32, #tpu.memory_space<vmem>>) semaphore(%arg7 : memref<!tpu.dma_semaphore, #tpu.memory_space<semaphore_mem>>)
    %dma_wait3A_156 = arith.constant 0 : i32
    %dma_wait3A_157 = arith.constant 0 : i32
    %dma_wait3A_158 = tpu.memref_slice %arg2[%dma_wait3A_156, %dma_wait3A_157] : memref<8192x256xf32, #tpu.memory_space<hbm>> -> memref<8192x256xf32, #tpu.memory_space<hbm>>
    tpu.wait_indirect_dma semaphore(%arg7 : memref<!tpu.dma_semaphore, #tpu.memory_space<semaphore_mem>>) src(%dma_wait3A_158 : memref<8192x256xf32, #tpu.memory_space<hbm>>) dst(%arg6 : memref<128x256xf32, #tpu.memory_space<vmem>>)
    %mul3A_159 = arith.constant 256 : i32
    %mul3A_160 = arith.muli %select_n3A_9, %mul3A_159 : i32
    "tpu.region"() ({
      %run_scoped3A = tpu.sem_alloc : memref<!tpu.dma_semaphore, #tpu.memory_space<semaphore_mem>>
      %dma_start3A_191 = tpu.memref_slice %arg4[%add3A_152, %mul3A_160] : memref<8192x2048xf32, #tpu.memory_space<hbm>> -> memref<128x256xf32, #tpu.memory_space<hbm>>
      %dma_start3A_192 = tpu.memref_slice %arg4[%add3A_152, %mul3A_160] : memref<8192x2048xf32, #tpu.memory_space<hbm>> -> memref<128x256xf32, #tpu.memory_space<hbm>>
      tpu.enqueue_dma source(%arg6 : memref<128x256xf32, #tpu.memory_space<vmem>>) target(%dma_start3A_192 : memref<128x256xf32, #tpu.memory_space<hbm>>) target_semaphore(%run_scoped3A : memref<!tpu.dma_semaphore, #tpu.memory_space<semaphore_mem>>)
      %dma_wait3A_193 = tpu.memref_slice %arg4[%add3A_152, %mul3A_160] : memref<8192x2048xf32, #tpu.memory_space<hbm>> -> memref<128x256xf32, #tpu.memory_space<hbm>>
      %dma_wait3A_194 = tpu.memref_slice %arg4[%add3A_152, %mul3A_160] : memref<8192x2048xf32, #tpu.memory_space<hbm>> -> memref<128x256xf32, #tpu.memory_space<hbm>>
      tpu.wait_dma2 semaphore(%run_scoped3A : memref<!tpu.dma_semaphore, #tpu.memory_space<semaphore_mem>>) src(%arg6 : memref<128x256xf32, #tpu.memory_space<vmem>>) dst(%dma_wait3A_194 : memref<128x256xf32, #tpu.memory_space<hbm>>)
      tpu.yield
    }) : () -> ()
    %add3A_161 = arith.constant 1664 : i32
    %add3A_162 = arith.addi %mul3A_32, %add3A_161 : i32
    "tpu.region"() ({
      %run_scoped3A = tpu.sem_alloc : memref<!tpu.dma_semaphore, #tpu.memory_space<semaphore_mem>>
      %dma_start3A_191 = tpu.memref_slice %arg3[%select_n3A_9, %add3A_162] : memref<8x8192xi32, #tpu.memory_space<hbm>> -> memref<1x128xi32, #tpu.memory_space<hbm>>
      %dma_start3A_192 = tpu.memref_squeeze %dma_start3A_191 : memref<1x128xi32, #tpu.memory_space<hbm>> -> memref<128xi32, #tpu.memory_space<hbm>>
      %dma_start3A_193 = tpu.memref_slice %arg3[%select_n3A_9, %add3A_162] : memref<8x8192xi32, #tpu.memory_space<hbm>> -> memref<1x128xi32, #tpu.memory_space<hbm>>
      %dma_start3A_194 = tpu.memref_squeeze %dma_start3A_193 : memref<1x128xi32, #tpu.memory_space<hbm>> -> memref<128xi32, #tpu.memory_space<hbm>>
      tpu.enqueue_dma source(%dma_start3A_194 : memref<128xi32, #tpu.memory_space<hbm>>) target(%arg5 : memref<128xi32, #tpu.memory_space<vmem>>) target_semaphore(%run_scoped3A : memref<!tpu.dma_semaphore, #tpu.memory_space<semaphore_mem>>)
      %dma_wait3A_195 = tpu.memref_slice %arg3[%select_n3A_9, %add3A_162] : memref<8x8192xi32, #tpu.memory_space<hbm>> -> memref<1x128xi32, #tpu.memory_space<hbm>>
      %dma_wait3A_196 = tpu.memref_squeeze %dma_wait3A_195 : memref<1x128xi32, #tpu.memory_space<hbm>> -> memref<128xi32, #tpu.memory_space<hbm>>
      %dma_wait3A_197 = tpu.memref_slice %arg3[%select_n3A_9, %add3A_162] : memref<8x8192xi32, #tpu.memory_space<hbm>> -> memref<1x128xi32, #tpu.memory_space<hbm>>
      %dma_wait3A_198 = tpu.memref_squeeze %dma_wait3A_197 : memref<1x128xi32, #tpu.memory_space<hbm>> -> memref<128xi32, #tpu.memory_space<hbm>>
      tpu.wait_dma2 semaphore(%run_scoped3A : memref<!tpu.dma_semaphore, #tpu.memory_space<semaphore_mem>>) src(%dma_wait3A_198 : memref<128xi32, #tpu.memory_space<hbm>>) dst(%arg5 : memref<128xi32, #tpu.memory_space<vmem>>)
      tpu.yield
    }) : () -> ()
    %dma_start3A_163 = arith.constant 0 : i32
    %dma_start3A_164 = arith.constant 0 : i32
    %dma_start3A_165 = tpu.memref_slice %arg2[%dma_start3A_163, %dma_start3A_164] : memref<8192x256xf32, #tpu.memory_space<hbm>> -> memref<8192x256xf32, #tpu.memory_space<hbm>>
    tpu.enqueue_indirect_dma source(%dma_start3A_165 : memref<8192x256xf32, #tpu.memory_space<hbm>>) target(%arg6 : memref<128x256xf32, #tpu.memory_space<vmem>>) offsets(%arg5 : memref<128xi32, #tpu.memory_space<vmem>>) semaphore(%arg7 : memref<!tpu.dma_semaphore, #tpu.memory_space<semaphore_mem>>)
    %dma_wait3A_166 = arith.constant 0 : i32
    %dma_wait3A_167 = arith.constant 0 : i32
    %dma_wait3A_168 = tpu.memref_slice %arg2[%dma_wait3A_166, %dma_wait3A_167] : memref<8192x256xf32, #tpu.memory_space<hbm>> -> memref<8192x256xf32, #tpu.memory_space<hbm>>
    tpu.wait_indirect_dma semaphore(%arg7 : memref<!tpu.dma_semaphore, #tpu.memory_space<semaphore_mem>>) src(%dma_wait3A_168 : memref<8192x256xf32, #tpu.memory_space<hbm>>) dst(%arg6 : memref<128x256xf32, #tpu.memory_space<vmem>>)
    %mul3A_169 = arith.constant 256 : i32
    %mul3A_170 = arith.muli %select_n3A_9, %mul3A_169 : i32
    "tpu.region"() ({
      %run_scoped3A = tpu.sem_alloc : memref<!tpu.dma_semaphore, #tpu.memory_space<semaphore_mem>>
      %dma_start3A_191 = tpu.memref_slice %arg4[%add3A_162, %mul3A_170] : memref<8192x2048xf32, #tpu.memory_space<hbm>> -> memref<128x256xf32, #tpu.memory_space<hbm>>
      %dma_start3A_192 = tpu.memref_slice %arg4[%add3A_162, %mul3A_170] : memref<8192x2048xf32, #tpu.memory_space<hbm>> -> memref<128x256xf32, #tpu.memory_space<hbm>>
      tpu.enqueue_dma source(%arg6 : memref<128x256xf32, #tpu.memory_space<vmem>>) target(%dma_start3A_192 : memref<128x256xf32, #tpu.memory_space<hbm>>) target_semaphore(%run_scoped3A : memref<!tpu.dma_semaphore, #tpu.memory_space<semaphore_mem>>)
      %dma_wait3A_193 = tpu.memref_slice %arg4[%add3A_162, %mul3A_170] : memref<8192x2048xf32, #tpu.memory_space<hbm>> -> memref<128x256xf32, #tpu.memory_space<hbm>>
      %dma_wait3A_194 = tpu.memref_slice %arg4[%add3A_162, %mul3A_170] : memref<8192x2048xf32, #tpu.memory_space<hbm>> -> memref<128x256xf32, #tpu.memory_space<hbm>>
      tpu.wait_dma2 semaphore(%run_scoped3A : memref<!tpu.dma_semaphore, #tpu.memory_space<semaphore_mem>>) src(%arg6 : memref<128x256xf32, #tpu.memory_space<vmem>>) dst(%dma_wait3A_194 : memref<128x256xf32, #tpu.memory_space<hbm>>)
      tpu.yield
    }) : () -> ()
    %add3A_171 = arith.constant 1792 : i32
    %add3A_172 = arith.addi %mul3A_32, %add3A_171 : i32
    "tpu.region"() ({
      %run_scoped3A = tpu.sem_alloc : memref<!tpu.dma_semaphore, #tpu.memory_space<semaphore_mem>>
      %dma_start3A_191 = tpu.memref_slice %arg3[%select_n3A_9, %add3A_172] : memref<8x8192xi32, #tpu.memory_space<hbm>> -> memref<1x128xi32, #tpu.memory_space<hbm>>
      %dma_start3A_192 = tpu.memref_squeeze %dma_start3A_191 : memref<1x128xi32, #tpu.memory_space<hbm>> -> memref<128xi32, #tpu.memory_space<hbm>>
      %dma_start3A_193 = tpu.memref_slice %arg3[%select_n3A_9, %add3A_172] : memref<8x8192xi32, #tpu.memory_space<hbm>> -> memref<1x128xi32, #tpu.memory_space<hbm>>
      %dma_start3A_194 = tpu.memref_squeeze %dma_start3A_193 : memref<1x128xi32, #tpu.memory_space<hbm>> -> memref<128xi32, #tpu.memory_space<hbm>>
      tpu.enqueue_dma source(%dma_start3A_194 : memref<128xi32, #tpu.memory_space<hbm>>) target(%arg5 : memref<128xi32, #tpu.memory_space<vmem>>) target_semaphore(%run_scoped3A : memref<!tpu.dma_semaphore, #tpu.memory_space<semaphore_mem>>)
      %dma_wait3A_195 = tpu.memref_slice %arg3[%select_n3A_9, %add3A_172] : memref<8x8192xi32, #tpu.memory_space<hbm>> -> memref<1x128xi32, #tpu.memory_space<hbm>>
      %dma_wait3A_196 = tpu.memref_squeeze %dma_wait3A_195 : memref<1x128xi32, #tpu.memory_space<hbm>> -> memref<128xi32, #tpu.memory_space<hbm>>
      %dma_wait3A_197 = tpu.memref_slice %arg3[%select_n3A_9, %add3A_172] : memref<8x8192xi32, #tpu.memory_space<hbm>> -> memref<1x128xi32, #tpu.memory_space<hbm>>
      %dma_wait3A_198 = tpu.memref_squeeze %dma_wait3A_197 : memref<1x128xi32, #tpu.memory_space<hbm>> -> memref<128xi32, #tpu.memory_space<hbm>>
      tpu.wait_dma2 semaphore(%run_scoped3A : memref<!tpu.dma_semaphore, #tpu.memory_space<semaphore_mem>>) src(%dma_wait3A_198 : memref<128xi32, #tpu.memory_space<hbm>>) dst(%arg5 : memref<128xi32, #tpu.memory_space<vmem>>)
      tpu.yield
    }) : () -> ()
    %dma_start3A_173 = arith.constant 0 : i32
    %dma_start3A_174 = arith.constant 0 : i32
    %dma_start3A_175 = tpu.memref_slice %arg2[%dma_start3A_173, %dma_start3A_174] : memref<8192x256xf32, #tpu.memory_space<hbm>> -> memref<8192x256xf32, #tpu.memory_space<hbm>>
    tpu.enqueue_indirect_dma source(%dma_start3A_175 : memref<8192x256xf32, #tpu.memory_space<hbm>>) target(%arg6 : memref<128x256xf32, #tpu.memory_space<vmem>>) offsets(%arg5 : memref<128xi32, #tpu.memory_space<vmem>>) semaphore(%arg7 : memref<!tpu.dma_semaphore, #tpu.memory_space<semaphore_mem>>)
    %dma_wait3A_176 = arith.constant 0 : i32
    %dma_wait3A_177 = arith.constant 0 : i32
    %dma_wait3A_178 = tpu.memref_slice %arg2[%dma_wait3A_176, %dma_wait3A_177] : memref<8192x256xf32, #tpu.memory_space<hbm>> -> memref<8192x256xf32, #tpu.memory_space<hbm>>
    tpu.wait_indirect_dma semaphore(%arg7 : memref<!tpu.dma_semaphore, #tpu.memory_space<semaphore_mem>>) src(%dma_wait3A_178 : memref<8192x256xf32, #tpu.memory_space<hbm>>) dst(%arg6 : memref<128x256xf32, #tpu.memory_space<vmem>>)
    %mul3A_179 = arith.constant 256 : i32
    %mul3A_180 = arith.muli %select_n3A_9, %mul3A_179 : i32
    "tpu.region"() ({
      %run_scoped3A = tpu.sem_alloc : memref<!tpu.dma_semaphore, #tpu.memory_space<semaphore_mem>>
      %dma_start3A_191 = tpu.memref_slice %arg4[%add3A_172, %mul3A_180] : memref<8192x2048xf32, #tpu.memory_space<hbm>> -> memref<128x256xf32, #tpu.memory_space<hbm>>
      %dma_start3A_192 = tpu.memref_slice %arg4[%add3A_172, %mul3A_180] : memref<8192x2048xf32, #tpu.memory_space<hbm>> -> memref<128x256xf32, #tpu.memory_space<hbm>>
      tpu.enqueue_dma source(%arg6 : memref<128x256xf32, #tpu.memory_space<vmem>>) target(%dma_start3A_192 : memref<128x256xf32, #tpu.memory_space<hbm>>) target_semaphore(%run_scoped3A : memref<!tpu.dma_semaphore, #tpu.memory_space<semaphore_mem>>)
      %dma_wait3A_193 = tpu.memref_slice %arg4[%add3A_172, %mul3A_180] : memref<8192x2048xf32, #tpu.memory_space<hbm>> -> memref<128x256xf32, #tpu.memory_space<hbm>>
      %dma_wait3A_194 = tpu.memref_slice %arg4[%add3A_172, %mul3A_180] : memref<8192x2048xf32, #tpu.memory_space<hbm>> -> memref<128x256xf32, #tpu.memory_space<hbm>>
      tpu.wait_dma2 semaphore(%run_scoped3A : memref<!tpu.dma_semaphore, #tpu.memory_space<semaphore_mem>>) src(%arg6 : memref<128x256xf32, #tpu.memory_space<vmem>>) dst(%dma_wait3A_194 : memref<128x256xf32, #tpu.memory_space<hbm>>)
      tpu.yield
    }) : () -> ()
    %add3A_181 = arith.constant 1920 : i32
    %add3A_182 = arith.addi %mul3A_32, %add3A_181 : i32
    "tpu.region"() ({
      %run_scoped3A = tpu.sem_alloc : memref<!tpu.dma_semaphore, #tpu.memory_space<semaphore_mem>>
      %dma_start3A_191 = tpu.memref_slice %arg3[%select_n3A_9, %add3A_182] : memref<8x8192xi32, #tpu.memory_space<hbm>> -> memref<1x128xi32, #tpu.memory_space<hbm>>
      %dma_start3A_192 = tpu.memref_squeeze %dma_start3A_191 : memref<1x128xi32, #tpu.memory_space<hbm>> -> memref<128xi32, #tpu.memory_space<hbm>>
      %dma_start3A_193 = tpu.memref_slice %arg3[%select_n3A_9, %add3A_182] : memref<8x8192xi32, #tpu.memory_space<hbm>> -> memref<1x128xi32, #tpu.memory_space<hbm>>
      %dma_start3A_194 = tpu.memref_squeeze %dma_start3A_193 : memref<1x128xi32, #tpu.memory_space<hbm>> -> memref<128xi32, #tpu.memory_space<hbm>>
      tpu.enqueue_dma source(%dma_start3A_194 : memref<128xi32, #tpu.memory_space<hbm>>) target(%arg5 : memref<128xi32, #tpu.memory_space<vmem>>) target_semaphore(%run_scoped3A : memref<!tpu.dma_semaphore, #tpu.memory_space<semaphore_mem>>)
      %dma_wait3A_195 = tpu.memref_slice %arg3[%select_n3A_9, %add3A_182] : memref<8x8192xi32, #tpu.memory_space<hbm>> -> memref<1x128xi32, #tpu.memory_space<hbm>>
      %dma_wait3A_196 = tpu.memref_squeeze %dma_wait3A_195 : memref<1x128xi32, #tpu.memory_space<hbm>> -> memref<128xi32, #tpu.memory_space<hbm>>
      %dma_wait3A_197 = tpu.memref_slice %arg3[%select_n3A_9, %add3A_182] : memref<8x8192xi32, #tpu.memory_space<hbm>> -> memref<1x128xi32, #tpu.memory_space<hbm>>
      %dma_wait3A_198 = tpu.memref_squeeze %dma_wait3A_197 : memref<1x128xi32, #tpu.memory_space<hbm>> -> memref<128xi32, #tpu.memory_space<hbm>>
      tpu.wait_dma2 semaphore(%run_scoped3A : memref<!tpu.dma_semaphore, #tpu.memory_space<semaphore_mem>>) src(%dma_wait3A_198 : memref<128xi32, #tpu.memory_space<hbm>>) dst(%arg5 : memref<128xi32, #tpu.memory_space<vmem>>)
      tpu.yield
    }) : () -> ()
    %dma_start3A_183 = arith.constant 0 : i32
    %dma_start3A_184 = arith.constant 0 : i32
    %dma_start3A_185 = tpu.memref_slice %arg2[%dma_start3A_183, %dma_start3A_184] : memref<8192x256xf32, #tpu.memory_space<hbm>> -> memref<8192x256xf32, #tpu.memory_space<hbm>>
    tpu.enqueue_indirect_dma source(%dma_start3A_185 : memref<8192x256xf32, #tpu.memory_space<hbm>>) target(%arg6 : memref<128x256xf32, #tpu.memory_space<vmem>>) offsets(%arg5 : memref<128xi32, #tpu.memory_space<vmem>>) semaphore(%arg7 : memref<!tpu.dma_semaphore, #tpu.memory_space<semaphore_mem>>)
    %dma_wait3A_186 = arith.constant 0 : i32
    %dma_wait3A_187 = arith.constant 0 : i32
    %dma_wait3A_188 = tpu.memref_slice %arg2[%dma_wait3A_186, %dma_wait3A_187] : memref<8192x256xf32, #tpu.memory_space<hbm>> -> memref<8192x256xf32, #tpu.memory_space<hbm>>
    tpu.wait_indirect_dma semaphore(%arg7 : memref<!tpu.dma_semaphore, #tpu.memory_space<semaphore_mem>>) src(%dma_wait3A_188 : memref<8192x256xf32, #tpu.memory_space<hbm>>) dst(%arg6 : memref<128x256xf32, #tpu.memory_space<vmem>>)
    %mul3A_189 = arith.constant 256 : i32
    %mul3A_190 = arith.muli %select_n3A_9, %mul3A_189 : i32
    "tpu.region"() ({
      %run_scoped3A = tpu.sem_alloc : memref<!tpu.dma_semaphore, #tpu.memory_space<semaphore_mem>>
      %dma_start3A_191 = tpu.memref_slice %arg4[%add3A_182, %mul3A_190] : memref<8192x2048xf32, #tpu.memory_space<hbm>> -> memref<128x256xf32, #tpu.memory_space<hbm>>
      %dma_start3A_192 = tpu.memref_slice %arg4[%add3A_182, %mul3A_190] : memref<8192x2048xf32, #tpu.memory_space<hbm>> -> memref<128x256xf32, #tpu.memory_space<hbm>>
      tpu.enqueue_dma source(%arg6 : memref<128x256xf32, #tpu.memory_space<vmem>>) target(%dma_start3A_192 : memref<128x256xf32, #tpu.memory_space<hbm>>) target_semaphore(%run_scoped3A : memref<!tpu.dma_semaphore, #tpu.memory_space<semaphore_mem>>)
      %dma_wait3A_193 = tpu.memref_slice %arg4[%add3A_182, %mul3A_190] : memref<8192x2048xf32, #tpu.memory_space<hbm>> -> memref<128x256xf32, #tpu.memory_space<hbm>>
      %dma_wait3A_194 = tpu.memref_slice %arg4[%add3A_182, %mul3A_190] : memref<8192x2048xf32, #tpu.memory_space<hbm>> -> memref<128x256xf32, #tpu.memory_space<hbm>>
      tpu.wait_dma2 semaphore(%run_scoped3A : memref<!tpu.dma_semaphore, #tpu.memory_space<semaphore_mem>>) src(%arg6 : memref<128x256xf32, #tpu.memory_space<vmem>>) dst(%dma_wait3A_194 : memref<128x256xf32, #tpu.memory_space<hbm>>)
      tpu.yield
    }) : () -> ()
    return
  }
}

module attributes {stable_mosaic.version = 14 : i64} {
  func.func @_tc_body(%arg0: i32, %arg1: memref<1024x2048xf32, #tpu.memory_space<vmem>>, %arg2: memref<8x1024xf32, #tpu.memory_space<vmem>>, %arg3: memref<8x1024x256xf32, #tpu.memory_space<vmem>>, %arg4: memref<1024x8xi32, #tpu.memory_space<vmem>>, %arg5: memref<8x1024xi32, #tpu.memory_space<vmem>>, %arg6: memref<1024x8xf32, #tpu.memory_space<vmem>>) attributes {dimension_semantics = [#tpu.dimension_semantics<arbitrary>], iteration_bounds = array<i64: 8>, scalar_prefetch = 0 : i64, scratch_operands = 0 : i64, tpu.core_type = #tpu.core_type<tc>, window_params = [{transform_indices = @transform_0, window_bounds = array<i64: 1024, 2048>}, {pipeline_mode = #tpu.pipeline_mode<synchronous>, transform_indices = @transform_1, window_bounds = array<i64: 8, 1024>}, {pipeline_mode = #tpu.pipeline_mode<synchronous>, transform_indices = @transform_2, window_bounds = array<i64: 8, 1024, 256>}, {transform_indices = @transform_3, window_bounds = array<i64: 1024, 8>}, {transform_indices = @transform_4, window_bounds = array<i64: 8, 1024>}, {transform_indices = @transform_5, window_bounds = array<i64: 1024, 8>}]} {
    %iota3A = tpu.iota {dimensions = array<i32: 1>} : vector<1024x1024xi32>
    %get3A = arith.constant 0 : index
    %get3A_0 = arith.constant 0 : index
    %get3A_1 = vector.load %arg1[%get3A, %get3A_0] : memref<1024x2048xf32, #tpu.memory_space<vmem>>, vector<1024x256xf32>
    %get3A_2 = arith.constant 0 : index
    %get3A_3 = arith.constant 0 : index
    %get3A_4 = arith.constant 0 : index
    %get3A_5 = vector.load %arg3[%get3A_2, %get3A_3, %get3A_4] : memref<8x1024x256xf32, #tpu.memory_space<vmem>>, vector<1x1024x256xf32>
    %get3A_6 = vector.shape_cast %get3A_5 : vector<1x1024x256xf32> to vector<1024x256xf32>
    %dot_general3A = arith.constant dense<0.000000e+00> : vector<1024x1024xf32>
    %dot_general3A_7 = tpu.matmul %get3A_1, %get3A_6, %dot_general3A {dimension_numbers = #tpu.dot_dimension_numbers<[1], [1], [0], [0], [0, 0, 1, 0], [], []>, transpose_lhs_hint = false} : vector<1024x256xf32>, vector<1024x256xf32>, vector<1024x1024xf32> -> vector<1024x1024xf32>
    %mul3A = arith.mulf %get3A_1, %get3A_1 : vector<1024x256xf32>
    %reduce_sum3A = arith.constant dense<0.000000e+00> : vector<1024xf32>
    %reduce_sum3A_8 = vector.multi_reduction <add>, %mul3A, %reduce_sum3A [1] : vector<1024x256xf32> to vector<1024xf32>
    %broadcast_in_dim3A = vector.shape_cast %reduce_sum3A_8 : vector<1024xf32> to vector<1024x1xf32>
    %get3A_9 = arith.constant 0 : index
    %get3A_10 = arith.constant 0 : index
    %get3A_11 = vector.load %arg2[%get3A_9, %get3A_10] : memref<8x1024xf32, #tpu.memory_space<vmem>>, vector<1x1024xf32>
    %add3A = vector.broadcast %broadcast_in_dim3A : vector<1024x1xf32> to vector<1024x1024xf32>
    %add3A_12 = vector.broadcast %get3A_11 : vector<1x1024xf32> to vector<1024x1024xf32>
    %add3A_13 = arith.addf %add3A, %add3A_12 : vector<1024x1024xf32>
    %mul3A_14 = arith.constant 2.000000e+00 : f32
    %mul3A_15 = vector.broadcast %mul3A_14 : f32 to vector<1024x1024xf32>
    %mul3A_16 = arith.mulf %mul3A_15, %dot_general3A_7 : vector<1024x1024xf32>
    %sub3A = arith.subf %add3A_13, %mul3A_16 : vector<1024x1024xf32>
    %max3A = arith.constant 0.000000e+00 : f32
    %max3A_17 = vector.broadcast %max3A : f32 to vector<1024x1024xf32>
    %max3A_18 = arith.maximumf %sub3A, %max3A_17 : vector<1024x1024xf32>
    %reduce_min3A = arith.constant dense<0x7F800000> : vector<1024xf32>
    %reduce_min3A_19 = vector.multi_reduction <minimumf>, %max3A_18, %reduce_min3A [1] : vector<1024x1024xf32> to vector<1024xf32>
    %broadcast_in_dim3A_20 = vector.shape_cast %reduce_min3A_19 : vector<1024xf32> to vector<1024x1xf32>
    %eq3A = vector.broadcast %broadcast_in_dim3A_20 : vector<1024x1xf32> to vector<1024x1024xf32>
    %eq3A_21 = arith.cmpf oeq, %max3A_18, %eq3A : vector<1024x1024xf32>
    %jit3A = arith.constant 1024 : i32
    %broadcast_in_dim3A_22 = vector.broadcast %jit3A : i32 to vector<1024x1024xi32>
    %select_n3A = arith.select %eq3A_21, %iota3A, %broadcast_in_dim3A_22 : vector<1024x1024xi1>, vector<1024x1024xi32>
    %reduce_min3A_23 = arith.constant dense<2147483647> : vector<1024xi32>
    %reduce_min3A_24 = vector.multi_reduction <minsi>, %select_n3A, %reduce_min3A_23 [1] : vector<1024x1024xi32> to vector<1024xi32>
    %broadcast_in_dim3A_25 = vector.shape_cast %reduce_min3A_24 : vector<1024xi32> to vector<1024x1xi32>
    %swap3A = arith.constant 0 : index
    %swap3A_26 = arith.constant 0 : index
    %swap3A_27 = vector.load %arg4[%swap3A, %swap3A_26] : memref<1024x8xi32, #tpu.memory_space<vmem>>, vector<1024x1xi32>
    tpu.vector_store %arg4[%swap3A, %swap3A_26], %broadcast_in_dim3A_25 {strides = array<i32>} : memref<1024x8xi32, #tpu.memory_space<vmem>>, vector<1024x1xi32>,
    %add3A_28 = arith.constant 0 : i32
    %add3A_29 = vector.broadcast %add3A_28 : i32 to vector<1024xi32>
    %add3A_30 = arith.addi %reduce_min3A_24, %add3A_29 : vector<1024xi32>
    %broadcast_in_dim3A_31 = vector.shape_cast %add3A_30 : vector<1024xi32> to vector<1x1024xi32>
    %swap3A_32 = arith.constant 0 : index
    %swap3A_33 = arith.constant 0 : index
    %swap3A_34 = vector.load %arg5[%swap3A_32, %swap3A_33] : memref<8x1024xi32, #tpu.memory_space<vmem>>, vector<1x1024xi32>
    tpu.vector_store %arg5[%swap3A_32, %swap3A_33], %broadcast_in_dim3A_31 {strides = array<i32>} : memref<8x1024xi32, #tpu.memory_space<vmem>>, vector<1x1024xi32>,
    %swap3A_35 = arith.constant 0 : index
    %swap3A_36 = arith.constant 0 : index
    %swap3A_37 = vector.load %arg6[%swap3A_35, %swap3A_36] : memref<1024x8xf32, #tpu.memory_space<vmem>>, vector<1024x1xf32>
    tpu.vector_store %arg6[%swap3A_35, %swap3A_36], %broadcast_in_dim3A_20 {strides = array<i32>} : memref<1024x8xf32, #tpu.memory_space<vmem>>, vector<1024x1xf32>,
    %get3A_38 = arith.constant 0 : index
    %get3A_39 = arith.constant 256 : index
    %get3A_40 = vector.load %arg1[%get3A_38, %get3A_39] : memref<1024x2048xf32, #tpu.memory_space<vmem>>, vector<1024x256xf32>
    %get3A_41 = arith.constant 1 : index
    %get3A_42 = arith.constant 0 : index
    %get3A_43 = arith.constant 0 : index
    %get3A_44 = vector.load %arg3[%get3A_41, %get3A_42, %get3A_43] : memref<8x1024x256xf32, #tpu.memory_space<vmem>>, vector<1x1024x256xf32>
    %get3A_45 = vector.shape_cast %get3A_44 : vector<1x1024x256xf32> to vector<1024x256xf32>
    %dot_general3A_46 = arith.constant dense<0.000000e+00> : vector<1024x1024xf32>
    %dot_general3A_47 = tpu.matmul %get3A_40, %get3A_45, %dot_general3A_46 {dimension_numbers = #tpu.dot_dimension_numbers<[1], [1], [0], [0], [0, 0, 1, 0], [], []>, transpose_lhs_hint = false} : vector<1024x256xf32>, vector<1024x256xf32>, vector<1024x1024xf32> -> vector<1024x1024xf32>
    %mul3A_48 = arith.mulf %get3A_40, %get3A_40 : vector<1024x256xf32>
    %reduce_sum3A_49 = arith.constant dense<0.000000e+00> : vector<1024xf32>
    %reduce_sum3A_50 = vector.multi_reduction <add>, %mul3A_48, %reduce_sum3A_49 [1] : vector<1024x256xf32> to vector<1024xf32>
    %broadcast_in_dim3A_51 = vector.shape_cast %reduce_sum3A_50 : vector<1024xf32> to vector<1024x1xf32>
    %get3A_52 = arith.constant 1 : index
    %get3A_53 = arith.constant 0 : index
    %get3A_54 = vector.load %arg2[%get3A_52, %get3A_53] : memref<8x1024xf32, #tpu.memory_space<vmem>>, vector<1x1024xf32>
    %add3A_55 = vector.broadcast %broadcast_in_dim3A_51 : vector<1024x1xf32> to vector<1024x1024xf32>
    %add3A_56 = vector.broadcast %get3A_54 : vector<1x1024xf32> to vector<1024x1024xf32>
    %add3A_57 = arith.addf %add3A_55, %add3A_56 : vector<1024x1024xf32>
    %mul3A_58 = arith.constant 2.000000e+00 : f32
    %mul3A_59 = vector.broadcast %mul3A_58 : f32 to vector<1024x1024xf32>
    %mul3A_60 = arith.mulf %mul3A_59, %dot_general3A_47 : vector<1024x1024xf32>
    %sub3A_61 = arith.subf %add3A_57, %mul3A_60 : vector<1024x1024xf32>
    %max3A_62 = arith.constant 0.000000e+00 : f32
    %max3A_63 = vector.broadcast %max3A_62 : f32 to vector<1024x1024xf32>
    %max3A_64 = arith.maximumf %sub3A_61, %max3A_63 : vector<1024x1024xf32>
    %reduce_min3A_65 = arith.constant dense<0x7F800000> : vector<1024xf32>
    %reduce_min3A_66 = vector.multi_reduction <minimumf>, %max3A_64, %reduce_min3A_65 [1] : vector<1024x1024xf32> to vector<1024xf32>
    %broadcast_in_dim3A_67 = vector.shape_cast %reduce_min3A_66 : vector<1024xf32> to vector<1024x1xf32>
    %eq3A_68 = vector.broadcast %broadcast_in_dim3A_67 : vector<1024x1xf32> to vector<1024x1024xf32>
    %eq3A_69 = arith.cmpf oeq, %max3A_64, %eq3A_68 : vector<1024x1024xf32>
    %jit3A_70 = arith.constant 1024 : i32
    %broadcast_in_dim3A_71 = vector.broadcast %jit3A_70 : i32 to vector<1024x1024xi32>
    %select_n3A_72 = arith.select %eq3A_69, %iota3A, %broadcast_in_dim3A_71 : vector<1024x1024xi1>, vector<1024x1024xi32>
    %reduce_min3A_73 = arith.constant dense<2147483647> : vector<1024xi32>
    %reduce_min3A_74 = vector.multi_reduction <minsi>, %select_n3A_72, %reduce_min3A_73 [1] : vector<1024x1024xi32> to vector<1024xi32>
    %broadcast_in_dim3A_75 = vector.shape_cast %reduce_min3A_74 : vector<1024xi32> to vector<1024x1xi32>
    %swap3A_76 = arith.constant 0 : index
    %swap3A_77 = arith.constant 1 : index
    %swap3A_78 = vector.load %arg4[%swap3A_76, %swap3A_77] : memref<1024x8xi32, #tpu.memory_space<vmem>>, vector<1024x1xi32>
    tpu.vector_store %arg4[%swap3A_76, %swap3A_77], %broadcast_in_dim3A_75 {strides = array<i32>} : memref<1024x8xi32, #tpu.memory_space<vmem>>, vector<1024x1xi32>,
    %add3A_79 = arith.constant 1024 : i32
    %add3A_80 = vector.broadcast %add3A_79 : i32 to vector<1024xi32>
    %add3A_81 = arith.addi %reduce_min3A_74, %add3A_80 : vector<1024xi32>
    %broadcast_in_dim3A_82 = vector.shape_cast %add3A_81 : vector<1024xi32> to vector<1x1024xi32>
    %swap3A_83 = arith.constant 1 : index
    %swap3A_84 = arith.constant 0 : index
    %swap3A_85 = vector.load %arg5[%swap3A_83, %swap3A_84] : memref<8x1024xi32, #tpu.memory_space<vmem>>, vector<1x1024xi32>
    tpu.vector_store %arg5[%swap3A_83, %swap3A_84], %broadcast_in_dim3A_82 {strides = array<i32>} : memref<8x1024xi32, #tpu.memory_space<vmem>>, vector<1x1024xi32>,
    %swap3A_86 = arith.constant 0 : index
    %swap3A_87 = arith.constant 1 : index
    %swap3A_88 = vector.load %arg6[%swap3A_86, %swap3A_87] : memref<1024x8xf32, #tpu.memory_space<vmem>>, vector<1024x1xf32>
    tpu.vector_store %arg6[%swap3A_86, %swap3A_87], %broadcast_in_dim3A_67 {strides = array<i32>} : memref<1024x8xf32, #tpu.memory_space<vmem>>, vector<1024x1xf32>,
    %get3A_89 = arith.constant 0 : index
    %get3A_90 = arith.constant 512 : index
    %get3A_91 = vector.load %arg1[%get3A_89, %get3A_90] : memref<1024x2048xf32, #tpu.memory_space<vmem>>, vector<1024x256xf32>
    %get3A_92 = arith.constant 2 : index
    %get3A_93 = arith.constant 0 : index
    %get3A_94 = arith.constant 0 : index
    %get3A_95 = vector.load %arg3[%get3A_92, %get3A_93, %get3A_94] : memref<8x1024x256xf32, #tpu.memory_space<vmem>>, vector<1x1024x256xf32>
    %get3A_96 = vector.shape_cast %get3A_95 : vector<1x1024x256xf32> to vector<1024x256xf32>
    %dot_general3A_97 = arith.constant dense<0.000000e+00> : vector<1024x1024xf32>
    %dot_general3A_98 = tpu.matmul %get3A_91, %get3A_96, %dot_general3A_97 {dimension_numbers = #tpu.dot_dimension_numbers<[1], [1], [0], [0], [0, 0, 1, 0], [], []>, transpose_lhs_hint = false} : vector<1024x256xf32>, vector<1024x256xf32>, vector<1024x1024xf32> -> vector<1024x1024xf32>
    %mul3A_99 = arith.mulf %get3A_91, %get3A_91 : vector<1024x256xf32>
    %reduce_sum3A_100 = arith.constant dense<0.000000e+00> : vector<1024xf32>
    %reduce_sum3A_101 = vector.multi_reduction <add>, %mul3A_99, %reduce_sum3A_100 [1] : vector<1024x256xf32> to vector<1024xf32>
    %broadcast_in_dim3A_102 = vector.shape_cast %reduce_sum3A_101 : vector<1024xf32> to vector<1024x1xf32>
    %get3A_103 = arith.constant 2 : index
    %get3A_104 = arith.constant 0 : index
    %get3A_105 = vector.load %arg2[%get3A_103, %get3A_104] : memref<8x1024xf32, #tpu.memory_space<vmem>>, vector<1x1024xf32>
    %add3A_106 = vector.broadcast %broadcast_in_dim3A_102 : vector<1024x1xf32> to vector<1024x1024xf32>
    %add3A_107 = vector.broadcast %get3A_105 : vector<1x1024xf32> to vector<1024x1024xf32>
    %add3A_108 = arith.addf %add3A_106, %add3A_107 : vector<1024x1024xf32>
    %mul3A_109 = arith.constant 2.000000e+00 : f32
    %mul3A_110 = vector.broadcast %mul3A_109 : f32 to vector<1024x1024xf32>
    %mul3A_111 = arith.mulf %mul3A_110, %dot_general3A_98 : vector<1024x1024xf32>
    %sub3A_112 = arith.subf %add3A_108, %mul3A_111 : vector<1024x1024xf32>
    %max3A_113 = arith.constant 0.000000e+00 : f32
    %max3A_114 = vector.broadcast %max3A_113 : f32 to vector<1024x1024xf32>
    %max3A_115 = arith.maximumf %sub3A_112, %max3A_114 : vector<1024x1024xf32>
    %reduce_min3A_116 = arith.constant dense<0x7F800000> : vector<1024xf32>
    %reduce_min3A_117 = vector.multi_reduction <minimumf>, %max3A_115, %reduce_min3A_116 [1] : vector<1024x1024xf32> to vector<1024xf32>
    %broadcast_in_dim3A_118 = vector.shape_cast %reduce_min3A_117 : vector<1024xf32> to vector<1024x1xf32>
    %eq3A_119 = vector.broadcast %broadcast_in_dim3A_118 : vector<1024x1xf32> to vector<1024x1024xf32>
    %eq3A_120 = arith.cmpf oeq, %max3A_115, %eq3A_119 : vector<1024x1024xf32>
    %jit3A_121 = arith.constant 1024 : i32
    %broadcast_in_dim3A_122 = vector.broadcast %jit3A_121 : i32 to vector<1024x1024xi32>
    %select_n3A_123 = arith.select %eq3A_120, %iota3A, %broadcast_in_dim3A_122 : vector<1024x1024xi1>, vector<1024x1024xi32>
    %reduce_min3A_124 = arith.constant dense<2147483647> : vector<1024xi32>
    %reduce_min3A_125 = vector.multi_reduction <minsi>, %select_n3A_123, %reduce_min3A_124 [1] : vector<1024x1024xi32> to vector<1024xi32>
    %broadcast_in_dim3A_126 = vector.shape_cast %reduce_min3A_125 : vector<1024xi32> to vector<1024x1xi32>
    %swap3A_127 = arith.constant 0 : index
    %swap3A_128 = arith.constant 2 : index
    %swap3A_129 = vector.load %arg4[%swap3A_127, %swap3A_128] : memref<1024x8xi32, #tpu.memory_space<vmem>>, vector<1024x1xi32>
    tpu.vector_store %arg4[%swap3A_127, %swap3A_128], %broadcast_in_dim3A_126 {strides = array<i32>} : memref<1024x8xi32, #tpu.memory_space<vmem>>, vector<1024x1xi32>,
    %add3A_130 = arith.constant 2048 : i32
    %add3A_131 = vector.broadcast %add3A_130 : i32 to vector<1024xi32>
    %add3A_132 = arith.addi %reduce_min3A_125, %add3A_131 : vector<1024xi32>
    %broadcast_in_dim3A_133 = vector.shape_cast %add3A_132 : vector<1024xi32> to vector<1x1024xi32>
    %swap3A_134 = arith.constant 2 : index
    %swap3A_135 = arith.constant 0 : index
    %swap3A_136 = vector.load %arg5[%swap3A_134, %swap3A_135] : memref<8x1024xi32, #tpu.memory_space<vmem>>, vector<1x1024xi32>
    tpu.vector_store %arg5[%swap3A_134, %swap3A_135], %broadcast_in_dim3A_133 {strides = array<i32>} : memref<8x1024xi32, #tpu.memory_space<vmem>>, vector<1x1024xi32>,
    %swap3A_137 = arith.constant 0 : index
    %swap3A_138 = arith.constant 2 : index
    %swap3A_139 = vector.load %arg6[%swap3A_137, %swap3A_138] : memref<1024x8xf32, #tpu.memory_space<vmem>>, vector<1024x1xf32>
    tpu.vector_store %arg6[%swap3A_137, %swap3A_138], %broadcast_in_dim3A_118 {strides = array<i32>} : memref<1024x8xf32, #tpu.memory_space<vmem>>, vector<1024x1xf32>,
    %get3A_140 = arith.constant 0 : index
    %get3A_141 = arith.constant 768 : index
    %get3A_142 = vector.load %arg1[%get3A_140, %get3A_141] : memref<1024x2048xf32, #tpu.memory_space<vmem>>, vector<1024x256xf32>
    %get3A_143 = arith.constant 3 : index
    %get3A_144 = arith.constant 0 : index
    %get3A_145 = arith.constant 0 : index
    %get3A_146 = vector.load %arg3[%get3A_143, %get3A_144, %get3A_145] : memref<8x1024x256xf32, #tpu.memory_space<vmem>>, vector<1x1024x256xf32>
    %get3A_147 = vector.shape_cast %get3A_146 : vector<1x1024x256xf32> to vector<1024x256xf32>
    %dot_general3A_148 = arith.constant dense<0.000000e+00> : vector<1024x1024xf32>
    %dot_general3A_149 = tpu.matmul %get3A_142, %get3A_147, %dot_general3A_148 {dimension_numbers = #tpu.dot_dimension_numbers<[1], [1], [0], [0], [0, 0, 1, 0], [], []>, transpose_lhs_hint = false} : vector<1024x256xf32>, vector<1024x256xf32>, vector<1024x1024xf32> -> vector<1024x1024xf32>
    %mul3A_150 = arith.mulf %get3A_142, %get3A_142 : vector<1024x256xf32>
    %reduce_sum3A_151 = arith.constant dense<0.000000e+00> : vector<1024xf32>
    %reduce_sum3A_152 = vector.multi_reduction <add>, %mul3A_150, %reduce_sum3A_151 [1] : vector<1024x256xf32> to vector<1024xf32>
    %broadcast_in_dim3A_153 = vector.shape_cast %reduce_sum3A_152 : vector<1024xf32> to vector<1024x1xf32>
    %get3A_154 = arith.constant 3 : index
    %get3A_155 = arith.constant 0 : index
    %get3A_156 = vector.load %arg2[%get3A_154, %get3A_155] : memref<8x1024xf32, #tpu.memory_space<vmem>>, vector<1x1024xf32>
    %add3A_157 = vector.broadcast %broadcast_in_dim3A_153 : vector<1024x1xf32> to vector<1024x1024xf32>
    %add3A_158 = vector.broadcast %get3A_156 : vector<1x1024xf32> to vector<1024x1024xf32>
    %add3A_159 = arith.addf %add3A_157, %add3A_158 : vector<1024x1024xf32>
    %mul3A_160 = arith.constant 2.000000e+00 : f32
    %mul3A_161 = vector.broadcast %mul3A_160 : f32 to vector<1024x1024xf32>
    %mul3A_162 = arith.mulf %mul3A_161, %dot_general3A_149 : vector<1024x1024xf32>
    %sub3A_163 = arith.subf %add3A_159, %mul3A_162 : vector<1024x1024xf32>
    %max3A_164 = arith.constant 0.000000e+00 : f32
    %max3A_165 = vector.broadcast %max3A_164 : f32 to vector<1024x1024xf32>
    %max3A_166 = arith.maximumf %sub3A_163, %max3A_165 : vector<1024x1024xf32>
    %reduce_min3A_167 = arith.constant dense<0x7F800000> : vector<1024xf32>
    %reduce_min3A_168 = vector.multi_reduction <minimumf>, %max3A_166, %reduce_min3A_167 [1] : vector<1024x1024xf32> to vector<1024xf32>
    %broadcast_in_dim3A_169 = vector.shape_cast %reduce_min3A_168 : vector<1024xf32> to vector<1024x1xf32>
    %eq3A_170 = vector.broadcast %broadcast_in_dim3A_169 : vector<1024x1xf32> to vector<1024x1024xf32>
    %eq3A_171 = arith.cmpf oeq, %max3A_166, %eq3A_170 : vector<1024x1024xf32>
    %jit3A_172 = arith.constant 1024 : i32
    %broadcast_in_dim3A_173 = vector.broadcast %jit3A_172 : i32 to vector<1024x1024xi32>
    %select_n3A_174 = arith.select %eq3A_171, %iota3A, %broadcast_in_dim3A_173 : vector<1024x1024xi1>, vector<1024x1024xi32>
    %reduce_min3A_175 = arith.constant dense<2147483647> : vector<1024xi32>
    %reduce_min3A_176 = vector.multi_reduction <minsi>, %select_n3A_174, %reduce_min3A_175 [1] : vector<1024x1024xi32> to vector<1024xi32>
    %broadcast_in_dim3A_177 = vector.shape_cast %reduce_min3A_176 : vector<1024xi32> to vector<1024x1xi32>
    %swap3A_178 = arith.constant 0 : index
    %swap3A_179 = arith.constant 3 : index
    %swap3A_180 = vector.load %arg4[%swap3A_178, %swap3A_179] : memref<1024x8xi32, #tpu.memory_space<vmem>>, vector<1024x1xi32>
    tpu.vector_store %arg4[%swap3A_178, %swap3A_179], %broadcast_in_dim3A_177 {strides = array<i32>} : memref<1024x8xi32, #tpu.memory_space<vmem>>, vector<1024x1xi32>,
    %add3A_181 = arith.constant 3072 : i32
    %add3A_182 = vector.broadcast %add3A_181 : i32 to vector<1024xi32>
    %add3A_183 = arith.addi %reduce_min3A_176, %add3A_182 : vector<1024xi32>
    %broadcast_in_dim3A_184 = vector.shape_cast %add3A_183 : vector<1024xi32> to vector<1x1024xi32>
    %swap3A_185 = arith.constant 3 : index
    %swap3A_186 = arith.constant 0 : index
    %swap3A_187 = vector.load %arg5[%swap3A_185, %swap3A_186] : memref<8x1024xi32, #tpu.memory_space<vmem>>, vector<1x1024xi32>
    tpu.vector_store %arg5[%swap3A_185, %swap3A_186], %broadcast_in_dim3A_184 {strides = array<i32>} : memref<8x1024xi32, #tpu.memory_space<vmem>>, vector<1x1024xi32>,
    %swap3A_188 = arith.constant 0 : index
    %swap3A_189 = arith.constant 3 : index
    %swap3A_190 = vector.load %arg6[%swap3A_188, %swap3A_189] : memref<1024x8xf32, #tpu.memory_space<vmem>>, vector<1024x1xf32>
    tpu.vector_store %arg6[%swap3A_188, %swap3A_189], %broadcast_in_dim3A_169 {strides = array<i32>} : memref<1024x8xf32, #tpu.memory_space<vmem>>, vector<1024x1xf32>,
    %get3A_191 = arith.constant 0 : index
    %get3A_192 = arith.constant 1024 : index
    %get3A_193 = vector.load %arg1[%get3A_191, %get3A_192] : memref<1024x2048xf32, #tpu.memory_space<vmem>>, vector<1024x256xf32>
    %get3A_194 = arith.constant 4 : index
    %get3A_195 = arith.constant 0 : index
    %get3A_196 = arith.constant 0 : index
    %get3A_197 = vector.load %arg3[%get3A_194, %get3A_195, %get3A_196] : memref<8x1024x256xf32, #tpu.memory_space<vmem>>, vector<1x1024x256xf32>
    %get3A_198 = vector.shape_cast %get3A_197 : vector<1x1024x256xf32> to vector<1024x256xf32>
    %dot_general3A_199 = arith.constant dense<0.000000e+00> : vector<1024x1024xf32>
    %dot_general3A_200 = tpu.matmul %get3A_193, %get3A_198, %dot_general3A_199 {dimension_numbers = #tpu.dot_dimension_numbers<[1], [1], [0], [0], [0, 0, 1, 0], [], []>, transpose_lhs_hint = false} : vector<1024x256xf32>, vector<1024x256xf32>, vector<1024x1024xf32> -> vector<1024x1024xf32>
    %mul3A_201 = arith.mulf %get3A_193, %get3A_193 : vector<1024x256xf32>
    %reduce_sum3A_202 = arith.constant dense<0.000000e+00> : vector<1024xf32>
    %reduce_sum3A_203 = vector.multi_reduction <add>, %mul3A_201, %reduce_sum3A_202 [1] : vector<1024x256xf32> to vector<1024xf32>
    %broadcast_in_dim3A_204 = vector.shape_cast %reduce_sum3A_203 : vector<1024xf32> to vector<1024x1xf32>
    %get3A_205 = arith.constant 4 : index
    %get3A_206 = arith.constant 0 : index
    %get3A_207 = vector.load %arg2[%get3A_205, %get3A_206] : memref<8x1024xf32, #tpu.memory_space<vmem>>, vector<1x1024xf32>
    %add3A_208 = vector.broadcast %broadcast_in_dim3A_204 : vector<1024x1xf32> to vector<1024x1024xf32>
    %add3A_209 = vector.broadcast %get3A_207 : vector<1x1024xf32> to vector<1024x1024xf32>
    %add3A_210 = arith.addf %add3A_208, %add3A_209 : vector<1024x1024xf32>
    %mul3A_211 = arith.constant 2.000000e+00 : f32
    %mul3A_212 = vector.broadcast %mul3A_211 : f32 to vector<1024x1024xf32>
    %mul3A_213 = arith.mulf %mul3A_212, %dot_general3A_200 : vector<1024x1024xf32>
    %sub3A_214 = arith.subf %add3A_210, %mul3A_213 : vector<1024x1024xf32>
    %max3A_215 = arith.constant 0.000000e+00 : f32
    %max3A_216 = vector.broadcast %max3A_215 : f32 to vector<1024x1024xf32>
    %max3A_217 = arith.maximumf %sub3A_214, %max3A_216 : vector<1024x1024xf32>
    %reduce_min3A_218 = arith.constant dense<0x7F800000> : vector<1024xf32>
    %reduce_min3A_219 = vector.multi_reduction <minimumf>, %max3A_217, %reduce_min3A_218 [1] : vector<1024x1024xf32> to vector<1024xf32>
    %broadcast_in_dim3A_220 = vector.shape_cast %reduce_min3A_219 : vector<1024xf32> to vector<1024x1xf32>
    %eq3A_221 = vector.broadcast %broadcast_in_dim3A_220 : vector<1024x1xf32> to vector<1024x1024xf32>
    %eq3A_222 = arith.cmpf oeq, %max3A_217, %eq3A_221 : vector<1024x1024xf32>
    %jit3A_223 = arith.constant 1024 : i32
    %broadcast_in_dim3A_224 = vector.broadcast %jit3A_223 : i32 to vector<1024x1024xi32>
    %select_n3A_225 = arith.select %eq3A_222, %iota3A, %broadcast_in_dim3A_224 : vector<1024x1024xi1>, vector<1024x1024xi32>
    %reduce_min3A_226 = arith.constant dense<2147483647> : vector<1024xi32>
    %reduce_min3A_227 = vector.multi_reduction <minsi>, %select_n3A_225, %reduce_min3A_226 [1] : vector<1024x1024xi32> to vector<1024xi32>
    %broadcast_in_dim3A_228 = vector.shape_cast %reduce_min3A_227 : vector<1024xi32> to vector<1024x1xi32>
    %swap3A_229 = arith.constant 0 : index
    %swap3A_230 = arith.constant 4 : index
    %swap3A_231 = vector.load %arg4[%swap3A_229, %swap3A_230] : memref<1024x8xi32, #tpu.memory_space<vmem>>, vector<1024x1xi32>
    tpu.vector_store %arg4[%swap3A_229, %swap3A_230], %broadcast_in_dim3A_228 {strides = array<i32>} : memref<1024x8xi32, #tpu.memory_space<vmem>>, vector<1024x1xi32>,
    %add3A_232 = arith.constant 4096 : i32
    %add3A_233 = vector.broadcast %add3A_232 : i32 to vector<1024xi32>
    %add3A_234 = arith.addi %reduce_min3A_227, %add3A_233 : vector<1024xi32>
    %broadcast_in_dim3A_235 = vector.shape_cast %add3A_234 : vector<1024xi32> to vector<1x1024xi32>
    %swap3A_236 = arith.constant 4 : index
    %swap3A_237 = arith.constant 0 : index
    %swap3A_238 = vector.load %arg5[%swap3A_236, %swap3A_237] : memref<8x1024xi32, #tpu.memory_space<vmem>>, vector<1x1024xi32>
    tpu.vector_store %arg5[%swap3A_236, %swap3A_237], %broadcast_in_dim3A_235 {strides = array<i32>} : memref<8x1024xi32, #tpu.memory_space<vmem>>, vector<1x1024xi32>,
    %swap3A_239 = arith.constant 0 : index
    %swap3A_240 = arith.constant 4 : index
    %swap3A_241 = vector.load %arg6[%swap3A_239, %swap3A_240] : memref<1024x8xf32, #tpu.memory_space<vmem>>, vector<1024x1xf32>
    tpu.vector_store %arg6[%swap3A_239, %swap3A_240], %broadcast_in_dim3A_220 {strides = array<i32>} : memref<1024x8xf32, #tpu.memory_space<vmem>>, vector<1024x1xf32>,
    %get3A_242 = arith.constant 0 : index
    %get3A_243 = arith.constant 1280 : index
    %get3A_244 = vector.load %arg1[%get3A_242, %get3A_243] : memref<1024x2048xf32, #tpu.memory_space<vmem>>, vector<1024x256xf32>
    %get3A_245 = arith.constant 5 : index
    %get3A_246 = arith.constant 0 : index
    %get3A_247 = arith.constant 0 : index
    %get3A_248 = vector.load %arg3[%get3A_245, %get3A_246, %get3A_247] : memref<8x1024x256xf32, #tpu.memory_space<vmem>>, vector<1x1024x256xf32>
    %get3A_249 = vector.shape_cast %get3A_248 : vector<1x1024x256xf32> to vector<1024x256xf32>
    %dot_general3A_250 = arith.constant dense<0.000000e+00> : vector<1024x1024xf32>
    %dot_general3A_251 = tpu.matmul %get3A_244, %get3A_249, %dot_general3A_250 {dimension_numbers = #tpu.dot_dimension_numbers<[1], [1], [0], [0], [0, 0, 1, 0], [], []>, transpose_lhs_hint = false} : vector<1024x256xf32>, vector<1024x256xf32>, vector<1024x1024xf32> -> vector<1024x1024xf32>
    %mul3A_252 = arith.mulf %get3A_244, %get3A_244 : vector<1024x256xf32>
    %reduce_sum3A_253 = arith.constant dense<0.000000e+00> : vector<1024xf32>
    %reduce_sum3A_254 = vector.multi_reduction <add>, %mul3A_252, %reduce_sum3A_253 [1] : vector<1024x256xf32> to vector<1024xf32>
    %broadcast_in_dim3A_255 = vector.shape_cast %reduce_sum3A_254 : vector<1024xf32> to vector<1024x1xf32>
    %get3A_256 = arith.constant 5 : index
    %get3A_257 = arith.constant 0 : index
    %get3A_258 = vector.load %arg2[%get3A_256, %get3A_257] : memref<8x1024xf32, #tpu.memory_space<vmem>>, vector<1x1024xf32>
    %add3A_259 = vector.broadcast %broadcast_in_dim3A_255 : vector<1024x1xf32> to vector<1024x1024xf32>
    %add3A_260 = vector.broadcast %get3A_258 : vector<1x1024xf32> to vector<1024x1024xf32>
    %add3A_261 = arith.addf %add3A_259, %add3A_260 : vector<1024x1024xf32>
    %mul3A_262 = arith.constant 2.000000e+00 : f32
    %mul3A_263 = vector.broadcast %mul3A_262 : f32 to vector<1024x1024xf32>
    %mul3A_264 = arith.mulf %mul3A_263, %dot_general3A_251 : vector<1024x1024xf32>
    %sub3A_265 = arith.subf %add3A_261, %mul3A_264 : vector<1024x1024xf32>
    %max3A_266 = arith.constant 0.000000e+00 : f32
    %max3A_267 = vector.broadcast %max3A_266 : f32 to vector<1024x1024xf32>
    %max3A_268 = arith.maximumf %sub3A_265, %max3A_267 : vector<1024x1024xf32>
    %reduce_min3A_269 = arith.constant dense<0x7F800000> : vector<1024xf32>
    %reduce_min3A_270 = vector.multi_reduction <minimumf>, %max3A_268, %reduce_min3A_269 [1] : vector<1024x1024xf32> to vector<1024xf32>
    %broadcast_in_dim3A_271 = vector.shape_cast %reduce_min3A_270 : vector<1024xf32> to vector<1024x1xf32>
    %eq3A_272 = vector.broadcast %broadcast_in_dim3A_271 : vector<1024x1xf32> to vector<1024x1024xf32>
    %eq3A_273 = arith.cmpf oeq, %max3A_268, %eq3A_272 : vector<1024x1024xf32>
    %jit3A_274 = arith.constant 1024 : i32
    %broadcast_in_dim3A_275 = vector.broadcast %jit3A_274 : i32 to vector<1024x1024xi32>
    %select_n3A_276 = arith.select %eq3A_273, %iota3A, %broadcast_in_dim3A_275 : vector<1024x1024xi1>, vector<1024x1024xi32>
    %reduce_min3A_277 = arith.constant dense<2147483647> : vector<1024xi32>
    %reduce_min3A_278 = vector.multi_reduction <minsi>, %select_n3A_276, %reduce_min3A_277 [1] : vector<1024x1024xi32> to vector<1024xi32>
    %broadcast_in_dim3A_279 = vector.shape_cast %reduce_min3A_278 : vector<1024xi32> to vector<1024x1xi32>
    %swap3A_280 = arith.constant 0 : index
    %swap3A_281 = arith.constant 5 : index
    %swap3A_282 = vector.load %arg4[%swap3A_280, %swap3A_281] : memref<1024x8xi32, #tpu.memory_space<vmem>>, vector<1024x1xi32>
    tpu.vector_store %arg4[%swap3A_280, %swap3A_281], %broadcast_in_dim3A_279 {strides = array<i32>} : memref<1024x8xi32, #tpu.memory_space<vmem>>, vector<1024x1xi32>,
    %add3A_283 = arith.constant 5120 : i32
    %add3A_284 = vector.broadcast %add3A_283 : i32 to vector<1024xi32>
    %add3A_285 = arith.addi %reduce_min3A_278, %add3A_284 : vector<1024xi32>
    %broadcast_in_dim3A_286 = vector.shape_cast %add3A_285 : vector<1024xi32> to vector<1x1024xi32>
    %swap3A_287 = arith.constant 5 : index
    %swap3A_288 = arith.constant 0 : index
    %swap3A_289 = vector.load %arg5[%swap3A_287, %swap3A_288] : memref<8x1024xi32, #tpu.memory_space<vmem>>, vector<1x1024xi32>
    tpu.vector_store %arg5[%swap3A_287, %swap3A_288], %broadcast_in_dim3A_286 {strides = array<i32>} : memref<8x1024xi32, #tpu.memory_space<vmem>>, vector<1x1024xi32>,
    %swap3A_290 = arith.constant 0 : index
    %swap3A_291 = arith.constant 5 : index
    %swap3A_292 = vector.load %arg6[%swap3A_290, %swap3A_291] : memref<1024x8xf32, #tpu.memory_space<vmem>>, vector<1024x1xf32>
    tpu.vector_store %arg6[%swap3A_290, %swap3A_291], %broadcast_in_dim3A_271 {strides = array<i32>} : memref<1024x8xf32, #tpu.memory_space<vmem>>, vector<1024x1xf32>,
    %get3A_293 = arith.constant 0 : index
    %get3A_294 = arith.constant 1536 : index
    %get3A_295 = vector.load %arg1[%get3A_293, %get3A_294] : memref<1024x2048xf32, #tpu.memory_space<vmem>>, vector<1024x256xf32>
    %get3A_296 = arith.constant 6 : index
    %get3A_297 = arith.constant 0 : index
    %get3A_298 = arith.constant 0 : index
    %get3A_299 = vector.load %arg3[%get3A_296, %get3A_297, %get3A_298] : memref<8x1024x256xf32, #tpu.memory_space<vmem>>, vector<1x1024x256xf32>
    %get3A_300 = vector.shape_cast %get3A_299 : vector<1x1024x256xf32> to vector<1024x256xf32>
    %dot_general3A_301 = arith.constant dense<0.000000e+00> : vector<1024x1024xf32>
    %dot_general3A_302 = tpu.matmul %get3A_295, %get3A_300, %dot_general3A_301 {dimension_numbers = #tpu.dot_dimension_numbers<[1], [1], [0], [0], [0, 0, 1, 0], [], []>, transpose_lhs_hint = false} : vector<1024x256xf32>, vector<1024x256xf32>, vector<1024x1024xf32> -> vector<1024x1024xf32>
    %mul3A_303 = arith.mulf %get3A_295, %get3A_295 : vector<1024x256xf32>
    %reduce_sum3A_304 = arith.constant dense<0.000000e+00> : vector<1024xf32>
    %reduce_sum3A_305 = vector.multi_reduction <add>, %mul3A_303, %reduce_sum3A_304 [1] : vector<1024x256xf32> to vector<1024xf32>
    %broadcast_in_dim3A_306 = vector.shape_cast %reduce_sum3A_305 : vector<1024xf32> to vector<1024x1xf32>
    %get3A_307 = arith.constant 6 : index
    %get3A_308 = arith.constant 0 : index
    %get3A_309 = vector.load %arg2[%get3A_307, %get3A_308] : memref<8x1024xf32, #tpu.memory_space<vmem>>, vector<1x1024xf32>
    %add3A_310 = vector.broadcast %broadcast_in_dim3A_306 : vector<1024x1xf32> to vector<1024x1024xf32>
    %add3A_311 = vector.broadcast %get3A_309 : vector<1x1024xf32> to vector<1024x1024xf32>
    %add3A_312 = arith.addf %add3A_310, %add3A_311 : vector<1024x1024xf32>
    %mul3A_313 = arith.constant 2.000000e+00 : f32
    %mul3A_314 = vector.broadcast %mul3A_313 : f32 to vector<1024x1024xf32>
    %mul3A_315 = arith.mulf %mul3A_314, %dot_general3A_302 : vector<1024x1024xf32>
    %sub3A_316 = arith.subf %add3A_312, %mul3A_315 : vector<1024x1024xf32>
    %max3A_317 = arith.constant 0.000000e+00 : f32
    %max3A_318 = vector.broadcast %max3A_317 : f32 to vector<1024x1024xf32>
    %max3A_319 = arith.maximumf %sub3A_316, %max3A_318 : vector<1024x1024xf32>
    %reduce_min3A_320 = arith.constant dense<0x7F800000> : vector<1024xf32>
    %reduce_min3A_321 = vector.multi_reduction <minimumf>, %max3A_319, %reduce_min3A_320 [1] : vector<1024x1024xf32> to vector<1024xf32>
    %broadcast_in_dim3A_322 = vector.shape_cast %reduce_min3A_321 : vector<1024xf32> to vector<1024x1xf32>
    %eq3A_323 = vector.broadcast %broadcast_in_dim3A_322 : vector<1024x1xf32> to vector<1024x1024xf32>
    %eq3A_324 = arith.cmpf oeq, %max3A_319, %eq3A_323 : vector<1024x1024xf32>
    %jit3A_325 = arith.constant 1024 : i32
    %broadcast_in_dim3A_326 = vector.broadcast %jit3A_325 : i32 to vector<1024x1024xi32>
    %select_n3A_327 = arith.select %eq3A_324, %iota3A, %broadcast_in_dim3A_326 : vector<1024x1024xi1>, vector<1024x1024xi32>
    %reduce_min3A_328 = arith.constant dense<2147483647> : vector<1024xi32>
    %reduce_min3A_329 = vector.multi_reduction <minsi>, %select_n3A_327, %reduce_min3A_328 [1] : vector<1024x1024xi32> to vector<1024xi32>
    %broadcast_in_dim3A_330 = vector.shape_cast %reduce_min3A_329 : vector<1024xi32> to vector<1024x1xi32>
    %swap3A_331 = arith.constant 0 : index
    %swap3A_332 = arith.constant 6 : index
    %swap3A_333 = vector.load %arg4[%swap3A_331, %swap3A_332] : memref<1024x8xi32, #tpu.memory_space<vmem>>, vector<1024x1xi32>
    tpu.vector_store %arg4[%swap3A_331, %swap3A_332], %broadcast_in_dim3A_330 {strides = array<i32>} : memref<1024x8xi32, #tpu.memory_space<vmem>>, vector<1024x1xi32>,
    %add3A_334 = arith.constant 6144 : i32
    %add3A_335 = vector.broadcast %add3A_334 : i32 to vector<1024xi32>
    %add3A_336 = arith.addi %reduce_min3A_329, %add3A_335 : vector<1024xi32>
    %broadcast_in_dim3A_337 = vector.shape_cast %add3A_336 : vector<1024xi32> to vector<1x1024xi32>
    %swap3A_338 = arith.constant 6 : index
    %swap3A_339 = arith.constant 0 : index
    %swap3A_340 = vector.load %arg5[%swap3A_338, %swap3A_339] : memref<8x1024xi32, #tpu.memory_space<vmem>>, vector<1x1024xi32>
    tpu.vector_store %arg5[%swap3A_338, %swap3A_339], %broadcast_in_dim3A_337 {strides = array<i32>} : memref<8x1024xi32, #tpu.memory_space<vmem>>, vector<1x1024xi32>,
    %swap3A_341 = arith.constant 0 : index
    %swap3A_342 = arith.constant 6 : index
    %swap3A_343 = vector.load %arg6[%swap3A_341, %swap3A_342] : memref<1024x8xf32, #tpu.memory_space<vmem>>, vector<1024x1xf32>
    tpu.vector_store %arg6[%swap3A_341, %swap3A_342], %broadcast_in_dim3A_322 {strides = array<i32>} : memref<1024x8xf32, #tpu.memory_space<vmem>>, vector<1024x1xf32>,
    %get3A_344 = arith.constant 0 : index
    %get3A_345 = arith.constant 1792 : index
    %get3A_346 = vector.load %arg1[%get3A_344, %get3A_345] : memref<1024x2048xf32, #tpu.memory_space<vmem>>, vector<1024x256xf32>
    %get3A_347 = arith.constant 7 : index
    %get3A_348 = arith.constant 0 : index
    %get3A_349 = arith.constant 0 : index
    %get3A_350 = vector.load %arg3[%get3A_347, %get3A_348, %get3A_349] : memref<8x1024x256xf32, #tpu.memory_space<vmem>>, vector<1x1024x256xf32>
    %get3A_351 = vector.shape_cast %get3A_350 : vector<1x1024x256xf32> to vector<1024x256xf32>
    %dot_general3A_352 = arith.constant dense<0.000000e+00> : vector<1024x1024xf32>
    %dot_general3A_353 = tpu.matmul %get3A_346, %get3A_351, %dot_general3A_352 {dimension_numbers = #tpu.dot_dimension_numbers<[1], [1], [0], [0], [0, 0, 1, 0], [], []>, transpose_lhs_hint = false} : vector<1024x256xf32>, vector<1024x256xf32>, vector<1024x1024xf32> -> vector<1024x1024xf32>
    %mul3A_354 = arith.mulf %get3A_346, %get3A_346 : vector<1024x256xf32>
    %reduce_sum3A_355 = arith.constant dense<0.000000e+00> : vector<1024xf32>
    %reduce_sum3A_356 = vector.multi_reduction <add>, %mul3A_354, %reduce_sum3A_355 [1] : vector<1024x256xf32> to vector<1024xf32>
    %broadcast_in_dim3A_357 = vector.shape_cast %reduce_sum3A_356 : vector<1024xf32> to vector<1024x1xf32>
    %get3A_358 = arith.constant 7 : index
    %get3A_359 = arith.constant 0 : index
    %get3A_360 = vector.load %arg2[%get3A_358, %get3A_359] : memref<8x1024xf32, #tpu.memory_space<vmem>>, vector<1x1024xf32>
    %add3A_361 = vector.broadcast %broadcast_in_dim3A_357 : vector<1024x1xf32> to vector<1024x1024xf32>
    %add3A_362 = vector.broadcast %get3A_360 : vector<1x1024xf32> to vector<1024x1024xf32>
    %add3A_363 = arith.addf %add3A_361, %add3A_362 : vector<1024x1024xf32>
    %mul3A_364 = arith.constant 2.000000e+00 : f32
    %mul3A_365 = vector.broadcast %mul3A_364 : f32 to vector<1024x1024xf32>
    %mul3A_366 = arith.mulf %mul3A_365, %dot_general3A_353 : vector<1024x1024xf32>
    %sub3A_367 = arith.subf %add3A_363, %mul3A_366 : vector<1024x1024xf32>
    %max3A_368 = arith.constant 0.000000e+00 : f32
    %max3A_369 = vector.broadcast %max3A_368 : f32 to vector<1024x1024xf32>
    %max3A_370 = arith.maximumf %sub3A_367, %max3A_369 : vector<1024x1024xf32>
    %reduce_min3A_371 = arith.constant dense<0x7F800000> : vector<1024xf32>
    %reduce_min3A_372 = vector.multi_reduction <minimumf>, %max3A_370, %reduce_min3A_371 [1] : vector<1024x1024xf32> to vector<1024xf32>
    %broadcast_in_dim3A_373 = vector.shape_cast %reduce_min3A_372 : vector<1024xf32> to vector<1024x1xf32>
    %eq3A_374 = vector.broadcast %broadcast_in_dim3A_373 : vector<1024x1xf32> to vector<1024x1024xf32>
    %eq3A_375 = arith.cmpf oeq, %max3A_370, %eq3A_374 : vector<1024x1024xf32>
    %jit3A_376 = arith.constant 1024 : i32
    %broadcast_in_dim3A_377 = vector.broadcast %jit3A_376 : i32 to vector<1024x1024xi32>
    %select_n3A_378 = arith.select %eq3A_375, %iota3A, %broadcast_in_dim3A_377 : vector<1024x1024xi1>, vector<1024x1024xi32>
    %reduce_min3A_379 = arith.constant dense<2147483647> : vector<1024xi32>
    %reduce_min3A_380 = vector.multi_reduction <minsi>, %select_n3A_378, %reduce_min3A_379 [1] : vector<1024x1024xi32> to vector<1024xi32>
    %broadcast_in_dim3A_381 = vector.shape_cast %reduce_min3A_380 : vector<1024xi32> to vector<1024x1xi32>
    %swap3A_382 = arith.constant 0 : index
    %swap3A_383 = arith.constant 7 : index
    %swap3A_384 = vector.load %arg4[%swap3A_382, %swap3A_383] : memref<1024x8xi32, #tpu.memory_space<vmem>>, vector<1024x1xi32>
    tpu.vector_store %arg4[%swap3A_382, %swap3A_383], %broadcast_in_dim3A_381 {strides = array<i32>} : memref<1024x8xi32, #tpu.memory_space<vmem>>, vector<1024x1xi32>,
    %add3A_385 = arith.constant 7168 : i32
    %add3A_386 = vector.broadcast %add3A_385 : i32 to vector<1024xi32>
    %add3A_387 = arith.addi %reduce_min3A_380, %add3A_386 : vector<1024xi32>
    %broadcast_in_dim3A_388 = vector.shape_cast %add3A_387 : vector<1024xi32> to vector<1x1024xi32>
    %swap3A_389 = arith.constant 7 : index
    %swap3A_390 = arith.constant 0 : index
    %swap3A_391 = vector.load %arg5[%swap3A_389, %swap3A_390] : memref<8x1024xi32, #tpu.memory_space<vmem>>, vector<1x1024xi32>
    tpu.vector_store %arg5[%swap3A_389, %swap3A_390], %broadcast_in_dim3A_388 {strides = array<i32>} : memref<8x1024xi32, #tpu.memory_space<vmem>>, vector<1x1024xi32>,
    %swap3A_392 = arith.constant 0 : index
    %swap3A_393 = arith.constant 7 : index
    %swap3A_394 = vector.load %arg6[%swap3A_392, %swap3A_393] : memref<1024x8xf32, #tpu.memory_space<vmem>>, vector<1024x1xf32>
    tpu.vector_store %arg6[%swap3A_392, %swap3A_393], %broadcast_in_dim3A_373 {strides = array<i32>} : memref<1024x8xf32, #tpu.memory_space<vmem>>, vector<1024x1xf32>,
    return
  }
  func.func @transform_0(%arg0: i32) -> (i32, i32) {
    %c0_i32 = arith.constant 0 : i32
    %c0_i32_0 = arith.constant 0 : i32
    return %arg0, %c0_i32 : i32, i32
  }
  func.func @transform_1(%arg0: i32) -> (i32, i32) {
    %c0_i32 = arith.constant 0 : i32
    %c0_i32_0 = arith.constant 0 : i32
    %c0_i32_1 = arith.constant 0 : i32
    return %c0_i32, %c0_i32_0 : i32, i32
  }
  func.func @transform_2(%arg0: i32) -> (i32, i32, i32) {
    %c0_i32 = arith.constant 0 : i32
    %c0_i32_0 = arith.constant 0 : i32
    %c0_i32_1 = arith.constant 0 : i32
    %c0_i32_2 = arith.constant 0 : i32
    return %c0_i32, %c0_i32_0, %c0_i32_1 : i32, i32, i32
  }
  func.func @transform_3(%arg0: i32) -> (i32, i32) {
    %c0_i32 = arith.constant 0 : i32
    %c0_i32_0 = arith.constant 0 : i32
    return %arg0, %c0_i32 : i32, i32
  }
  func.func @transform_4(%arg0: i32) -> (i32, i32) {
    %c0_i32 = arith.constant 0 : i32
    %c0_i32_0 = arith.constant 0 : i32
    return %c0_i32, %arg0 : i32, i32
  }
  func.func @transform_5(%arg0: i32) -> (i32, i32) {
    %c0_i32 = arith.constant 0 : i32
    %c0_i32_0 = arith.constant 0 : i32
    return %arg0, %c0_i32 : i32, i32
  }
}

</mosaic_0001>

<sc_bundles>
// kernel: kernel.4.cloned.1.call-start
scs
__scs_entry_jumppad:
0x0: {  	(pc) =	sbr.rel $0x88, $3  }
0x1: {  	(tag) =	ssettag $0x0;
	lr =	simm.s32 $0x1  }
0x2: {  	[smem:$0x3F9F] =	sst lr;
	_ =	strace $0xD0000000  }
0x3: {  	_ = 	snop  }
0x4: {  	_ = 	snop  }
0x5: {  	_ = 	snop  }
0x6: {  	_ = 	snop  }
0x7: {  	_ = 	snop  }
__scs_overlays_trampoline_lowered:
0x8: {  	[smem:$0x3FAE] =	sst s0  }
0x9: {  	[smem:$0x3FAF] =	sst s1  }
0xa: {  	[smem:$0x3FB0] =	sst s2  }
0xb: {  	[smem:$0x3FB1] =	sst s3  }
0xc: {  	[smem:$0x3FB2] =	sst s4  }
0xd: {  	[smem:$0x3FB3] =	sst s5  }
0xe: {  	[smem:$0x3FB4] =	sst s6  }
0xf: {  	[smem:$0x3FB5] =	sst s7  }
0x10: {  	[smem:$0x3FB6] =	sst s8  }
0x11: {  	[smem:$0x3FB7] =	sst s9;
	s0 =	simm.s32 @!p0 $0x0  }
0x12: {  	s1 =	sld [smem:$0x3F9D];
	s0 =	simm.s32 @p0 $0x1  }
0x13: {  	[smem:$0x3FB8] =	sst s0;
	s0 =	simm.s32 @!p1 $0x0  }
0x14: {  	s2 =	sld [smem:$0x3F9C];
	s0 =	simm.s32 @p1 $0x1  }
0x15: {  	[smem:$0x3FB9] =	sst s0;
	s0 =	simm.s32 @!p2 $0x0  }
0x16: {  	s3 =	sld [smem:$0x3FDB];
	s0 =	simm.s32 @p2 $0x1  }
0x17: {  	s4 =	simm.s32 $0x1BF5;
	[smem:$0x3FBB] =	sst s0  }
0x18: {  	s0 =	sld [smem:$0x3F9E];
	_ =	swait.ge [sflag:s4], $0x0  }
0x19: {  	s7 =	sld [smem:$0x3F9F]  }
0x1a: {  	s8 =	sadd.s32 $0xFFFFE003, lr  }
0x1b: {  	s9 =	sadd.s32 $0xFFFFFEF7, lr;
	s5 =	simm.s32 $0xFFFFFFFF;
	p2 =	slt.u32 s8, $0xFFFFF086  }
0x1c: {  	p1 =	slt.u32 s9, $0xF7A;
	s5 =	simm.s32 @!p2 $0x0  }
0x1d: {  	s5 =	simm.s32 @p1 $0x1;
	p0 =	seq.s32 s7, s2  }
0x1e: {  	s7 =	smul.u32 @!p0 $0xF7A, s2;
	p2 =	seq.s32 @!p0 s5, $0x0  }
0x1f: {  	s9 =	smul.u32 $0xF7A, s1;
	s8 =	simm.s32 @!p0 $0x1BF5;
	p2 =	por !p2, p0  }
0x20: {  	[sflag:s8] =	ssyncset.s32 @!p0 $0xFFFFF086;
	s6 =	sadd.s32 @!p0 s3, s7;
	s7 =	simm.s32 @!p0 $0x108  }
0x21: {  	s3 =	sadd.s32 s3, s9;
	s6 =	sadd.s32 @!p0 $0x88, s6;
	s7 =	simm.s32 @p2 $0x1082  }
0x22: {  	[simem:s7], [sflag:s8] =	dma.local @!p0 [hbm:s6], $0xF7A  }
0x23: {  	s9 =	sor.u32 $0xD0000000, s2;
	s6 =	simm.s32 $0x108;
	_ =	swait.ge @!p0 [sflag:s8], $0x0  }
0x24: {  	s3 =	sadd.s32 $0x88, s3;
	s6 =	simm.s32 @!p1 $0x1082;
	[sflag:s4] =	ssyncset.s32 $0xFFFFF086  }
0x25: {  	[simem:s6], [sflag:s4] =	dma.local [hbm:s3], $0xF7A  }
0x26: {  	[smem:$0x3F9F] =	sst s1;
	(tag) =	ssettag s2;
	_ =	strace s9  }
0x27: {  	s1 =	sld [smem:$0x3FAF]  }
0x28: {  	s2 =	sld [smem:$0x3FB0]  }
0x29: {  	s4 =	sld [smem:$0x3FB2]  }
0x2a: {  	p0 =	seq.s32 s5, $0x0;
	s5 =	sld [smem:$0x3FB3]  }
0x2b: {  	s6 =	sld [smem:$0x3FB4]  }
0x2c: {  	s7 =	sld [smem:$0x3FB5]  }
0x2d: {  	s3 =	simm.s32 $0x108;
	s8 =	sld [smem:$0x3FB6]  }
0x2e: {  	s3 =	simm.s32 @!p0 $0x1082;
	s9 =	sld [smem:$0x3FB7]  }
0x2f: {  	lr =	sadd.s32 s0, s3;
	s0 =	sld [smem:$0x3FAE]  }
0x30: {  	s3 =	sld [smem:$0x3FB1]  }
0x31: {  	[smem:$0x3FBA] =	sst s10  }
0x32: {  	s10 =	sld [smem:$0x3FB8];
	_ =	sdelay $0x3  }
0x33: {  	p0 =	seq.s32 s10, $0x1;
	s10 =	sld [smem:$0x3FBA];
	_ =	sdelay $0x3  }
0x34: {  	[smem:$0x3FBA] =	sst s10  }
0x35: {  	s10 =	sld [smem:$0x3FB9];
	_ =	sdelay $0x3  }
0x36: {  	p1 =	seq.s32 s10, $0x1;
	s10 =	sld [smem:$0x3FBA];
	_ =	sdelay $0x3  }
0x37: {  	[smem:$0x3FBA] =	sst s10  }
0x38: {  	s10 =	sld [smem:$0x3FBB]  }
0x39: {  	_ = 	snop;
	(pc) =	sbr.ind lr, $3  }
0x3a: {  	_ = 	snop  }
0x3b: {  	_ = 	snop  }
0x3c: {  	p2 =	seq.s32 s10, $0x1;
	s10 =	sld [smem:$0x3FBA]  }
0x3d: {  	_ =	shalt  }
0x3e: {  	_ =	shalt  }
0x3f: {  	_ =	shalt  }
0x40: {  	_ =	shalt  }
0x41: {  	_ =	shalt  }
0x42: {  	_ =	shalt  }
0x43: {  	_ =	shalt  }
0x44: {  	_ =	shalt  }
0x45: {  	_ =	shalt  }
0x46: {  	_ =	shalt  }
0x47: {  	_ =	shalt  }
0x48: {  	_ =	shalt  }
0x49: {  	_ =	shalt  }
0x4a: {  	_ =	shalt  }
0x4b: {  	_ =	shalt  }
0x4c: {  	_ =	shalt  }
0x4d: {  	_ =	shalt  }
0x4e: {  	_ =	shalt  }
0x4f: {  	_ =	shalt  }
0x50: {  	_ =	shalt  }
0x51: {  	_ =	shalt  }
0x52: {  	_ =	shalt  }
0x53: {  	_ =	shalt  }
0x54: {  	_ =	shalt  }
0x55: {  	_ =	shalt  }
0x56: {  	_ =	shalt  }
0x57: {  	_ =	shalt  }
0x58: {  	_ =	shalt  }
0x59: {  	_ =	shalt  }
0x5a: {  	_ =	shalt  }
0x5b: {  	_ =	shalt  }
0x5c: {  	_ =	shalt  }
0x5d: {  	_ =	shalt  }
0x5e: {  	_ =	shalt  }
0x5f: {  	_ =	shalt  }
0x60: {  	_ =	shalt  }
0x61: {  	_ =	shalt  }
0x62: {  	_ =	shalt  }
0x63: {  	_ =	shalt  }
0x64: {  	_ =	shalt  }
0x65: {  	_ =	shalt  }
0x66: {  	_ =	shalt  }
0x67: {  	_ =	shalt  }
0x68: {  	_ =	shalt  }
0x69: {  	_ =	shalt  }
0x6a: {  	_ =	shalt  }
0x6b: {  	_ =	shalt  }
0x6c: {  	_ =	shalt  }
0x6d: {  	_ =	shalt  }
0x6e: {  	_ =	shalt  }
0x6f: {  	_ =	shalt  }
0x70: {  	_ =	shalt  }
0x71: {  	_ =	shalt  }
0x72: {  	_ =	shalt  }
0x73: {  	_ =	shalt  }
0x74: {  	_ =	shalt  }
0x75: {  	_ =	shalt  }
0x76: {  	_ =	shalt  }
0x77: {  	_ =	shalt  }
0x78: {  	_ =	shalt  }
0x79: {  	_ =	shalt  }
0x7a: {  	_ =	shalt  }
0x7b: {  	_ =	shalt  }
0x7c: {  	_ =	shalt  }
0x7d: {  	_ =	shalt  }
0x7e: {  	_ =	shalt  }
0x7f: {  	_ =	shalt  }
0x80: {  	_ =	shalt  }
0x81: {  	_ =	shalt  }
0x82: {  	_ =	shalt  }
0x83: {  	_ =	shalt  }
0x84: {  	_ =	shalt  }
0x85: {  	_ =	shalt  }
0x86: {  	_ =	shalt  }
0x87: {  	_ =	shalt  }
.Lfunc_end0:
.L_simem_size_0:
called_computation_lowered:
.L_overlay_start_0:
0x88: {  	s2 =	sld [smem:$0x3FD9]  }
0x89: {  	s3 =	sld [smem:$0x3FFE];
	_ =	sdelay $0x1  }
0x8a: {  	s1 =	srdreg.scid  }
0x8b: {  	s0 =	sand.u32 $0x1, s1  }
0x8c: {  	s14 =	sshll.u32 s0, $0xA;
	s2 =	sadd.s32 s3, s2  }
0x8d: {  	s2 =	sadd.s32 s2, s14  }
0x8e: {  	[smem:$0x3FC6] =	sst s2  }
0x8f: {  	_ = 	snop  }
0x90: {  	s2 =	sld [smem:$0x3FD0];
	_ =	sdelay $0x2  }
0x91: {  	s4 =	simm.s32 $0xA;
	s5 =	simm.s32 $0x10;
	s15 =	sld [smem:$0x3FC8]  }
0x92: {  	[smem:s5], [sflag:s4] =	dma.local [hbm:s2], $0x1  }
0x93: {  	_ =	swait.eq [sflag:s4], $0x1  }
0x94: {  	[sflag:s4] =	ssyncset.done $0x0  }
0x95: {  	[sflag:s4] =	ssyncadd.s32 $0xFFFFFFFF  }
0x96: {  	s16 =	sld [smem:$0x10];
	(tm) =	ssettm $0x1  }
0x97: {  	s17 =	sld [smem:$0x3FFB];
	_ =	sdelay $0x3  }
0x98: {  	_ =	strace s17  }
0x99: {  	s4 =	sld [smem:$0x3FFC];
	_ =	sdelay $0x3  }
0x9a: {  	_ =	strace s4  }
0x9b: {  	s4 =	sld [smem:$0x3FFD];
	_ =	sdelay $0x3  }
0x9c: {  	_ =	strace s4  }
0x9d: {  	_ =	strace $0x8FFFFFFF  }
0x9e: {  	s18 =	sld [smem:$0x3FDB];
	_ =	sdelay $0x1  }
0x9f: {  	s19 =	simm.s32 $_scs_section_size  }
0xa0: {  	s6 =	simm.s32 $_size__tile_overlayer_lowered;
	s7 =	simm.s32 $_tile_overlayer_lowered  }
0xa1: {  	s22 =	simm.s32 $0x1BFF;
	s21 =	sshll.u32 s7, $0x1;
	s4 =	sadd.s32 s19, s18  }
0xa2: {  	s8 =	simm.s32 $0x0;
	s20 =	sshll.u32 s6, $0x1;
	s6 =	sadd.s32 s21, s4  }
0xa3: {  	[timem:s8], [sflag:s22] =	dma.local [hbm:s6], s20  }
0xa4: {  	_ =	swait.ge [sflag:s22], s20  }
0xa5: {  	s5 =	ssub.s32 $0x0, s20;
	[sflag:s22] =	ssyncset.done $0x0  }
0xa6: {  	[sflag:s22] =	ssyncadd.s32 s5;
	_ =	sdelay $0x1  }
0xa7: {  	s23 =	simm.s32 $0x1B8B  }
0xa8: {  	_ =	swait.ge [sflag:s23], $0x1  }
0xa9: {  	[sflag:s23] =	ssyncset.done $0x0  }
0xaa: {  	s25 =	simm.s32 $0x1B8E;
	s24 =	sld [smem:$0x3FFE];
	[sflag:s23] =	ssyncadd.s32 $0xFFFFFFFF  }
0xab: {  	s26 =	simm.s32 $execute0_lowered;
	[smem:$0x3FD2] =	sst s25  }
0xac: {  	s6 =	sshll.u32 s26, $0x1;
	_ =	strace $0x80000046;
	[dreg:$0x1] =	wrdreg $0xFFFFFFFF  }
0xad: {  	s28 =	simm.s32 $_size_execute0_lowered;
	s4 =	sadd.s32 s4, s6;
	[dreg:$0x0] =	wrdreg $0x0  }
0xae: {  	s6 =	sshll.u32 s28, $0x1;
	[dreg:$0x2] =	wrdreg s4  }
0xaf: {  	[dreg:$0x3] =	wrdreg s6  }
0xb0: {  	[dreg:$0x4] =	wrdreg $0xC0  }
0xb1: {  	_ =	task [dreg:s8], $0x5FFFF  }
0xb2: {  	[dreg:$0x1] =	wrdreg $0xFFFFFFFF  }
0xb3: {  	[dreg:$0x0] =	wrdreg $0x60  }
0xb4: {  	[dreg:$0x2] =	wrdreg s15  }
0xb5: {  	[dreg:$0x3] =	wrdreg s24  }
0xb6: {  	[dreg:$0x4] =	wrdreg s16  }
0xb7: {  	[dreg:$0x5] =	wrdreg $0x9  }
0xb8: {  	_ =	task.clear_ibuf [dreg:s8], $0x6FFFF;
	_ =	strace $0x90000046  }
0xb9: {  	s29 =	simm.s32 $0x9;
	_ =	strace $0x80000048  }
0xba: {  	_ =	swait.ge [sflag:s29], $0x1  }
0xbb: {  	[sflag:s29] =	ssyncadd.s32 $0xFFFFFFFF  }
0xbc: {  	_ =	strace $0x90000048  }
0xbd: {  	_ =	sfence  }
0xbe: {  	s30 =	sld [smem:$0x0];
	_ =	sdelay $0x2  }
0xbf: {  	s31 =	sshll.u32 s1, $0xD;
	s1 =	sshrl.u32 s1, $0x2  }
0xc0: {  	s3 =	sand.u32 $0x4000, s31;
	s1 =	sadd.s32 s1, s30  }
0xc1: {  	s0 =	sor.u32 s3, s0;
	s1 =	sshll.u32 s1, $0x11  }
0xc2: {  	s0 =	sor.u32 s1, s0  }
0xc3: {  	s0 =	sadd.s32 $0x8F2B, s0  }
0xc4: {  	[sflag:s0] =	ssyncadd.remote.s32 $0x1  }
0xc5: {  	_ =	sfence.sel $0xFFFF  }
0xc6: {  	[dreg:$0x0] =	wrdreg $0xFFFFFFFF;
	(pc) =	sbr.abs _section_cstart, $3  }
0xc7: {  	[dreg:$0x1] =	wrdreg $0xFFFFFFFF  }
0xc8: {  	_ =	task.clear_ibuf [dreg:s8], $0x2FFFF;
	_ =	strace $0x9FFFFFFF  }
0xc9: {  	(tm) =	ssettm $0x7FFFFFFF  }
tec
execute0_lowered:
.L_overlay_start_1:
0x0: {  	(tag) =	ssettag $0x1  }
0x1: {  	s2 =	rddreg [dreg:$0x0]  }
0x2: {  	s4 =	rddreg [dreg:$0x1];
	s0 =	stileid.u32  }
0x3: {  	s1 =	rddreg [dreg:$0x2];
	s3 =	srdreg.scid  }
0x4: {  	s28 =	simm.s32 $0x7080;
	s29 =	simm.s32 $0x7880;
	s30 =	simm.s32 $0x1  }
0x5: {  	s31 =	simm.s32 $0x800;
	s5 =	sshll.u32 s0, $0x1;
	s6 =	sand.u32 $0x1, s3  }
0x6: {  	s3 =	simm.s32 $0x0;
	s19 =	sshrl.u32 s0, $0x2;
	s10 =	sadd.s32 $0x600, s4  }
0x7: {  	s5 =	sand.u32 $0x6, s5;
	[smem:$0x7FF] =	sst s3;
	s7 =	sshll.u32 s19, $0xB  }
0x8: {  	s20 =	ssub.s32 $0x2, s6;
	s22 =	sshll.u32 s19, $0x13;
	s8 =	sor.u32 s6, s5  }
0x9: {  	_ =	strace $0x80000047;
	s11 =	sshrl.u32 s20, $0x1;
	s4 =	sadd.s32 s1, s22  }
0xa: {  	s24 =	sor.u32 $0x80, s7;
	s13 =	sor.u32 $0x180, s7;
	s19 =	sor.u32 $0x200, s7  }
0xb: {  	s9 =	sshll.u32 s8, $0x4;
	s11 =	ssub.s32 s20, s11;
	s23 =	sshll.u32 s8, $0x8  }
0xc: {  	s25 =	sadd.s32 s10, s24;
	s15 =	sadd.s32 s10, s13;
	s17 =	sor.u32 s8, s13  }
0xd: {  	s20 =	sadd.s32 s10, s19;
	s21 =	sor.u32 s7, s9;
	s4 =	sadd.s32 s23, s4  }
0xe: {  	s26 =	sadd.s32 s9, s25;
	s16 =	sadd.s32 s9, s15;
	[dreg:$0x5] =	wrdreg s4  }
0xf: {  	s18 =	sshll.u32 s17, $0x8;
	s23 =	sor.u32 $0x280, s7;
	[dreg:$0x6] =	wrdreg s26  }
0x10: {  	s25 =	sor.u32 $0x300, s7;
	s6 =	sadd.s32 s10, s21;
	[dreg:$0xa] =	wrdreg s16  }
0x11: {  	s11 =	smax.u32 s11, $0x1;
	s21 =	sadd.s32 s9, s20;
	[dreg:$0x4] =	wrdreg s6  }
0x12: {  	s20 =	sor.u32 $0x480, s7;
	s6 =	sor.u32 s8, s24;
	[dreg:$0xc] =	wrdreg s21  }
0x13: {  	s24 =	sadd.s32 s10, s23;
	s0 =	sshll.u32 s6, $0x8;
	s6 =	sor.u32 $0x100, s7  }
0x14: {  	s5 =	sadd.s32 s1, s0;
	s12 =	sadd.s32 s10, s6;
	s0 =	sadd.s32 s10, s25  }
0x15: {  	[dreg:$0x7] =	wrdreg s5;
	s5 =	sor.u32 s8, s6;
	s4 =	sadd.s32 s9, s12  }
0x16: {  	s12 =	sor.u32 s8, s25;
	s5 =	sshll.u32 s5, $0x8;
	[dreg:$0x8] =	wrdreg s4  }
0x17: {  	s4 =	sadd.s32 s1, s18;
	s13 =	sshll.u32 s12, $0x8;
	s18 =	sor.u32 $0x400, s7  }
0x18: {  	s14 =	sadd.s32 s1, s5;
	s5 =	sor.u32 s8, s19;
	[dreg:$0xb] =	wrdreg s4  }
0x19: {  	s4 =	sadd.s32 s9, s24;
	s19 =	sadd.s32 s10, s18;
	[dreg:$0x9] =	wrdreg s14  }
0x1a: {  	s24 =	sor.u32 s8, s20;
	s5 =	sshll.u32 s5, $0x8;
	[dreg:$0xe] =	wrdreg s4  }
0x1b: {  	s14 =	sor.u32 $0x380, s7;
	s4 =	sadd.s32 s1, s13;
	s25 =	sshll.u32 s24, $0x8  }
0x1c: {  	s22 =	sadd.s32 s1, s5;
	s5 =	sor.u32 s8, s23;
	[dreg:$0x11] =	wrdreg s4  }
0x1d: {  	s15 =	sadd.s32 s10, s14;
	s4 =	sadd.s32 s9, s19;
	[dreg:$0xd] =	wrdreg s22  }
0x1e: {  	s5 =	sshll.u32 s5, $0x8;
	s16 =	sadd.s32 s9, s15;
	[dreg:$0x14] =	wrdreg s4  }
0x1f: {  	s22 =	sadd.s32 s10, s20;
	s4 =	sadd.s32 s1, s25;
	[dreg:$0x12] =	wrdreg s16  }
0x20: {  	s25 =	sor.u32 $0x700, s7;
	s26 =	sadd.s32 s1, s5;
	[dreg:$0x17] =	wrdreg s4  }
0x21: {  	s5 =	sadd.s32 s9, s0;
	s23 =	sadd.s32 s9, s22;
	[dreg:$0xf] =	wrdreg s26  }
0x22: {  	s16 =	sor.u32 $0x600, s7;
	s22 =	sor.u32 $0x680, s7;
	[dreg:$0x10] =	wrdreg s5  }
0x23: {  	s5 =	sor.u32 s8, s14;
	[dreg:$0x16] =	wrdreg s23;
	s26 =	sor.u32 $0x500, s7  }
0x24: {  	s14 =	sor.u32 $0x580, s7;
	s20 =	sor.u32 s8, s16;
	s23 =	sadd.s32 s10, s22  }
0x25: {  	s5 =	sshll.u32 s5, $0x8;
	s0 =	sadd.s32 s10, s26;
	s15 =	sadd.s32 s10, s14  }
0x26: {  	s17 =	sadd.s32 s1, s5;
	s5 =	sor.u32 s8, s18;
	s12 =	sadd.s32 s9, s0  }
0x27: {  	s4 =	sadd.s32 s9, s15;
	s18 =	sadd.s32 s10, s16;
	[dreg:$0x13] =	wrdreg s17  }
0x28: {  	s15 =	simm.s32 $0x1080;
	s16 =	simm.s32 $0x1880;
	[dreg:$0x18] =	wrdreg s12  }
0x29: {  	s5 =	sshll.u32 s5, $0x8;
	[dreg:$0x1a] =	wrdreg s4;
	s19 =	sadd.s32 s9, s18  }
0x2a: {  	s12 =	sor.u32 s8, s22;
	s18 =	simm.s32 $0x2880;
	s22 =	simm.s32 $0x4880  }
0x2b: {  	s21 =	sadd.s32 s1, s5;
	s5 =	sor.u32 s8, s26;
	[dreg:$0x1c] =	wrdreg s19  }
0x2c: {  	s24 =	sshll.u32 s12, $0x8;
	s12 =	sor.u32 s8, s25;
	s19 =	simm.s32 $0x3080  }
0x2d: {  	[dreg:$0x15] =	wrdreg s21;
	s5 =	sshll.u32 s5, $0x8;
	s21 =	sshll.u32 s20, $0x8  }
0x2e: {  	s6 =	sadd.s32 s1, s24;
	s12 =	sshll.u32 s12, $0x8;
	s20 =	simm.s32 $0x3880  }
0x2f: {  	s24 =	simm.s32 $0x5880;
	s13 =	sadd.s32 s1, s5;
	s5 =	sor.u32 s8, s14  }
0x30: {  	s4 =	sadd.s32 s1, s21;
	s14 =	sor.u32 $0x780, s7;
	s21 =	simm.s32 $0x4080  }
0x31: {  	[dreg:$0x19] =	wrdreg s13;
	s5 =	sshll.u32 s5, $0x8;
	s13 =	sadd.s32 s10, s25  }
0x32: {  	s8 =	sor.u32 s8, s14;
	s10 =	sadd.s32 s10, s14;
	s14 =	simm.s32 $0x880  }
0x33: {  	s25 =	simm.s32 $0x6080;
	s17 =	sadd.s32 s1, s5;
	s5 =	sadd.s32 s9, s23  }
0x34: {  	s7 =	sadd.s32 s9, s13;
	s26 =	sshll.u32 s8, $0x8;
	s8 =	sadd.s32 s1, s12  }
0x35: {  	v2 =	vlaneseq.u32;
	s9 =	sadd.s32 s9, s10;
	s12 =	simm.s32 $0x2;
	s13 =	simm.s32 $0x80  }
0x36: {  	vm0 =	vmmov $0xffff;
	v1 =	vshrl.u32 v2, $0x3;
	s23 =	simm.s32 $0x5080;
	[dreg:$0x1b] =	wrdreg s17;
	s10 =	sadd.s32 s1, s26  }
0x37: {  	v0 =	vand.u32 $0x7, v2;
	v2 =	vor.u32 $0x8, v2;
	v1 =	vmul.u32 $0x8, v1;
	s17 =	simm.s32 $0x2080;
	s26 =	simm.s32 $0x6880;
	s1 =	simm.s32 $0x4000  }
.LBB2_1:
0x38: {  	s0 =	rddreg [dreg:$0x4]  }
0x39: {  	[tilespmem:s3], [sflag:$0x2] =	stream.linear.gather [hbm4b:s0+s3], $0x80, $0x38;
	[tilespmem:$0x8080] =	vst v63  }
0x3a: {  	_ =	swait.ge [sflag:s12], $0x80  }
0x3b: {  	[sflag:s12] =	ssyncset.done $0x0  }
0x3c: {  	[sflag:s12] =	ssyncadd.s32 $0xFFFFFF80  }
0x3d: {  	v3 =	vld [tilespmem:$0x0];
	_ =	sdelay $0x4  }
0x3e: {  	v4 =	vshll.u32 v3, $0x1  }
0x3f: {  	v3 =	vand.u32 $0x7, v3;
	v4 =	vand.u32 $0xFFFFFFF0, v4  }
0x40: {  	v3 =	vor.u32 v3, v4  }
0x41: {  	v4 =	vperm.xlane v3, v0;
	_ =	sdelay $0x1  }
0x42: {  	v3 =	vperm.xlane v3, v2;
	v4 =	vadd.s32 v1, v4;
	_ =	sdelay $0x1  }
0x43: {  	v3 =	vadd.s32 v1, v3;
	_ =	sdelay $0x2  }
0x44: {  	[tilespmem:s13], [sflag:$0x1] =	stream.indirect_vreg.gather [hbm4b:s2+s3], $0x80, v4, vm0, $0xb8;
	[tilespmem:$0x8080] =	vst v63  }
0x45: {  	_ = 	snop  }
0x46: {  	[tilespmem:s14], [sflag:$0x1] =	stream.indirect_vreg.gather [hbm4b:s2+s3], $0x80, v3, vm0, $0xb8;
	[tilespmem:$0x8080] =	vst v63  }
0x47: {  	v3 =	vld [tilespmem:$0x10];
	_ =	sdelay $0x4  }
0x48: {  	v49 =	vshll.u32 v3, $0x1  }
0x49: {  	v3 =	vand.u32 $0x7, v3;
	v4 =	vand.u32 $0xFFFFFFF0, v49  }
0x4a: {  	v3 =	vor.u32 v3, v4  }
0x4b: {  	v4 =	vperm.xlane v3, v0;
	_ =	sdelay $0x1  }
0x4c: {  	v3 =	vperm.xlane v3, v2;
	v4 =	vadd.s32 v1, v4;
	_ =	sdelay $0x1  }
0x4d: {  	v3 =	vadd.s32 v1, v3;
	_ =	sdelay $0x2  }
0x4e: {  	[tilespmem:s15], [sflag:$0x1] =	stream.indirect_vreg.gather [hbm4b:s2+s3], $0x80, v4, vm0, $0xb8;
	[tilespmem:$0x8080] =	vst v63  }
0x4f: {  	_ = 	snop  }
0x50: {  	[tilespmem:s16], [sflag:$0x1] =	stream.indirect_vreg.gather [hbm4b:s2+s3], $0x80, v3, vm0, $0xb8;
	[tilespmem:$0x8080] =	vst v63  }
0x51: {  	v3 =	vld [tilespmem:$0x20];
	_ =	sdelay $0x4  }
0x52: {  	v50 =	vshll.u32 v3, $0x1  }
0x53: {  	v3 =	vand.u32 $0x7, v3;
	v4 =	vand.u32 $0xFFFFFFF0, v50  }
0x54: {  	v3 =	vor.u32 v3, v4  }
0x55: {  	v4 =	vperm.xlane v3, v0;
	_ =	sdelay $0x1  }
0x56: {  	v3 =	vperm.xlane v3, v2;
	v4 =	vadd.s32 v1, v4;
	_ =	sdelay $0x1  }
0x57: {  	v3 =	vadd.s32 v1, v3;
	_ =	sdelay $0x2  }
0x58: {  	[tilespmem:s17], [sflag:$0x1] =	stream.indirect_vreg.gather [hbm4b:s2+s3], $0x80, v4, vm0, $0xb8;
	[tilespmem:$0x8080] =	vst v63  }
0x59: {  	_ = 	snop  }
0x5a: {  	[tilespmem:s18], [sflag:$0x1] =	stream.indirect_vreg.gather [hbm4b:s2+s3], $0x80, v3, vm0, $0xb8;
	[tilespmem:$0x8080] =	vst v63  }
0x5b: {  	v3 =	vld [tilespmem:$0x30];
	_ =	sdelay $0x4  }
0x5c: {  	v51 =	vshll.u32 v3, $0x1  }
0x5d: {  	v3 =	vand.u32 $0x7, v3;
	v4 =	vand.u32 $0xFFFFFFF0, v51  }
0x5e: {  	v3 =	vor.u32 v3, v4  }
0x5f: {  	v4 =	vperm.xlane v3, v0;
	_ =	sdelay $0x1  }
0x60: {  	v3 =	vperm.xlane v3, v2;
	v4 =	vadd.s32 v1, v4;
	_ =	sdelay $0x1  }
0x61: {  	v3 =	vadd.s32 v1, v3;
	_ =	sdelay $0x2  }
0x62: {  	[tilespmem:s19], [sflag:$0x1] =	stream.indirect_vreg.gather [hbm4b:s2+s3], $0x80, v4, vm0, $0xb8;
	[tilespmem:$0x8080] =	vst v63  }
0x63: {  	_ = 	snop  }
0x64: {  	[tilespmem:s20], [sflag:$0x1] =	stream.indirect_vreg.gather [hbm4b:s2+s3], $0x80, v3, vm0, $0xb8;
	[tilespmem:$0x8080] =	vst v63  }
0x65: {  	v3 =	vld [tilespmem:$0x40];
	_ =	sdelay $0x4  }
0x66: {  	v52 =	vshll.u32 v3, $0x1  }
0x67: {  	v3 =	vand.u32 $0x7, v3;
	v4 =	vand.u32 $0xFFFFFFF0, v52  }
0x68: {  	v3 =	vor.u32 v3, v4  }
0x69: {  	v4 =	vperm.xlane v3, v0;
	_ =	sdelay $0x1  }
0x6a: {  	v3 =	vperm.xlane v3, v2;
	v4 =	vadd.s32 v1, v4;
	_ =	sdelay $0x1  }
0x6b: {  	v3 =	vadd.s32 v1, v3;
	_ =	sdelay $0x2  }
0x6c: {  	[tilespmem:s21], [sflag:$0x1] =	stream.indirect_vreg.gather [hbm4b:s2+s3], $0x80, v4, vm0, $0xb8;
	[tilespmem:$0x8080] =	vst v63  }
0x6d: {  	_ = 	snop  }
0x6e: {  	[tilespmem:s22], [sflag:$0x1] =	stream.indirect_vreg.gather [hbm4b:s2+s3], $0x80, v3, vm0, $0xb8;
	[tilespmem:$0x8080] =	vst v63  }
0x6f: {  	v3 =	vld [tilespmem:$0x50];
	_ =	sdelay $0x4  }
0x70: {  	v53 =	vshll.u32 v3, $0x1  }
0x71: {  	v3 =	vand.u32 $0x7, v3;
	v4 =	vand.u32 $0xFFFFFFF0, v53  }
0x72: {  	v3 =	vor.u32 v3, v4  }
0x73: {  	v4 =	vperm.xlane v3, v0;
	_ =	sdelay $0x1  }
0x74: {  	v3 =	vperm.xlane v3, v2;
	v4 =	vadd.s32 v1, v4;
	_ =	sdelay $0x1  }
0x75: {  	v3 =	vadd.s32 v1, v3;
	_ =	sdelay $0x2  }
0x76: {  	[tilespmem:s23], [sflag:$0x1] =	stream.indirect_vreg.gather [hbm4b:s2+s3], $0x80, v4, vm0, $0xb8;
	[tilespmem:$0x8080] =	vst v63  }
0x77: {  	_ = 	snop  }
0x78: {  	[tilespmem:s24], [sflag:$0x1] =	stream.indirect_vreg.gather [hbm4b:s2+s3], $0x80, v3, vm0, $0xb8;
	[tilespmem:$0x8080] =	vst v63  }
0x79: {  	v3 =	vld [tilespmem:$0x60];
	_ =	sdelay $0x4  }
0x7a: {  	v54 =	vshll.u32 v3, $0x1  }
0x7b: {  	v3 =	vand.u32 $0x7, v3;
	v4 =	vand.u32 $0xFFFFFFF0, v54  }
0x7c: {  	v3 =	vor.u32 v3, v4  }
0x7d: {  	v4 =	vperm.xlane v3, v0;
	_ =	sdelay $0x1  }
0x7e: {  	v3 =	vperm.xlane v3, v2;
	v4 =	vadd.s32 v1, v4;
	_ =	sdelay $0x1  }
0x7f: {  	v3 =	vadd.s32 v1, v3;
	_ =	sdelay $0x2  }
0x80: {  	[tilespmem:s25], [sflag:$0x1] =	stream.indirect_vreg.gather [hbm4b:s2+s3], $0x80, v4, vm0, $0xb8;
	[tilespmem:$0x8080] =	vst v63  }
0x81: {  	_ = 	snop  }
0x82: {  	[tilespmem:s26], [sflag:$0x1] =	stream.indirect_vreg.gather [hbm4b:s2+s3], $0x80, v3, vm0, $0xb8;
	[tilespmem:$0x8080] =	vst v63  }
0x83: {  	v3 =	vld [tilespmem:$0x70];
	_ =	sdelay $0x4  }
0x84: {  	v55 =	vshll.u32 v3, $0x1  }
0x85: {  	v3 =	vand.u32 $0x7, v3;
	v4 =	vand.u32 $0xFFFFFFF0, v55  }
0x86: {  	v3 =	vor.u32 v3, v4  }
0x87: {  	v4 =	vperm.xlane v3, v0;
	_ =	sdelay $0x1  }
0x88: {  	v3 =	vperm.xlane v3, v2;
	v4 =	vadd.s32 v1, v4;
	_ =	sdelay $0x1  }
0x89: {  	v3 =	vadd.s32 v1, v3;
	_ =	sdelay $0x2  }
0x8a: {  	[tilespmem:s28], [sflag:$0x1] =	stream.indirect_vreg.gather [hbm4b:s2+s3], $0x80, v4, vm0, $0xb8;
	[tilespmem:$0x8080] =	vst v63  }
0x8b: {  	_ = 	snop  }
0x8c: {  	[tilespmem:s29], [sflag:$0x1] =	stream.indirect_vreg.gather [hbm4b:s2+s3], $0x80, v3, vm0, $0xb8;
	[tilespmem:$0x8080] =	vst v63  }
0x8d: {  	_ =	swait.ge [sflag:s30], $0x8000  }
0x8e: {  	[sflag:s30] =	ssyncset.done $0x0  }
0x8f: {  	s0 =	rddreg [dreg:$0x5];
	[sflag:s30] =	ssyncadd.s32 $0xFFFF8000  }
0x90: {  	[hbm4b:s0+s31] =	stream.strided.scatter [tilespmem:s13], [sflag:$0x2], $0x8000, s1, s31, $0x38;
	[tilespmem:$0x8080] =	vst v63  }
0x91: {  	_ =	swait.ge [sflag:s12], $0x8000  }
0x92: {  	[sflag:s12] =	ssyncset.done $0x0  }
0x93: {  	s0 =	rddreg [dreg:$0x6];
	[sflag:s12] =	ssyncadd.s32 $0xFFFF8000  }
0x94: {  	[tilespmem:s3], [sflag:$0x2] =	stream.linear.gather [hbm4b:s0+s3], $0x80, $0x38;
	[tilespmem:$0x8080] =	vst v63  }
0x95: {  	_ =	swait.ge [sflag:s12], $0x80  }
0x96: {  	[sflag:s12] =	ssyncset.done $0x0  }
0x97: {  	[sflag:s12] =	ssyncadd.s32 $0xFFFFFF80  }
0x98: {  	v3 =	vld [tilespmem:$0x0];
	_ =	sdelay $0x4  }
0x99: {  	v56 =	vshll.u32 v3, $0x1  }
0x9a: {  	v3 =	vand.u32 $0x7, v3;
	v4 =	vand.u32 $0xFFFFFFF0, v56  }
0x9b: {  	v3 =	vor.u32 v3, v4  }
0x9c: {  	v4 =	vperm.xlane v3, v0;
	_ =	sdelay $0x1  }
0x9d: {  	v3 =	vperm.xlane v3, v2;
	v4 =	vadd.s32 v1, v4;
	_ =	sdelay $0x1  }
0x9e: {  	v3 =	vadd.s32 v1, v3;
	_ =	sdelay $0x2  }
0x9f: {  	[tilespmem:s13], [sflag:$0x1] =	stream.indirect_vreg.gather [hbm4b:s2+s3], $0x80, v4, vm0, $0xb8;
	[tilespmem:$0x8080] =	vst v63  }
0xa0: {  	_ = 	snop  }
0xa1: {  	[tilespmem:s14], [sflag:$0x1] =	stream.indirect_vreg.gather [hbm4b:s2+s3], $0x80, v3, vm0, $0xb8;
	[tilespmem:$0x8080] =	vst v63  }
0xa2: {  	v3 =	vld [tilespmem:$0x10];
	_ =	sdelay $0x4  }
0xa3: {  	v57 =	vshll.u32 v3, $0x1  }
0xa4: {  	v3 =	vand.u32 $0x7, v3;
	v4 =	vand.u32 $0xFFFFFFF0, v57  }
0xa5: {  	v3 =	vor.u32 v3, v4  }
0xa6: {  	v4 =	vperm.xlane v3, v0;
	_ =	sdelay $0x1  }
0xa7: {  	v3 =	vperm.xlane v3, v2;
	v4 =	vadd.s32 v1, v4;
	_ =	sdelay $0x1  }
0xa8: {  	v3 =	vadd.s32 v1, v3;
	_ =	sdelay $0x2  }
0xa9: {  	[tilespmem:s15], [sflag:$0x1] =	stream.indirect_vreg.gather [hbm4b:s2+s3], $0x80, v4, vm0, $0xb8;
	[tilespmem:$0x8080] =	vst v63  }
0xaa: {  	_ = 	snop  }
0xab: {  	[tilespmem:s16], [sflag:$0x1] =	stream.indirect_vreg.gather [hbm4b:s2+s3], $0x80, v3, vm0, $0xb8;
	[tilespmem:$0x8080] =	vst v63  }
0xac: {  	v3 =	vld [tilespmem:$0x20];
	_ =	sdelay $0x4  }
0xad: {  	v58 =	vshll.u32 v3, $0x1  }
0xae: {  	v3 =	vand.u32 $0x7, v3;
	v4 =	vand.u32 $0xFFFFFFF0, v58  }
0xaf: {  	v3 =	vor.u32 v3, v4  }
0xb0: {  	v4 =	vperm.xlane v3, v0;
	_ =	sdelay $0x1  }
0xb1: {  	v3 =	vperm.xlane v3, v2;
	v4 =	vadd.s32 v1, v4;
	_ =	sdelay $0x1  }
0xb2: {  	v3 =	vadd.s32 v1, v3;
	_ =	sdelay $0x2  }
0xb3: {  	[tilespmem:s17], [sflag:$0x1] =	stream.indirect_vreg.gather [hbm4b:s2+s3], $0x80, v4, vm0, $0xb8;
	[tilespmem:$0x8080] =	vst v63  }
0xb4: {  	_ = 	snop  }
0xb5: {  	[tilespmem:s18], [sflag:$0x1] =	stream.indirect_vreg.gather [hbm4b:s2+s3], $0x80, v3, vm0, $0xb8;
	[tilespmem:$0x8080] =	vst v63  }
0xb6: {  	v3 =	vld [tilespmem:$0x30];
	_ =	sdelay $0x4  }
0xb7: {  	v59 =	vshll.u32 v3, $0x1  }
0xb8: {  	v3 =	vand.u32 $0x7, v3;
	v4 =	vand.u32 $0xFFFFFFF0, v59  }
0xb9: {  	v3 =	vor.u32 v3, v4  }
0xba: {  	v4 =	vperm.xlane v3, v0;
	_ =	sdelay $0x1  }
0xbb: {  	v3 =	vperm.xlane v3, v2;
	v4 =	vadd.s32 v1, v4;
	_ =	sdelay $0x1  }
0xbc: {  	v3 =	vadd.s32 v1, v3;
	_ =	sdelay $0x2  }
0xbd: {  	[tilespmem:s19], [sflag:$0x1] =	stream.indirect_vreg.gather [hbm4b:s2+s3], $0x80, v4, vm0, $0xb8;
	[tilespmem:$0x8080] =	vst v63  }
0xbe: {  	_ = 	snop  }
0xbf: {  	[tilespmem:s20], [sflag:$0x1] =	stream.indirect_vreg.gather [hbm4b:s2+s3], $0x80, v3, vm0, $0xb8;
	[tilespmem:$0x8080] =	vst v63  }
0xc0: {  	v3 =	vld [tilespmem:$0x40];
	_ =	sdelay $0x4  }
0xc1: {  	v60 =	vshll.u32 v3, $0x1  }
0xc2: {  	v3 =	vand.u32 $0x7, v3;
	v4 =	vand.u32 $0xFFFFFFF0, v60  }
0xc3: {  	v3 =	vor.u32 v3, v4  }
0xc4: {  	v4 =	vperm.xlane v3, v0;
	_ =	sdelay $0x1  }
0xc5: {  	v3 =	vperm.xlane v3, v2;
	v4 =	vadd.s32 v1, v4;
	_ =	sdelay $0x1  }
0xc6: {  	v3 =	vadd.s32 v1, v3;
	_ =	sdelay $0x2  }
0xc7: {  	[tilespmem:s21], [sflag:$0x1] =	stream.indirect_vreg.gather [hbm4b:s2+s3], $0x80, v4, vm0, $0xb8;
	[tilespmem:$0x8080] =	vst v63  }
0xc8: {  	_ = 	snop  }
0xc9: {  	[tilespmem:s22], [sflag:$0x1] =	stream.indirect_vreg.gather [hbm4b:s2+s3], $0x80, v3, vm0, $0xb8;
	[tilespmem:$0x8080] =	vst v63  }
0xca: {  	v3 =	vld [tilespmem:$0x50];
	_ =	sdelay $0x4  }
0xcb: {  	v61 =	vshll.u32 v3, $0x1  }
0xcc: {  	v3 =	vand.u32 $0x7, v3;
	v4 =	vand.u32 $0xFFFFFFF0, v61  }
0xcd: {  	v3 =	vor.u32 v3, v4  }
0xce: {  	v4 =	vperm.xlane v3, v0;
	_ =	sdelay $0x1  }
0xcf: {  	v3 =	vperm.xlane v3, v2;
	v4 =	vadd.s32 v1, v4;
	_ =	sdelay $0x1  }
0xd0: {  	v3 =	vadd.s32 v1, v3;
	_ =	sdelay $0x2  }
0xd1: {  	[tilespmem:s23], [sflag:$0x1] =	stream.indirect_vreg.gather [hbm4b:s2+s3], $0x80, v4, vm0, $0xb8;
	[tilespmem:$0x8080] =	vst v63  }
0xd2: {  	_ = 	snop  }
0xd3: {  	[tilespmem:s24], [sflag:$0x1] =	stream.indirect_vreg.gather [hbm4b:s2+s3], $0x80, v3, vm0, $0xb8;
	[tilespmem:$0x8080] =	vst v63  }
0xd4: {  	v3 =	vld [tilespmem:$0x60];
	_ =	sdelay $0x4  }
0xd5: {  	v62 =	vshll.u32 v3, $0x1  }
0xd6: {  	v3 =	vand.u32 $0x7, v3;
	v4 =	vand.u32 $0xFFFFFFF0, v62  }
0xd7: {  	v3 =	vor.u32 v3, v4  }
0xd8: {  	v4 =	vperm.xlane v3, v0;
	_ =	sdelay $0x1  }
0xd9: {  	v3 =	vperm.xlane v3, v2;
	v4 =	vadd.s32 v1, v4;
	_ =	sdelay $0x1  }
0xda: {  	v3 =	vadd.s32 v1, v3;
	_ =	sdelay $0x2  }
0xdb: {  	[tilespmem:s25], [sflag:$0x1] =	stream.indirect_vreg.gather [hbm4b:s2+s3], $0x80, v4, vm0, $0xb8;
	[tilespmem:$0x8080] =	vst v63  }
0xdc: {  	_ = 	snop  }
0xdd: {  	[tilespmem:s26], [sflag:$0x1] =	stream.indirect_vreg.gather [hbm4b:s2+s3], $0x80, v3, vm0, $0xb8;
	[tilespmem:$0x8080] =	vst v63  }
0xde: {  	v3 =	vld [tilespmem:$0x70];
	_ =	sdelay $0x4  }
0xdf: {  	v63 =	vshll.u32 v3, $0x1  }
0xe0: {  	v3 =	vand.u32 $0x7, v3;
	v4 =	vand.u32 $0xFFFFFFF0, v63  }
0xe1: {  	v3 =	vor.u32 v3, v4  }
0xe2: {  	v4 =	vperm.xlane v3, v0;
	_ =	sdelay $0x1  }
0xe3: {  	v3 =	vperm.xlane v3, v2;
	v4 =	vadd.s32 v1, v4;
	_ =	sdelay $0x1  }
0xe4: {  	v3 =	vadd.s32 v1, v3;
	_ =	sdelay $0x2  }
0xe5: {  	[tilespmem:s28], [sflag:$0x1] =	stream.indirect_vreg.gather [hbm4b:s2+s3], $0x80, v4, vm0, $0xb8;
	[tilespmem:$0x8080] =	vst v63  }
0xe6: {  	_ = 	snop  }
0xe7: {  	[tilespmem:s29], [sflag:$0x1] =	stream.indirect_vreg.gather [hbm4b:s2+s3], $0x80, v3, vm0, $0xb8;
	[tilespmem:$0x8080] =	vst v63  }
0xe8: {  	_ =	swait.ge [sflag:s30], $0x8000  }
0xe9: {  	[sflag:s30] =	ssyncset.done $0x0  }
0xea: {  	s0 =	rddreg [dreg:$0x7];
	[sflag:s30] =	ssyncadd.s32 $0xFFFF8000  }
0xeb: {  	[hbm4b:s0+s31] =	stream.strided.scatter [tilespmem:s13], [sflag:$0x2], $0x8000, s1, s31, $0x38;
	[tilespmem:$0x8080] =	vst v63  }
0xec: {  	_ =	swait.ge [sflag:s12], $0x8000  }
0xed: {  	[sflag:s12] =	ssyncset.done $0x0  }
0xee: {  	s0 =	rddreg [dreg:$0x8];
	[sflag:s12] =	ssyncadd.s32 $0xFFFF8000  }
0xef: {  	[tilespmem:s3], [sflag:$0x2] =	stream.linear.gather [hbm4b:s0+s3], $0x80, $0x38;
	[tilespmem:$0x8080] =	vst v63  }
0xf0: {  	_ =	swait.ge [sflag:s12], $0x80  }
0xf1: {  	[sflag:s12] =	ssyncset.done $0x0  }
0xf2: {  	[sflag:s12] =	ssyncadd.s32 $0xFFFFFF80  }
0xf3: {  	v3 =	vld [tilespmem:$0x0];
	_ =	sdelay $0x4  }
0xf4: {  	v8 =	vshll.u32 v3, $0x1  }
0xf5: {  	v3 =	vand.u32 $0x7, v3;
	v4 =	vand.u32 $0xFFFFFFF0, v8  }
0xf6: {  	v3 =	vor.u32 v3, v4  }
0xf7: {  	v4 =	vperm.xlane v3, v0;
	_ =	sdelay $0x1  }
0xf8: {  	v3 =	vperm.xlane v3, v2;
	v4 =	vadd.s32 v1, v4;
	_ =	sdelay $0x1  }
0xf9: {  	v3 =	vadd.s32 v1, v3;
	_ =	sdelay $0x2  }
0xfa: {  	[tilespmem:s13], [sflag:$0x1] =	stream.indirect_vreg.gather [hbm4b:s2+s3], $0x80, v4, vm0, $0xb8;
	[tilespmem:$0x8080] =	vst v63  }
0xfb: {  	_ = 	snop  }
0xfc: {  	[tilespmem:s14], [sflag:$0x1] =	stream.indirect_vreg.gather [hbm4b:s2+s3], $0x80, v3, vm0, $0xb8;
	[tilespmem:$0x8080] =	vst v63  }
0xfd: {  	v3 =	vld [tilespmem:$0x10];
	_ =	sdelay $0x4  }
0xfe: {  	v9 =	vshll.u32 v3, $0x1  }
0xff: {  	v3 =	vand.u32 $0x7, v3;
	v4 =	vand.u32 $0xFFFFFFF0, v9  }
0x100: {  	v3 =	vor.u32 v3, v4  }
0x101: {  	v4 =	vperm.xlane v3, v0;
	_ =	sdelay $0x1  }
0x102: {  	v3 =	vperm.xlane v3, v2;
	v4 =	vadd.s32 v1, v4;
	_ =	sdelay $0x1  }
0x103: {  	v3 =	vadd.s32 v1, v3;
	_ =	sdelay $0x2  }
0x104: {  	[tilespmem:s15], [sflag:$0x1] =	stream.indirect_vreg.gather [hbm4b:s2+s3], $0x80, v4, vm0, $0xb8;
	[tilespmem:$0x8080] =	vst v63  }
0x105: {  	_ = 	snop  }
0x106: {  	[tilespmem:s16], [sflag:$0x1] =	stream.indirect_vreg.gather [hbm4b:s2+s3], $0x80, v3, vm0, $0xb8;
	[tilespmem:$0x8080] =	vst v63  }
0x107: {  	v3 =	vld [tilespmem:$0x20];
	_ =	sdelay $0x4  }
0x108: {  	v10 =	vshll.u32 v3, $0x1  }
0x109: {  	v3 =	vand.u32 $0x7, v3;
	v4 =	vand.u32 $0xFFFFFFF0, v10  }
0x10a: {  	v3 =	vor.u32 v3, v4  }
0x10b: {  	v4 =	vperm.xlane v3, v0;
	_ =	sdelay $0x1  }
0x10c: {  	v3 =	vperm.xlane v3, v2;
	v4 =	vadd.s32 v1, v4;
	_ =	sdelay $0x1  }
0x10d: {  	v3 =	vadd.s32 v1, v3;
	_ =	sdelay $0x2  }
0x10e: {  	[tilespmem:s17], [sflag:$0x1] =	stream.indirect_vreg.gather [hbm4b:s2+s3], $0x80, v4, vm0, $0xb8;
	[tilespmem:$0x8080] =	vst v63  }
0x10f: {  	_ = 	snop  }
0x110: {  	[tilespmem:s18], [sflag:$0x1] =	stream.indirect_vreg.gather [hbm4b:s2+s3], $0x80, v3, vm0, $0xb8;
	[tilespmem:$0x8080] =	vst v63  }
0x111: {  	v3 =	vld [tilespmem:$0x30];
	_ =	sdelay $0x4  }
0x112: {  	v11 =	vshll.u32 v3, $0x1  }
0x113: {  	v3 =	vand.u32 $0x7, v3;
	v4 =	vand.u32 $0xFFFFFFF0, v11  }
0x114: {  	v3 =	vor.u32 v3, v4  }
0x115: {  	v4 =	vperm.xlane v3, v0;
	_ =	sdelay $0x1  }
0x116: {  	v3 =	vperm.xlane v3, v2;
	v4 =	vadd.s32 v1, v4;
	_ =	sdelay $0x1  }
0x117: {  	v3 =	vadd.s32 v1, v3;
	_ =	sdelay $0x2  }
0x118: {  	[tilespmem:s19], [sflag:$0x1] =	stream.indirect_vreg.gather [hbm4b:s2+s3], $0x80, v4, vm0, $0xb8;
	[tilespmem:$0x8080] =	vst v63  }
0x119: {  	_ = 	snop  }
0x11a: {  	[tilespmem:s20], [sflag:$0x1] =	stream.indirect_vreg.gather [hbm4b:s2+s3], $0x80, v3, vm0, $0xb8;
	[tilespmem:$0x8080] =	vst v63  }
0x11b: {  	v3 =	vld [tilespmem:$0x40];
	_ =	sdelay $0x4  }
0x11c: {  	v12 =	vshll.u32 v3, $0x1  }
0x11d: {  	v3 =	vand.u32 $0x7, v3;
	v4 =	vand.u32 $0xFFFFFFF0, v12  }
0x11e: {  	v3 =	vor.u32 v3, v4  }
0x11f: {  	v4 =	vperm.xlane v3, v0;
	_ =	sdelay $0x1  }
0x120: {  	v3 =	vperm.xlane v3, v2;
	v4 =	vadd.s32 v1, v4;
	_ =	sdelay $0x1  }
0x121: {  	v3 =	vadd.s32 v1, v3;
	_ =	sdelay $0x2  }
0x122: {  	[tilespmem:s21], [sflag:$0x1] =	stream.indirect_vreg.gather [hbm4b:s2+s3], $0x80, v4, vm0, $0xb8;
	[tilespmem:$0x8080] =	vst v63  }
0x123: {  	_ = 	snop  }
0x124: {  	[tilespmem:s22], [sflag:$0x1] =	stream.indirect_vreg.gather [hbm4b:s2+s3], $0x80, v3, vm0, $0xb8;
	[tilespmem:$0x8080] =	vst v63  }
0x125: {  	v3 =	vld [tilespmem:$0x50];
	_ =	sdelay $0x4  }
0x126: {  	v13 =	vshll.u32 v3, $0x1  }
0x127: {  	v3 =	vand.u32 $0x7, v3;
	v4 =	vand.u32 $0xFFFFFFF0, v13  }
0x128: {  	v3 =	vor.u32 v3, v4  }
0x129: {  	v4 =	vperm.xlane v3, v0;
	_ =	sdelay $0x1  }
0x12a: {  	v3 =	vperm.xlane v3, v2;
	v4 =	vadd.s32 v1, v4;
	_ =	sdelay $0x1  }
0x12b: {  	v3 =	vadd.s32 v1, v3;
	_ =	sdelay $0x2  }
0x12c: {  	[tilespmem:s23], [sflag:$0x1] =	stream.indirect_vreg.gather [hbm4b:s2+s3], $0x80, v4, vm0, $0xb8;
	[tilespmem:$0x8080] =	vst v63  }
0x12d: {  	_ = 	snop  }
0x12e: {  	[tilespmem:s24], [sflag:$0x1] =	stream.indirect_vreg.gather [hbm4b:s2+s3], $0x80, v3, vm0, $0xb8;
	[tilespmem:$0x8080] =	vst v63  }
0x12f: {  	v3 =	vld [tilespmem:$0x60];
	_ =	sdelay $0x4  }
0x130: {  	v14 =	vshll.u32 v3, $0x1  }
0x131: {  	v3 =	vand.u32 $0x7, v3;
	v4 =	vand.u32 $0xFFFFFFF0, v14  }
0x132: {  	v3 =	vor.u32 v3, v4  }
0x133: {  	v4 =	vperm.xlane v3, v0;
	_ =	sdelay $0x1  }
0x134: {  	v3 =	vperm.xlane v3, v2;
	v4 =	vadd.s32 v1, v4;
	_ =	sdelay $0x1  }
0x135: {  	v3 =	vadd.s32 v1, v3;
	_ =	sdelay $0x2  }
0x136: {  	[tilespmem:s25], [sflag:$0x1] =	stream.indirect_vreg.gather [hbm4b:s2+s3], $0x80, v4, vm0, $0xb8;
	[tilespmem:$0x8080] =	vst v63  }
0x137: {  	_ = 	snop  }
0x138: {  	[tilespmem:s26], [sflag:$0x1] =	stream.indirect_vreg.gather [hbm4b:s2+s3], $0x80, v3, vm0, $0xb8;
	[tilespmem:$0x8080] =	vst v63  }
0x139: {  	v3 =	vld [tilespmem:$0x70];
	_ =	sdelay $0x4  }
0x13a: {  	v15 =	vshll.u32 v3, $0x1  }
0x13b: {  	v3 =	vand.u32 $0x7, v3;
	v4 =	vand.u32 $0xFFFFFFF0, v15  }
0x13c: {  	v3 =	vor.u32 v3, v4  }
0x13d: {  	v4 =	vperm.xlane v3, v0;
	_ =	sdelay $0x1  }
0x13e: {  	v3 =	vperm.xlane v3, v2;
	v4 =	vadd.s32 v1, v4;
	_ =	sdelay $0x1  }
0x13f: {  	v3 =	vadd.s32 v1, v3;
	_ =	sdelay $0x2  }
0x140: {  	[tilespmem:s28], [sflag:$0x1] =	stream.indirect_vreg.gather [hbm4b:s2+s3], $0x80, v4, vm0, $0xb8;
	[tilespmem:$0x8080] =	vst v63  }
0x141: {  	_ = 	snop  }
0x142: {  	[tilespmem:s29], [sflag:$0x1] =	stream.indirect_vreg.gather [hbm4b:s2+s3], $0x80, v3, vm0, $0xb8;
	[tilespmem:$0x8080] =	vst v63  }
0x143: {  	_ =	swait.ge [sflag:s30], $0x8000  }
0x144: {  	[sflag:s30] =	ssyncset.done $0x0  }
0x145: {  	s0 =	rddreg [dreg:$0x9];
	[sflag:s30] =	ssyncadd.s32 $0xFFFF8000  }
0x146: {  	[hbm4b:s0+s31] =	stream.strided.scatter [tilespmem:s13], [sflag:$0x2], $0x8000, s1, s31, $0x38;
	[tilespmem:$0x8080] =	vst v63  }
0x147: {  	_ =	swait.ge [sflag:s12], $0x8000  }
0x148: {  	[sflag:s12] =	ssyncset.done $0x0  }
0x149: {  	s0 =	rddreg [dreg:$0xa];
	[sflag:s12] =	ssyncadd.s32 $0xFFFF8000  }
0x14a: {  	[tilespmem:s3], [sflag:$0x2] =	stream.linear.gather [hbm4b:s0+s3], $0x80, $0x38;
	[tilespmem:$0x8080] =	vst v63  }
0x14b: {  	_ =	swait.ge [sflag:s12], $0x80  }
0x14c: {  	[sflag:s12] =	ssyncset.done $0x0  }
0x14d: {  	[sflag:s12] =	ssyncadd.s32 $0xFFFFFF80  }
0x14e: {  	v3 =	vld [tilespmem:$0x0];
	_ =	sdelay $0x4  }
0x14f: {  	v16 =	vshll.u32 v3, $0x1  }
0x150: {  	v3 =	vand.u32 $0x7, v3;
	v4 =	vand.u32 $0xFFFFFFF0, v16  }
0x151: {  	v3 =	vor.u32 v3, v4  }
0x152: {  	v4 =	vperm.xlane v3, v0;
	_ =	sdelay $0x1  }
0x153: {  	v3 =	vperm.xlane v3, v2;
	v4 =	vadd.s32 v1, v4;
	_ =	sdelay $0x1  }
0x154: {  	v3 =	vadd.s32 v1, v3;
	_ =	sdelay $0x2  }
0x155: {  	[tilespmem:s13], [sflag:$0x1] =	stream.indirect_vreg.gather [hbm4b:s2+s3], $0x80, v4, vm0, $0xb8;
	[tilespmem:$0x8080] =	vst v63  }
0x156: {  	_ = 	snop  }
0x157: {  	[tilespmem:s14], [sflag:$0x1] =	stream.indirect_vreg.gather [hbm4b:s2+s3], $0x80, v3, vm0, $0xb8;
	[tilespmem:$0x8080] =	vst v63  }
0x158: {  	v3 =	vld [tilespmem:$0x10];
	_ =	sdelay $0x4  }
0x159: {  	v17 =	vshll.u32 v3, $0x1  }
0x15a: {  	v3 =	vand.u32 $0x7, v3;
	v4 =	vand.u32 $0xFFFFFFF0, v17  }
0x15b: {  	v3 =	vor.u32 v3, v4  }
0x15c: {  	v4 =	vperm.xlane v3, v0;
	_ =	sdelay $0x1  }
0x15d: {  	v3 =	vperm.xlane v3, v2;
	v4 =	vadd.s32 v1, v4;
	_ =	sdelay $0x1  }
0x15e: {  	v3 =	vadd.s32 v1, v3;
	_ =	sdelay $0x2  }
0x15f: {  	[tilespmem:s15], [sflag:$0x1] =	stream.indirect_vreg.gather [hbm4b:s2+s3], $0x80, v4, vm0, $0xb8;
	[tilespmem:$0x8080] =	vst v63  }
0x160: {  	_ = 	snop  }
0x161: {  	[tilespmem:s16], [sflag:$0x1] =	stream.indirect_vreg.gather [hbm4b:s2+s3], $0x80, v3, vm0, $0xb8;
	[tilespmem:$0x8080] =	vst v63  }
0x162: {  	v3 =	vld [tilespmem:$0x20];
	_ =	sdelay $0x4  }
0x163: {  	v18 =	vshll.u32 v3, $0x1  }
0x164: {  	v3 =	vand.u32 $0x7, v3;
	v4 =	vand.u32 $0xFFFFFFF0, v18  }
0x165: {  	v3 =	vor.u32 v3, v4  }
0x166: {  	v4 =	vperm.xlane v3, v0;
	_ =	sdelay $0x1  }
0x167: {  	v3 =	vperm.xlane v3, v2;
	v4 =	vadd.s32 v1, v4;
	_ =	sdelay $0x1  }
0x168: {  	v3 =	vadd.s32 v1, v3;
	_ =	sdelay $0x2  }
0x169: {  	[tilespmem:s17], [sflag:$0x1] =	stream.indirect_vreg.gather [hbm4b:s2+s3], $0x80, v4, vm0, $0xb8;
	[tilespmem:$0x8080] =	vst v63  }
0x16a: {  	_ = 	snop  }
0x16b: {  	[tilespmem:s18], [sflag:$0x1] =	stream.indirect_vreg.gather [hbm4b:s2+s3], $0x80, v3, vm0, $0xb8;
	[tilespmem:$0x8080] =	vst v63  }
0x16c: {  	v3 =	vld [tilespmem:$0x30];
	_ =	sdelay $0x4  }
0x16d: {  	v19 =	vshll.u32 v3, $0x1  }
0x16e: {  	v3 =	vand.u32 $0x7, v3;
	v4 =	vand.u32 $0xFFFFFFF0, v19  }
0x16f: {  	v3 =	vor.u32 v3, v4  }
0x170: {  	v4 =	vperm.xlane v3, v0;
	_ =	sdelay $0x1  }
0x171: {  	v3 =	vperm.xlane v3, v2;
	v4 =	vadd.s32 v1, v4;
	_ =	sdelay $0x1  }
0x172: {  	v3 =	vadd.s32 v1, v3;
	_ =	sdelay $0x2  }
0x173: {  	[tilespmem:s19], [sflag:$0x1] =	stream.indirect_vreg.gather [hbm4b:s2+s3], $0x80, v4, vm0, $0xb8;
	[tilespmem:$0x8080] =	vst v63  }
0x174: {  	_ = 	snop  }
0x175: {  	[tilespmem:s20], [sflag:$0x1] =	stream.indirect_vreg.gather [hbm4b:s2+s3], $0x80, v3, vm0, $0xb8;
	[tilespmem:$0x8080] =	vst v63  }
0x176: {  	v3 =	vld [tilespmem:$0x40];
	_ =	sdelay $0x4  }
0x177: {  	v20 =	vshll.u32 v3, $0x1  }
0x178: {  	v3 =	vand.u32 $0x7, v3;
	v4 =	vand.u32 $0xFFFFFFF0, v20  }
0x179: {  	v3 =	vor.u32 v3, v4  }
0x17a: {  	v4 =	vperm.xlane v3, v0;
	_ =	sdelay $0x1  }
0x17b: {  	v3 =	vperm.xlane v3, v2;
	v4 =	vadd.s32 v1, v4;
	_ =	sdelay $0x1  }
0x17c: {  	v3 =	vadd.s32 v1, v3;
	_ =	sdelay $0x2  }
0x17d: {  	[tilespmem:s21], [sflag:$0x1] =	stream.indirect_vreg.gather [hbm4b:s2+s3], $0x80, v4, vm0, $0xb8;
	[tilespmem:$0x8080] =	vst v63  }
0x17e: {  	_ = 	snop  }
0x17f: {  	[tilespmem:s22], [sflag:$0x1] =	stream.indirect_vreg.gather [hbm4b:s2+s3], $0x80, v3, vm0, $0xb8;
	[tilespmem:$0x8080] =	vst v63  }
0x180: {  	v3 =	vld [tilespmem:$0x50];
	_ =	sdelay $0x4  }
0x181: {  	v21 =	vshll.u32 v3, $0x1  }
0x182: {  	v3 =	vand.u32 $0x7, v3;
	v4 =	vand.u32 $0xFFFFFFF0, v21  }
0x183: {  	v3 =	vor.u32 v3, v4  }
0x184: {  	v4 =	vperm.xlane v3, v0;
	_ =	sdelay $0x1  }
0x185: {  	v3 =	vperm.xlane v3, v2;
	v4 =	vadd.s32 v1, v4;
	_ =	sdelay $0x1  }
0x186: {  	v3 =	vadd.s32 v1, v3;
	_ =	sdelay $0x2  }
0x187: {  	[tilespmem:s23], [sflag:$0x1] =	stream.indirect_vreg.gather [hbm4b:s2+s3], $0x80, v4, vm0, $0xb8;
	[tilespmem:$0x8080] =	vst v63  }
0x188: {  	_ = 	snop  }
0x189: {  	[tilespmem:s24], [sflag:$0x1] =	stream.indirect_vreg.gather [hbm4b:s2+s3], $0x80, v3, vm0, $0xb8;
	[tilespmem:$0x8080] =	vst v63  }
0x18a: {  	v3 =	vld [tilespmem:$0x60];
	_ =	sdelay $0x4  }
0x18b: {  	v22 =	vshll.u32 v3, $0x1  }
0x18c: {  	v3 =	vand.u32 $0x7, v3;
	v4 =	vand.u32 $0xFFFFFFF0, v22  }
0x18d: {  	v3 =	vor.u32 v3, v4  }
0x18e: {  	v4 =	vperm.xlane v3, v0;
	_ =	sdelay $0x1  }
0x18f: {  	v3 =	vperm.xlane v3, v2;
	v4 =	vadd.s32 v1, v4;
	_ =	sdelay $0x1  }
0x190: {  	v3 =	vadd.s32 v1, v3;
	_ =	sdelay $0x2  }
0x191: {  	[tilespmem:s25], [sflag:$0x1] =	stream.indirect_vreg.gather [hbm4b:s2+s3], $0x80, v4, vm0, $0xb8;
	[tilespmem:$0x8080] =	vst v63  }
0x192: {  	_ = 	snop  }
0x193: {  	[tilespmem:s26], [sflag:$0x1] =	stream.indirect_vreg.gather [hbm4b:s2+s3], $0x80, v3, vm0, $0xb8;
	[tilespmem:$0x8080] =	vst v63  }
0x194: {  	v3 =	vld [tilespmem:$0x70];
	_ =	sdelay $0x4  }
0x195: {  	v23 =	vshll.u32 v3, $0x1  }
0x196: {  	v3 =	vand.u32 $0x7, v3;
	v4 =	vand.u32 $0xFFFFFFF0, v23  }
0x197: {  	v3 =	vor.u32 v3, v4  }
0x198: {  	v4 =	vperm.xlane v3, v0;
	_ =	sdelay $0x1  }
0x199: {  	v3 =	vperm.xlane v3, v2;
	v4 =	vadd.s32 v1, v4;
	_ =	sdelay $0x1  }
0x19a: {  	v3 =	vadd.s32 v1, v3;
	_ =	sdelay $0x2  }
0x19b: {  	[tilespmem:s28], [sflag:$0x1] =	stream.indirect_vreg.gather [hbm4b:s2+s3], $0x80, v4, vm0, $0xb8;
	[tilespmem:$0x8080] =	vst v63  }
0x19c: {  	_ = 	snop  }
0x19d: {  	[tilespmem:s29], [sflag:$0x1] =	stream.indirect_vreg.gather [hbm4b:s2+s3], $0x80, v3, vm0, $0xb8;
	[tilespmem:$0x8080] =	vst v63  }
0x19e: {  	_ =	swait.ge [sflag:s30], $0x8000  }
0x19f: {  	[sflag:s30] =	ssyncset.done $0x0  }
0x1a0: {  	s0 =	rddreg [dreg:$0xb];
	[sflag:s30] =	ssyncadd.s32 $0xFFFF8000  }
0x1a1: {  	[hbm4b:s0+s31] =	stream.strided.scatter [tilespmem:s13], [sflag:$0x2], $0x8000, s1, s31, $0x38;
	[tilespmem:$0x8080] =	vst v63  }
0x1a2: {  	_ =	swait.ge [sflag:s12], $0x8000  }
0x1a3: {  	[sflag:s12] =	ssyncset.done $0x0  }
0x1a4: {  	s0 =	rddreg [dreg:$0xc];
	[sflag:s12] =	ssyncadd.s32 $0xFFFF8000  }
0x1a5: {  	[tilespmem:s3], [sflag:$0x2] =	stream.linear.gather [hbm4b:s0+s3], $0x80, $0x38;
	[tilespmem:$0x8080] =	vst v63  }
0x1a6: {  	_ =	swait.ge [sflag:s12], $0x80  }
0x1a7: {  	[sflag:s12] =	ssyncset.done $0x0  }
0x1a8: {  	[sflag:s12] =	ssyncadd.s32 $0xFFFFFF80  }
0x1a9: {  	v3 =	vld [tilespmem:$0x0];
	_ =	sdelay $0x4  }
0x1aa: {  	v24 =	vshll.u32 v3, $0x1  }
0x1ab: {  	v3 =	vand.u32 $0x7, v3;
	v4 =	vand.u32 $0xFFFFFFF0, v24  }
0x1ac: {  	v3 =	vor.u32 v3, v4  }
0x1ad: {  	v4 =	vperm.xlane v3, v0;
	_ =	sdelay $0x1  }
0x1ae: {  	v3 =	vperm.xlane v3, v2;
	v4 =	vadd.s32 v1, v4;
	_ =	sdelay $0x1  }
0x1af: {  	v3 =	vadd.s32 v1, v3;
	_ =	sdelay $0x2  }
0x1b0: {  	[tilespmem:s13], [sflag:$0x1] =	stream.indirect_vreg.gather [hbm4b:s2+s3], $0x80, v4, vm0, $0xb8;
	[tilespmem:$0x8080] =	vst v63  }
0x1b1: {  	_ = 	snop  }
0x1b2: {  	[tilespmem:s14], [sflag:$0x1] =	stream.indirect_vreg.gather [hbm4b:s2+s3], $0x80, v3, vm0, $0xb8;
	[tilespmem:$0x8080] =	vst v63  }
0x1b3: {  	v3 =	vld [tilespmem:$0x10];
	_ =	sdelay $0x4  }
0x1b4: {  	v25 =	vshll.u32 v3, $0x1  }
0x1b5: {  	v3 =	vand.u32 $0x7, v3;
	v4 =	vand.u32 $0xFFFFFFF0, v25  }
0x1b6: {  	v3 =	vor.u32 v3, v4  }
0x1b7: {  	v4 =	vperm.xlane v3, v0;
	_ =	sdelay $0x1  }
0x1b8: {  	v3 =	vperm.xlane v3, v2;
	v4 =	vadd.s32 v1, v4;
	_ =	sdelay $0x1  }
0x1b9: {  	v3 =	vadd.s32 v1, v3;
	_ =	sdelay $0x2  }
0x1ba: {  	[tilespmem:s15], [sflag:$0x1] =	stream.indirect_vreg.gather [hbm4b:s2+s3], $0x80, v4, vm0, $0xb8;
	[tilespmem:$0x8080] =	vst v63  }
0x1bb: {  	_ = 	snop  }
0x1bc: {  	[tilespmem:s16], [sflag:$0x1] =	stream.indirect_vreg.gather [hbm4b:s2+s3], $0x80, v3, vm0, $0xb8;
	[tilespmem:$0x8080] =	vst v63  }
0x1bd: {  	v3 =	vld [tilespmem:$0x20];
	_ =	sdelay $0x4  }
0x1be: {  	v26 =	vshll.u32 v3, $0x1  }
0x1bf: {  	v3 =	vand.u32 $0x7, v3;
	v4 =	vand.u32 $0xFFFFFFF0, v26  }
0x1c0: {  	v3 =	vor.u32 v3, v4  }
0x1c1: {  	v4 =	vperm.xlane v3, v0;
	_ =	sdelay $0x1  }
0x1c2: {  	v3 =	vperm.xlane v3, v2;
	v4 =	vadd.s32 v1, v4;
	_ =	sdelay $0x1  }
0x1c3: {  	v3 =	vadd.s32 v1, v3;
	_ =	sdelay $0x2  }
0x1c4: {  	[tilespmem:s17], [sflag:$0x1] =	stream.indirect_vreg.gather [hbm4b:s2+s3], $0x80, v4, vm0, $0xb8;
	[tilespmem:$0x8080] =	vst v63  }
0x1c5: {  	_ = 	snop  }
0x1c6: {  	[tilespmem:s18], [sflag:$0x1] =	stream.indirect_vreg.gather [hbm4b:s2+s3], $0x80, v3, vm0, $0xb8;
	[tilespmem:$0x8080] =	vst v63  }
0x1c7: {  	v3 =	vld [tilespmem:$0x30];
	_ =	sdelay $0x4  }
0x1c8: {  	v27 =	vshll.u32 v3, $0x1  }
0x1c9: {  	v3 =	vand.u32 $0x7, v3;
	v4 =	vand.u32 $0xFFFFFFF0, v27  }
0x1ca: {  	v3 =	vor.u32 v3, v4  }
0x1cb: {  	v4 =	vperm.xlane v3, v0;
	_ =	sdelay $0x1  }
0x1cc: {  	v3 =	vperm.xlane v3, v2;
	v4 =	vadd.s32 v1, v4;
	_ =	sdelay $0x1  }
0x1cd: {  	v3 =	vadd.s32 v1, v3;
	_ =	sdelay $0x2  }
0x1ce: {  	[tilespmem:s19], [sflag:$0x1] =	stream.indirect_vreg.gather [hbm4b:s2+s3], $0x80, v4, vm0, $0xb8;
	[tilespmem:$0x8080] =	vst v63  }
0x1cf: {  	_ = 	snop  }
0x1d0: {  	[tilespmem:s20], [sflag:$0x1] =	stream.indirect_vreg.gather [hbm4b:s2+s3], $0x80, v3, vm0, $0xb8;
	[tilespmem:$0x8080] =	vst v63  }
0x1d1: {  	v3 =	vld [tilespmem:$0x40];
	_ =	sdelay $0x4  }
0x1d2: {  	v28 =	vshll.u32 v3, $0x1  }
0x1d3: {  	v3 =	vand.u32 $0x7, v3;
	v4 =	vand.u32 $0xFFFFFFF0, v28  }
0x1d4: {  	v3 =	vor.u32 v3, v4  }
0x1d5: {  	v4 =	vperm.xlane v3, v0;
	_ =	sdelay $0x1  }
0x1d6: {  	v3 =	vperm.xlane v3, v2;
	v4 =	vadd.s32 v1, v4;
	_ =	sdelay $0x1  }
0x1d7: {  	v3 =	vadd.s32 v1, v3;
	_ =	sdelay $0x2  }
0x1d8: {  	[tilespmem:s21], [sflag:$0x1] =	stream.indirect_vreg.gather [hbm4b:s2+s3], $0x80, v4, vm0, $0xb8;
	[tilespmem:$0x8080] =	vst v63  }
0x1d9: {  	_ = 	snop  }
0x1da: {  	[tilespmem:s22], [sflag:$0x1] =	stream.indirect_vreg.gather [hbm4b:s2+s3], $0x80, v3, vm0, $0xb8;
	[tilespmem:$0x8080] =	vst v63  }
0x1db: {  	v3 =	vld [tilespmem:$0x50];
	_ =	sdelay $0x4  }
0x1dc: {  	v29 =	vshll.u32 v3, $0x1  }
0x1dd: {  	v3 =	vand.u32 $0x7, v3;
	v4 =	vand.u32 $0xFFFFFFF0, v29  }
0x1de: {  	v3 =	vor.u32 v3, v4  }
0x1df: {  	v4 =	vperm.xlane v3, v0;
	_ =	sdelay $0x1  }
0x1e0: {  	v3 =	vperm.xlane v3, v2;
	v4 =	vadd.s32 v1, v4;
	_ =	sdelay $0x1  }
0x1e1: {  	v3 =	vadd.s32 v1, v3;
	_ =	sdelay $0x2  }
0x1e2: {  	[tilespmem:s23], [sflag:$0x1] =	stream.indirect_vreg.gather [hbm4b:s2+s3], $0x80, v4, vm0, $0xb8;
	[tilespmem:$0x8080] =	vst v63  }
0x1e3: {  	_ = 	snop  }
0x1e4: {  	[tilespmem:s24], [sflag:$0x1] =	stream.indirect_vreg.gather [hbm4b:s2+s3], $0x80, v3, vm0, $0xb8;
	[tilespmem:$0x8080] =	vst v63  }
0x1e5: {  	v3 =	vld [tilespmem:$0x60];
	_ =	sdelay $0x4  }
0x1e6: {  	v30 =	vshll.u32 v3, $0x1  }
0x1e7: {  	v3 =	vand.u32 $0x7, v3;
	v4 =	vand.u32 $0xFFFFFFF0, v30  }
0x1e8: {  	v3 =	vor.u32 v3, v4  }
0x1e9: {  	v4 =	vperm.xlane v3, v0;
	_ =	sdelay $0x1  }
0x1ea: {  	v3 =	vperm.xlane v3, v2;
	v4 =	vadd.s32 v1, v4;
	_ =	sdelay $0x1  }
0x1eb: {  	v3 =	vadd.s32 v1, v3;
	_ =	sdelay $0x2  }
0x1ec: {  	[tilespmem:s25], [sflag:$0x1] =	stream.indirect_vreg.gather [hbm4b:s2+s3], $0x80, v4, vm0, $0xb8;
	[tilespmem:$0x8080] =	vst v63  }
0x1ed: {  	_ = 	snop  }
0x1ee: {  	[tilespmem:s26], [sflag:$0x1] =	stream.indirect_vreg.gather [hbm4b:s2+s3], $0x80, v3, vm0, $0xb8;
	[tilespmem:$0x8080] =	vst v63  }
0x1ef: {  	v3 =	vld [tilespmem:$0x70];
	_ =	sdelay $0x4  }
0x1f0: {  	v31 =	vshll.u32 v3, $0x1  }
0x1f1: {  	v3 =	vand.u32 $0x7, v3;
	v4 =	vand.u32 $0xFFFFFFF0, v31  }
0x1f2: {  	v3 =	vor.u32 v3, v4  }
0x1f3: {  	v4 =	vperm.xlane v3, v0;
	_ =	sdelay $0x1  }
0x1f4: {  	v3 =	vperm.xlane v3, v2;
	v4 =	vadd.s32 v1, v4;
	_ =	sdelay $0x1  }
0x1f5: {  	v3 =	vadd.s32 v1, v3;
	_ =	sdelay $0x2  }
0x1f6: {  	[tilespmem:s28], [sflag:$0x1] =	stream.indirect_vreg.gather [hbm4b:s2+s3], $0x80, v4, vm0, $0xb8;
	[tilespmem:$0x8080] =	vst v63  }
0x1f7: {  	_ = 	snop  }
0x1f8: {  	[tilespmem:s29], [sflag:$0x1] =	stream.indirect_vreg.gather [hbm4b:s2+s3], $0x80, v3, vm0, $0xb8;
	[tilespmem:$0x8080] =	vst v63  }
0x1f9: {  	_ =	swait.ge [sflag:s30], $0x8000  }
0x1fa: {  	[sflag:s30] =	ssyncset.done $0x0  }
0x1fb: {  	s0 =	rddreg [dreg:$0xd];
	[sflag:s30] =	ssyncadd.s32 $0xFFFF8000  }
0x1fc: {  	[hbm4b:s0+s31] =	stream.strided.scatter [tilespmem:s13], [sflag:$0x2], $0x8000, s1, s31, $0x38;
	[tilespmem:$0x8080] =	vst v63  }
0x1fd: {  	_ =	swait.ge [sflag:s12], $0x8000  }
0x1fe: {  	[sflag:s12] =	ssyncset.done $0x0  }
0x1ff: {  	s0 =	rddreg [dreg:$0xe];
	[sflag:s12] =	ssyncadd.s32 $0xFFFF8000  }
0x200: {  	[tilespmem:s3], [sflag:$0x2] =	stream.linear.gather [hbm4b:s0+s3], $0x80, $0x38;
	[tilespmem:$0x8080] =	vst v63  }
0x201: {  	_ =	swait.ge [sflag:s12], $0x80  }
0x202: {  	[sflag:s12] =	ssyncset.done $0x0  }
0x203: {  	[sflag:s12] =	ssyncadd.s32 $0xFFFFFF80  }
0x204: {  	v3 =	vld [tilespmem:$0x0];
	_ =	sdelay $0x4  }
0x205: {  	v32 =	vshll.u32 v3, $0x1  }
0x206: {  	v3 =	vand.u32 $0x7, v3;
	v4 =	vand.u32 $0xFFFFFFF0, v32  }
0x207: {  	v3 =	vor.u32 v3, v4  }
0x208: {  	v4 =	vperm.xlane v3, v0;
	_ =	sdelay $0x1  }
0x209: {  	v3 =	vperm.xlane v3, v2;
	v4 =	vadd.s32 v1, v4;
	_ =	sdelay $0x1  }
0x20a: {  	v3 =	vadd.s32 v1, v3;
	_ =	sdelay $0x2  }
0x20b: {  	[tilespmem:s13], [sflag:$0x1] =	stream.indirect_vreg.gather [hbm4b:s2+s3], $0x80, v4, vm0, $0xb8;
	[tilespmem:$0x8080] =	vst v63  }
0x20c: {  	_ = 	snop  }
0x20d: {  	[tilespmem:s14], [sflag:$0x1] =	stream.indirect_vreg.gather [hbm4b:s2+s3], $0x80, v3, vm0, $0xb8;
	[tilespmem:$0x8080] =	vst v63  }
0x20e: {  	v3 =	vld [tilespmem:$0x10];
	_ =	sdelay $0x4  }
0x20f: {  	v33 =	vshll.u32 v3, $0x1  }
0x210: {  	v3 =	vand.u32 $0x7, v3;
	v4 =	vand.u32 $0xFFFFFFF0, v33  }
0x211: {  	v3 =	vor.u32 v3, v4  }
0x212: {  	v4 =	vperm.xlane v3, v0;
	_ =	sdelay $0x1  }
0x213: {  	v3 =	vperm.xlane v3, v2;
	v4 =	vadd.s32 v1, v4;
	_ =	sdelay $0x1  }
0x214: {  	v3 =	vadd.s32 v1, v3;
	_ =	sdelay $0x2  }
0x215: {  	[tilespmem:s15], [sflag:$0x1] =	stream.indirect_vreg.gather [hbm4b:s2+s3], $0x80, v4, vm0, $0xb8;
	[tilespmem:$0x8080] =	vst v63  }
0x216: {  	_ = 	snop  }
0x217: {  	[tilespmem:s16], [sflag:$0x1] =	stream.indirect_vreg.gather [hbm4b:s2+s3], $0x80, v3, vm0, $0xb8;
	[tilespmem:$0x8080] =	vst v63  }
0x218: {  	v3 =	vld [tilespmem:$0x20];
	_ =	sdelay $0x4  }
0x219: {  	v34 =	vshll.u32 v3, $0x1  }
0x21a: {  	v3 =	vand.u32 $0x7, v3;
	v4 =	vand.u32 $0xFFFFFFF0, v34  }
0x21b: {  	v3 =	vor.u32 v3, v4  }
0x21c: {  	v4 =	vperm.xlane v3, v0;
	_ =	sdelay $0x1  }
0x21d: {  	v3 =	vperm.xlane v3, v2;
	v4 =	vadd.s32 v1, v4;
	_ =	sdelay $0x1  }
0x21e: {  	v3 =	vadd.s32 v1, v3;
	_ =	sdelay $0x2  }
0x21f: {  	[tilespmem:s17], [sflag:$0x1] =	stream.indirect_vreg.gather [hbm4b:s2+s3], $0x80, v4, vm0, $0xb8;
	[tilespmem:$0x8080] =	vst v63  }
0x220: {  	_ = 	snop  }
0x221: {  	[tilespmem:s18], [sflag:$0x1] =	stream.indirect_vreg.gather [hbm4b:s2+s3], $0x80, v3, vm0, $0xb8;
	[tilespmem:$0x8080] =	vst v63  }
0x222: {  	v3 =	vld [tilespmem:$0x30];
	_ =	sdelay $0x4  }
0x223: {  	v35 =	vshll.u32 v3, $0x1  }
0x224: {  	v3 =	vand.u32 $0x7, v3;
	v4 =	vand.u32 $0xFFFFFFF0, v35  }
0x225: {  	v3 =	vor.u32 v3, v4  }
0x226: {  	v4 =	vperm.xlane v3, v0;
	_ =	sdelay $0x1  }
0x227: {  	v3 =	vperm.xlane v3, v2;
	v4 =	vadd.s32 v1, v4;
	_ =	sdelay $0x1  }
0x228: {  	v3 =	vadd.s32 v1, v3;
	_ =	sdelay $0x2  }
0x229: {  	[tilespmem:s19], [sflag:$0x1] =	stream.indirect_vreg.gather [hbm4b:s2+s3], $0x80, v4, vm0, $0xb8;
	[tilespmem:$0x8080] =	vst v63  }
0x22a: {  	_ = 	snop  }
0x22b: {  	[tilespmem:s20], [sflag:$0x1] =	stream.indirect_vreg.gather [hbm4b:s2+s3], $0x80, v3, vm0, $0xb8;
	[tilespmem:$0x8080] =	vst v63  }
0x22c: {  	v3 =	vld [tilespmem:$0x40];
	_ =	sdelay $0x4  }
0x22d: {  	v36 =	vshll.u32 v3, $0x1  }
0x22e: {  	v3 =	vand.u32 $0x7, v3;
	v4 =	vand.u32 $0xFFFFFFF0, v36  }
0x22f: {  	v3 =	vor.u32 v3, v4  }
0x230: {  	v4 =	vperm.xlane v3, v0;
	_ =	sdelay $0x1  }
0x231: {  	v3 =	vperm.xlane v3, v2;
	v4 =	vadd.s32 v1, v4;
	_ =	sdelay $0x1  }
0x232: {  	v3 =	vadd.s32 v1, v3;
	_ =	sdelay $0x2  }
0x233: {  	[tilespmem:s21], [sflag:$0x1] =	stream.indirect_vreg.gather [hbm4b:s2+s3], $0x80, v4, vm0, $0xb8;
	[tilespmem:$0x8080] =	vst v63  }
0x234: {  	_ = 	snop  }
0x235: {  	[tilespmem:s22], [sflag:$0x1] =	stream.indirect_vreg.gather [hbm4b:s2+s3], $0x80, v3, vm0, $0xb8;
	[tilespmem:$0x8080] =	vst v63  }
0x236: {  	v3 =	vld [tilespmem:$0x50];
	_ =	sdelay $0x4  }
0x237: {  	v37 =	vshll.u32 v3, $0x1  }
0x238: {  	v3 =	vand.u32 $0x7, v3;
	v4 =	vand.u32 $0xFFFFFFF0, v37  }
0x239: {  	v3 =	vor.u32 v3, v4  }
0x23a: {  	v4 =	vperm.xlane v3, v0;
	_ =	sdelay $0x1  }
0x23b: {  	v3 =	vperm.xlane v3, v2;
	v4 =	vadd.s32 v1, v4;
	_ =	sdelay $0x1  }
0x23c: {  	v3 =	vadd.s32 v1, v3;
	_ =	sdelay $0x2  }
0x23d: {  	[tilespmem:s23], [sflag:$0x1] =	stream.indirect_vreg.gather [hbm4b:s2+s3], $0x80, v4, vm0, $0xb8;
	[tilespmem:$0x8080] =	vst v63  }
0x23e: {  	_ = 	snop  }
0x23f: {  	[tilespmem:s24], [sflag:$0x1] =	stream.indirect_vreg.gather [hbm4b:s2+s3], $0x80, v3, vm0, $0xb8;
	[tilespmem:$0x8080] =	vst v63  }
0x240: {  	v3 =	vld [tilespmem:$0x60];
	_ =	sdelay $0x4  }
0x241: {  	v38 =	vshll.u32 v3, $0x1  }
0x242: {  	v3 =	vand.u32 $0x7, v3;
	v4 =	vand.u32 $0xFFFFFFF0, v38  }
0x243: {  	v3 =	vor.u32 v3, v4  }
0x244: {  	v4 =	vperm.xlane v3, v0;
	_ =	sdelay $0x1  }
0x245: {  	v3 =	vperm.xlane v3, v2;
	v4 =	vadd.s32 v1, v4;
	_ =	sdelay $0x1  }
0x246: {  	v3 =	vadd.s32 v1, v3;
	_ =	sdelay $0x2  }
0x247: {  	[tilespmem:s25], [sflag:$0x1] =	stream.indirect_vreg.gather [hbm4b:s2+s3], $0x80, v4, vm0, $0xb8;
	[tilespmem:$0x8080] =	vst v63  }
0x248: {  	_ = 	snop  }
0x249: {  	[tilespmem:s26], [sflag:$0x1] =	stream.indirect_vreg.gather [hbm4b:s2+s3], $0x80, v3, vm0, $0xb8;
	[tilespmem:$0x8080] =	vst v63  }
0x24a: {  	v3 =	vld [tilespmem:$0x70];
	_ =	sdelay $0x4  }
0x24b: {  	v39 =	vshll.u32 v3, $0x1  }
0x24c: {  	v3 =	vand.u32 $0x7, v3;
	v4 =	vand.u32 $0xFFFFFFF0, v39  }
0x24d: {  	v3 =	vor.u32 v3, v4  }
0x24e: {  	v4 =	vperm.xlane v3, v0;
	_ =	sdelay $0x1  }
0x24f: {  	v3 =	vperm.xlane v3, v2;
	v4 =	vadd.s32 v1, v4;
	_ =	sdelay $0x1  }
0x250: {  	v3 =	vadd.s32 v1, v3;
	_ =	sdelay $0x2  }
0x251: {  	[tilespmem:s28], [sflag:$0x1] =	stream.indirect_vreg.gather [hbm4b:s2+s3], $0x80, v4, vm0, $0xb8;
	[tilespmem:$0x8080] =	vst v63  }
0x252: {  	_ = 	snop  }
0x253: {  	[tilespmem:s29], [sflag:$0x1] =	stream.indirect_vreg.gather [hbm4b:s2+s3], $0x80, v3, vm0, $0xb8;
	[tilespmem:$0x8080] =	vst v63  }
0x254: {  	_ =	swait.ge [sflag:s30], $0x8000  }
0x255: {  	[sflag:s30] =	ssyncset.done $0x0  }
0x256: {  	s0 =	rddreg [dreg:$0xf];
	[sflag:s30] =	ssyncadd.s32 $0xFFFF8000  }
0x257: {  	[hbm4b:s0+s31] =	stream.strided.scatter [tilespmem:s13], [sflag:$0x2], $0x8000, s1, s31, $0x38;
	[tilespmem:$0x8080] =	vst v63  }
0x258: {  	_ =	swait.ge [sflag:s12], $0x8000  }
0x259: {  	[sflag:s12] =	ssyncset.done $0x0  }
0x25a: {  	s0 =	rddreg [dreg:$0x10];
	[sflag:s12] =	ssyncadd.s32 $0xFFFF8000  }
0x25b: {  	[tilespmem:s3], [sflag:$0x2] =	stream.linear.gather [hbm4b:s0+s3], $0x80, $0x38;
	[tilespmem:$0x8080] =	vst v63  }
0x25c: {  	_ =	swait.ge [sflag:s12], $0x80  }
0x25d: {  	[sflag:s12] =	ssyncset.done $0x0  }
0x25e: {  	[sflag:s12] =	ssyncadd.s32 $0xFFFFFF80  }
0x25f: {  	v3 =	vld [tilespmem:$0x0];
	_ =	sdelay $0x4  }
0x260: {  	v40 =	vshll.u32 v3, $0x1  }
0x261: {  	v3 =	vand.u32 $0x7, v3;
	v4 =	vand.u32 $0xFFFFFFF0, v40  }
0x262: {  	v3 =	vor.u32 v3, v4  }
0x263: {  	v4 =	vperm.xlane v3, v0;
	_ =	sdelay $0x1  }
0x264: {  	v3 =	vperm.xlane v3, v2;
	v4 =	vadd.s32 v1, v4;
	_ =	sdelay $0x1  }
0x265: {  	v3 =	vadd.s32 v1, v3;
	_ =	sdelay $0x2  }
0x266: {  	[tilespmem:s13], [sflag:$0x1] =	stream.indirect_vreg.gather [hbm4b:s2+s3], $0x80, v4, vm0, $0xb8;
	[tilespmem:$0x8080] =	vst v63  }
0x267: {  	_ = 	snop  }
0x268: {  	[tilespmem:s14], [sflag:$0x1] =	stream.indirect_vreg.gather [hbm4b:s2+s3], $0x80, v3, vm0, $0xb8;
	[tilespmem:$0x8080] =	vst v63  }
0x269: {  	v3 =	vld [tilespmem:$0x10];
	_ =	sdelay $0x4  }
0x26a: {  	v41 =	vshll.u32 v3, $0x1  }
0x26b: {  	v3 =	vand.u32 $0x7, v3;
	v4 =	vand.u32 $0xFFFFFFF0, v41  }
0x26c: {  	v3 =	vor.u32 v3, v4  }
0x26d: {  	v4 =	vperm.xlane v3, v0;
	_ =	sdelay $0x1  }
0x26e: {  	v3 =	vperm.xlane v3, v2;
	v4 =	vadd.s32 v1, v4;
	_ =	sdelay $0x1  }
0x26f: {  	v3 =	vadd.s32 v1, v3;
	_ =	sdelay $0x2  }
0x270: {  	[tilespmem:s15], [sflag:$0x1] =	stream.indirect_vreg.gather [hbm4b:s2+s3], $0x80, v4, vm0, $0xb8;
	[tilespmem:$0x8080] =	vst v63  }
0x271: {  	_ = 	snop  }
0x272: {  	[tilespmem:s16], [sflag:$0x1] =	stream.indirect_vreg.gather [hbm4b:s2+s3], $0x80, v3, vm0, $0xb8;
	[tilespmem:$0x8080] =	vst v63  }
0x273: {  	v3 =	vld [tilespmem:$0x20];
	_ =	sdelay $0x4  }
0x274: {  	v42 =	vshll.u32 v3, $0x1  }
0x275: {  	v3 =	vand.u32 $0x7, v3;
	v4 =	vand.u32 $0xFFFFFFF0, v42  }
0x276: {  	v3 =	vor.u32 v3, v4  }
0x277: {  	v4 =	vperm.xlane v3, v0;
	_ =	sdelay $0x1  }
0x278: {  	v3 =	vperm.xlane v3, v2;
	v4 =	vadd.s32 v1, v4;
	_ =	sdelay $0x1  }
0x279: {  	v3 =	vadd.s32 v1, v3;
	_ =	sdelay $0x2  }
0x27a: {  	[tilespmem:s17], [sflag:$0x1] =	stream.indirect_vreg.gather [hbm4b:s2+s3], $0x80, v4, vm0, $0xb8;
	[tilespmem:$0x8080] =	vst v63  }
0x27b: {  	_ = 	snop  }
0x27c: {  	[tilespmem:s18], [sflag:$0x1] =	stream.indirect_vreg.gather [hbm4b:s2+s3], $0x80, v3, vm0, $0xb8;
	[tilespmem:$0x8080] =	vst v63  }
0x27d: {  	v3 =	vld [tilespmem:$0x30];
	_ =	sdelay $0x4  }
0x27e: {  	v43 =	vshll.u32 v3, $0x1  }
0x27f: {  	v3 =	vand.u32 $0x7, v3;
	v4 =	vand.u32 $0xFFFFFFF0, v43  }
0x280: {  	v3 =	vor.u32 v3, v4  }
0x281: {  	v4 =	vperm.xlane v3, v0;
	_ =	sdelay $0x1  }
0x282: {  	v3 =	vperm.xlane v3, v2;
	v4 =	vadd.s32 v1, v4;
	_ =	sdelay $0x1  }
0x283: {  	v3 =	vadd.s32 v1, v3;
	_ =	sdelay $0x2  }
0x284: {  	[tilespmem:s19], [sflag:$0x1] =	stream.indirect_vreg.gather [hbm4b:s2+s3], $0x80, v4, vm0, $0xb8;
	[tilespmem:$0x8080] =	vst v63  }
0x285: {  	_ = 	snop  }
0x286: {  	[tilespmem:s20], [sflag:$0x1] =	stream.indirect_vreg.gather [hbm4b:s2+s3], $0x80, v3, vm0, $0xb8;
	[tilespmem:$0x8080] =	vst v63  }
0x287: {  	v3 =	vld [tilespmem:$0x40];
	_ =	sdelay $0x4  }
0x288: {  	v44 =	vshll.u32 v3, $0x1  }
0x289: {  	v3 =	vand.u32 $0x7, v3;
	v4 =	vand.u32 $0xFFFFFFF0, v44  }
0x28a: {  	v3 =	vor.u32 v3, v4  }
0x28b: {  	v4 =	vperm.xlane v3, v0;
	_ =	sdelay $0x1  }
0x28c: {  	v3 =	vperm.xlane v3, v2;
	v4 =	vadd.s32 v1, v4;
	_ =	sdelay $0x1  }
0x28d: {  	v3 =	vadd.s32 v1, v3;
	_ =	sdelay $0x2  }
0x28e: {  	[tilespmem:s21], [sflag:$0x1] =	stream.indirect_vreg.gather [hbm4b:s2+s3], $0x80, v4, vm0, $0xb8;
	[tilespmem:$0x8080] =	vst v63  }
0x28f: {  	_ = 	snop  }
0x290: {  	[tilespmem:s22], [sflag:$0x1] =	stream.indirect_vreg.gather [hbm4b:s2+s3], $0x80, v3, vm0, $0xb8;
	[tilespmem:$0x8080] =	vst v63  }
0x291: {  	v3 =	vld [tilespmem:$0x50];
	_ =	sdelay $0x4  }
0x292: {  	v45 =	vshll.u32 v3, $0x1  }
0x293: {  	v3 =	vand.u32 $0x7, v3;
	v4 =	vand.u32 $0xFFFFFFF0, v45  }
0x294: {  	v3 =	vor.u32 v3, v4  }
0x295: {  	v4 =	vperm.xlane v3, v0;
	_ =	sdelay $0x1  }
0x296: {  	v3 =	vperm.xlane v3, v2;
	v4 =	vadd.s32 v1, v4;
	_ =	sdelay $0x1  }
0x297: {  	v3 =	vadd.s32 v1, v3;
	_ =	sdelay $0x2  }
0x298: {  	[tilespmem:s23], [sflag:$0x1] =	stream.indirect_vreg.gather [hbm4b:s2+s3], $0x80, v4, vm0, $0xb8;
	[tilespmem:$0x8080] =	vst v63  }
0x299: {  	_ = 	snop  }
0x29a: {  	[tilespmem:s24], [sflag:$0x1] =	stream.indirect_vreg.gather [hbm4b:s2+s3], $0x80, v3, vm0, $0xb8;
	[tilespmem:$0x8080] =	vst v63  }
0x29b: {  	v3 =	vld [tilespmem:$0x60];
	_ =	sdelay $0x4  }
0x29c: {  	v46 =	vshll.u32 v3, $0x1  }
0x29d: {  	v3 =	vand.u32 $0x7, v3;
	v4 =	vand.u32 $0xFFFFFFF0, v46  }
0x29e: {  	v3 =	vor.u32 v3, v4  }
0x29f: {  	v4 =	vperm.xlane v3, v0;
	_ =	sdelay $0x1  }
0x2a0: {  	v3 =	vperm.xlane v3, v2;
	v4 =	vadd.s32 v1, v4;
	_ =	sdelay $0x1  }
0x2a1: {  	v3 =	vadd.s32 v1, v3;
	_ =	sdelay $0x2  }
0x2a2: {  	[tilespmem:s25], [sflag:$0x1] =	stream.indirect_vreg.gather [hbm4b:s2+s3], $0x80, v4, vm0, $0xb8;
	[tilespmem:$0x8080] =	vst v63  }
0x2a3: {  	_ = 	snop  }
0x2a4: {  	[tilespmem:s26], [sflag:$0x1] =	stream.indirect_vreg.gather [hbm4b:s2+s3], $0x80, v3, vm0, $0xb8;
	[tilespmem:$0x8080] =	vst v63  }
0x2a5: {  	v3 =	vld [tilespmem:$0x70];
	_ =	sdelay $0x4  }
0x2a6: {  	v47 =	vshll.u32 v3, $0x1  }
0x2a7: {  	v3 =	vand.u32 $0x7, v3;
	v4 =	vand.u32 $0xFFFFFFF0, v47  }
0x2a8: {  	v3 =	vor.u32 v3, v4  }
0x2a9: {  	v4 =	vperm.xlane v3, v0;
	_ =	sdelay $0x1  }
0x2aa: {  	v3 =	vperm.xlane v3, v2;
	v4 =	vadd.s32 v1, v4;
	_ =	sdelay $0x1  }
0x2ab: {  	v3 =	vadd.s32 v1, v3;
	_ =	sdelay $0x2  }
0x2ac: {  	[tilespmem:s28], [sflag:$0x1] =	stream.indirect_vreg.gather [hbm4b:s2+s3], $0x80, v4, vm0, $0xb8;
	[tilespmem:$0x8080] =	vst v63  }
0x2ad: {  	_ = 	snop  }
0x2ae: {  	[tilespmem:s29], [sflag:$0x1] =	stream.indirect_vreg.gather [hbm4b:s2+s3], $0x80, v3, vm0, $0xb8;
	[tilespmem:$0x8080] =	vst v63  }
0x2af: {  	_ =	swait.ge [sflag:s30], $0x8000  }
0x2b0: {  	[sflag:s30] =	ssyncset.done $0x0  }
0x2b1: {  	s0 =	rddreg [dreg:$0x11];
	[sflag:s30] =	ssyncadd.s32 $0xFFFF8000  }
0x2b2: {  	[hbm4b:s0+s31] =	stream.strided.scatter [tilespmem:s13], [sflag:$0x2], $0x8000, s1, s31, $0x38;
	[tilespmem:$0x8080] =	vst v63  }
0x2b3: {  	_ =	swait.ge [sflag:s12], $0x8000  }
0x2b4: {  	[sflag:s12] =	ssyncset.done $0x0  }
0x2b5: {  	s0 =	rddreg [dreg:$0x12];
	[sflag:s12] =	ssyncadd.s32 $0xFFFF8000  }
0x2b6: {  	[tilespmem:s3], [sflag:$0x2] =	stream.linear.gather [hbm4b:s0+s3], $0x80, $0x38;
	[tilespmem:$0x8080] =	vst v63  }
0x2b7: {  	_ =	swait.ge [sflag:s12], $0x80  }
0x2b8: {  	[sflag:s12] =	ssyncset.done $0x0  }
0x2b9: {  	[sflag:s12] =	ssyncadd.s32 $0xFFFFFF80  }
0x2ba: {  	v3 =	vld [tilespmem:$0x0];
	_ =	sdelay $0x4  }
0x2bb: {  	v48 =	vshll.u32 v3, $0x1  }
0x2bc: {  	v3 =	vand.u32 $0x7, v3;
	v4 =	vand.u32 $0xFFFFFFF0, v48  }
0x2bd: {  	v3 =	vor.u32 v3, v4  }
0x2be: {  	v4 =	vperm.xlane v3, v0;
	_ =	sdelay $0x1  }
0x2bf: {  	v3 =	vperm.xlane v3, v2;
	v4 =	vadd.s32 v1, v4;
	_ =	sdelay $0x1  }
0x2c0: {  	v3 =	vadd.s32 v1, v3;
	_ =	sdelay $0x2  }
0x2c1: {  	[tilespmem:s13], [sflag:$0x1] =	stream.indirect_vreg.gather [hbm4b:s2+s3], $0x80, v4, vm0, $0xb8;
	[tilespmem:$0x8080] =	vst v63  }
0x2c2: {  	_ = 	snop  }
0x2c3: {  	[tilespmem:s14], [sflag:$0x1] =	stream.indirect_vreg.gather [hbm4b:s2+s3], $0x80, v3, vm0, $0xb8;
	[tilespmem:$0x8080] =	vst v63  }
0x2c4: {  	v3 =	vld [tilespmem:$0x10];
	_ =	sdelay $0x4  }
0x2c5: {  	v49 =	vshll.u32 v3, $0x1  }
0x2c6: {  	v3 =	vand.u32 $0x7, v3;
	v4 =	vand.u32 $0xFFFFFFF0, v49  }
0x2c7: {  	v3 =	vor.u32 v3, v4  }
0x2c8: {  	v4 =	vperm.xlane v3, v0;
	_ =	sdelay $0x1  }
0x2c9: {  	v3 =	vperm.xlane v3, v2;
	v4 =	vadd.s32 v1, v4;
	_ =	sdelay $0x1  }
0x2ca: {  	v3 =	vadd.s32 v1, v3;
	_ =	sdelay $0x2  }
0x2cb: {  	[tilespmem:s15], [sflag:$0x1] =	stream.indirect_vreg.gather [hbm4b:s2+s3], $0x80, v4, vm0, $0xb8;
	[tilespmem:$0x8080] =	vst v63  }
0x2cc: {  	_ = 	snop  }
0x2cd: {  	[tilespmem:s16], [sflag:$0x1] =	stream.indirect_vreg.gather [hbm4b:s2+s3], $0x80, v3, vm0, $0xb8;
	[tilespmem:$0x8080] =	vst v63  }
0x2ce: {  	v3 =	vld [tilespmem:$0x20];
	_ =	sdelay $0x4  }
0x2cf: {  	v50 =	vshll.u32 v3, $0x1  }
0x2d0: {  	v3 =	vand.u32 $0x7, v3;
	v4 =	vand.u32 $0xFFFFFFF0, v50  }
0x2d1: {  	v3 =	vor.u32 v3, v4  }
0x2d2: {  	v4 =	vperm.xlane v3, v0;
	_ =	sdelay $0x1  }
0x2d3: {  	v3 =	vperm.xlane v3, v2;
	v4 =	vadd.s32 v1, v4;
	_ =	sdelay $0x1  }
0x2d4: {  	v3 =	vadd.s32 v1, v3;
	_ =	sdelay $0x2  }
0x2d5: {  	[tilespmem:s17], [sflag:$0x1] =	stream.indirect_vreg.gather [hbm4b:s2+s3], $0x80, v4, vm0, $0xb8;
	[tilespmem:$0x8080] =	vst v63  }
0x2d6: {  	_ = 	snop  }
0x2d7: {  	[tilespmem:s18], [sflag:$0x1] =	stream.indirect_vreg.gather [hbm4b:s2+s3], $0x80, v3, vm0, $0xb8;
	[tilespmem:$0x8080] =	vst v63  }
0x2d8: {  	v3 =	vld [tilespmem:$0x30];
	_ =	sdelay $0x4  }
0x2d9: {  	v51 =	vshll.u32 v3, $0x1  }
0x2da: {  	v3 =	vand.u32 $0x7, v3;
	v4 =	vand.u32 $0xFFFFFFF0, v51  }
0x2db: {  	v3 =	vor.u32 v3, v4  }
0x2dc: {  	v4 =	vperm.xlane v3, v0;
	_ =	sdelay $0x1  }
0x2dd: {  	v3 =	vperm.xlane v3, v2;
	v4 =	vadd.s32 v1, v4;
	_ =	sdelay $0x1  }
0x2de: {  	v3 =	vadd.s32 v1, v3;
	_ =	sdelay $0x2  }
0x2df: {  	[tilespmem:s19], [sflag:$0x1] =	stream.indirect_vreg.gather [hbm4b:s2+s3], $0x80, v4, vm0, $0xb8;
	[tilespmem:$0x8080] =	vst v63  }
0x2e0: {  	_ = 	snop  }
0x2e1: {  	[tilespmem:s20], [sflag:$0x1] =	stream.indirect_vreg.gather [hbm4b:s2+s3], $0x80, v3, vm0, $0xb8;
	[tilespmem:$0x8080] =	vst v63  }
0x2e2: {  	v3 =	vld [tilespmem:$0x40];
	_ =	sdelay $0x4  }
0x2e3: {  	v52 =	vshll.u32 v3, $0x1  }
0x2e4: {  	v3 =	vand.u32 $0x7, v3;
	v4 =	vand.u32 $0xFFFFFFF0, v52  }
0x2e5: {  	v3 =	vor.u32 v3, v4  }
0x2e6: {  	v4 =	vperm.xlane v3, v0;
	_ =	sdelay $0x1  }
0x2e7: {  	v3 =	vperm.xlane v3, v2;
	v4 =	vadd.s32 v1, v4;
	_ =	sdelay $0x1  }
0x2e8: {  	v3 =	vadd.s32 v1, v3;
	_ =	sdelay $0x2  }
0x2e9: {  	[tilespmem:s21], [sflag:$0x1] =	stream.indirect_vreg.gather [hbm4b:s2+s3], $0x80, v4, vm0, $0xb8;
	[tilespmem:$0x8080] =	vst v63  }
0x2ea: {  	_ = 	snop  }
0x2eb: {  	[tilespmem:s22], [sflag:$0x1] =	stream.indirect_vreg.gather [hbm4b:s2+s3], $0x80, v3, vm0, $0xb8;
	[tilespmem:$0x8080] =	vst v63  }
0x2ec: {  	v3 =	vld [tilespmem:$0x50];
	_ =	sdelay $0x4  }
0x2ed: {  	v53 =	vshll.u32 v3, $0x1  }
0x2ee: {  	v3 =	vand.u32 $0x7, v3;
	v4 =	vand.u32 $0xFFFFFFF0, v53  }
0x2ef: {  	v3 =	vor.u32 v3, v4  }
0x2f0: {  	v4 =	vperm.xlane v3, v0;
	_ =	sdelay $0x1  }
0x2f1: {  	v3 =	vperm.xlane v3, v2;
	v4 =	vadd.s32 v1, v4;
	_ =	sdelay $0x1  }
0x2f2: {  	v3 =	vadd.s32 v1, v3;
	_ =	sdelay $0x2  }
0x2f3: {  	[tilespmem:s23], [sflag:$0x1] =	stream.indirect_vreg.gather [hbm4b:s2+s3], $0x80, v4, vm0, $0xb8;
	[tilespmem:$0x8080] =	vst v63  }
0x2f4: {  	_ = 	snop  }
0x2f5: {  	[tilespmem:s24], [sflag:$0x1] =	stream.indirect_vreg.gather [hbm4b:s2+s3], $0x80, v3, vm0, $0xb8;
	[tilespmem:$0x8080] =	vst v63  }
0x2f6: {  	v3 =	vld [tilespmem:$0x60];
	_ =	sdelay $0x4  }
0x2f7: {  	v54 =	vshll.u32 v3, $0x1  }
0x2f8: {  	v3 =	vand.u32 $0x7, v3;
	v4 =	vand.u32 $0xFFFFFFF0, v54  }
0x2f9: {  	v3 =	vor.u32 v3, v4  }
0x2fa: {  	v4 =	vperm.xlane v3, v0;
	_ =	sdelay $0x1  }
0x2fb: {  	v3 =	vperm.xlane v3, v2;
	v4 =	vadd.s32 v1, v4;
	_ =	sdelay $0x1  }
0x2fc: {  	v3 =	vadd.s32 v1, v3;
	_ =	sdelay $0x2  }
0x2fd: {  	[tilespmem:s25], [sflag:$0x1] =	stream.indirect_vreg.gather [hbm4b:s2+s3], $0x80, v4, vm0, $0xb8;
	[tilespmem:$0x8080] =	vst v63  }
0x2fe: {  	_ = 	snop  }
0x2ff: {  	[tilespmem:s26], [sflag:$0x1] =	stream.indirect_vreg.gather [hbm4b:s2+s3], $0x80, v3, vm0, $0xb8;
	[tilespmem:$0x8080] =	vst v63  }
0x300: {  	v3 =	vld [tilespmem:$0x70];
	_ =	sdelay $0x4  }
0x301: {  	v55 =	vshll.u32 v3, $0x1  }
0x302: {  	v3 =	vand.u32 $0x7, v3;
	v4 =	vand.u32 $0xFFFFFFF0, v55  }
0x303: {  	v3 =	vor.u32 v3, v4  }
0x304: {  	v4 =	vperm.xlane v3, v0;
	_ =	sdelay $0x1  }
0x305: {  	v3 =	vperm.xlane v3, v2;
	v4 =	vadd.s32 v1, v4;
	_ =	sdelay $0x1  }
0x306: {  	v3 =	vadd.s32 v1, v3;
	_ =	sdelay $0x2  }
0x307: {  	[tilespmem:s28], [sflag:$0x1] =	stream.indirect_vreg.gather [hbm4b:s2+s3], $0x80, v4, vm0, $0xb8;
	[tilespmem:$0x8080] =	vst v63  }
0x308: {  	_ = 	snop  }
0x309: {  	[tilespmem:s29], [sflag:$0x1] =	stream.indirect_vreg.gather [hbm4b:s2+s3], $0x80, v3, vm0, $0xb8;
	[tilespmem:$0x8080] =	vst v63  }
0x30a: {  	_ =	swait.ge [sflag:s30], $0x8000  }
0x30b: {  	[sflag:s30] =	ssyncset.done $0x0  }
0x30c: {  	s0 =	rddreg [dreg:$0x13];
	[sflag:s30] =	ssyncadd.s32 $0xFFFF8000  }
0x30d: {  	[hbm4b:s0+s31] =	stream.strided.scatter [tilespmem:s13], [sflag:$0x2], $0x8000, s1, s31, $0x38;
	[tilespmem:$0x8080] =	vst v63  }
0x30e: {  	_ =	swait.ge [sflag:s12], $0x8000  }
0x30f: {  	[sflag:s12] =	ssyncset.done $0x0  }
0x310: {  	s0 =	rddreg [dreg:$0x14];
	[sflag:s12] =	ssyncadd.s32 $0xFFFF8000  }
0x311: {  	[tilespmem:s3], [sflag:$0x2] =	stream.linear.gather [hbm4b:s0+s3], $0x80, $0x38;
	[tilespmem:$0x8080] =	vst v63  }
0x312: {  	_ =	swait.ge [sflag:s12], $0x80  }
0x313: {  	[sflag:s12] =	ssyncset.done $0x0  }
0x314: {  	[sflag:s12] =	ssyncadd.s32 $0xFFFFFF80  }
0x315: {  	v3 =	vld [tilespmem:$0x0];
	_ =	sdelay $0x4  }
0x316: {  	v56 =	vshll.u32 v3, $0x1  }
0x317: {  	v3 =	vand.u32 $0x7, v3;
	v4 =	vand.u32 $0xFFFFFFF0, v56  }
0x318: {  	v3 =	vor.u32 v3, v4  }
0x319: {  	v4 =	vperm.xlane v3, v0;
	_ =	sdelay $0x1  }
0x31a: {  	v3 =	vperm.xlane v3, v2;
	v4 =	vadd.s32 v1, v4;
	_ =	sdelay $0x1  }
0x31b: {  	v3 =	vadd.s32 v1, v3;
	_ =	sdelay $0x2  }
0x31c: {  	[tilespmem:s13], [sflag:$0x1] =	stream.indirect_vreg.gather [hbm4b:s2+s3], $0x80, v4, vm0, $0xb8;
	[tilespmem:$0x8080] =	vst v63  }
0x31d: {  	_ = 	snop  }
0x31e: {  	[tilespmem:s14], [sflag:$0x1] =	stream.indirect_vreg.gather [hbm4b:s2+s3], $0x80, v3, vm0, $0xb8;
	[tilespmem:$0x8080] =	vst v63  }
0x31f: {  	v3 =	vld [tilespmem:$0x10];
	_ =	sdelay $0x4  }
0x320: {  	v57 =	vshll.u32 v3, $0x1  }
0x321: {  	v3 =	vand.u32 $0x7, v3;
	v4 =	vand.u32 $0xFFFFFFF0, v57  }
0x322: {  	v3 =	vor.u32 v3, v4  }
0x323: {  	v4 =	vperm.xlane v3, v0;
	_ =	sdelay $0x1  }
0x324: {  	v3 =	vperm.xlane v3, v2;
	v4 =	vadd.s32 v1, v4;
	_ =	sdelay $0x1  }
0x325: {  	v3 =	vadd.s32 v1, v3;
	_ =	sdelay $0x2  }
0x326: {  	[tilespmem:s15], [sflag:$0x1] =	stream.indirect_vreg.gather [hbm4b:s2+s3], $0x80, v4, vm0, $0xb8;
	[tilespmem:$0x8080] =	vst v63  }
0x327: {  	_ = 	snop  }
0x328: {  	[tilespmem:s16], [sflag:$0x1] =	stream.indirect_vreg.gather [hbm4b:s2+s3], $0x80, v3, vm0, $0xb8;
	[tilespmem:$0x8080] =	vst v63  }
0x329: {  	v3 =	vld [tilespmem:$0x20];
	_ =	sdelay $0x4  }
0x32a: {  	v58 =	vshll.u32 v3, $0x1  }
0x32b: {  	v3 =	vand.u32 $0x7, v3;
	v4 =	vand.u32 $0xFFFFFFF0, v58  }
0x32c: {  	v3 =	vor.u32 v3, v4  }
0x32d: {  	v4 =	vperm.xlane v3, v0;
	_ =	sdelay $0x1  }
0x32e: {  	v3 =	vperm.xlane v3, v2;
	v4 =	vadd.s32 v1, v4;
	_ =	sdelay $0x1  }
0x32f: {  	v3 =	vadd.s32 v1, v3;
	_ =	sdelay $0x2  }
0x330: {  	[tilespmem:s17], [sflag:$0x1] =	stream.indirect_vreg.gather [hbm4b:s2+s3], $0x80, v4, vm0, $0xb8;
	[tilespmem:$0x8080] =	vst v63  }
0x331: {  	_ = 	snop  }
0x332: {  	[tilespmem:s18], [sflag:$0x1] =	stream.indirect_vreg.gather [hbm4b:s2+s3], $0x80, v3, vm0, $0xb8;
	[tilespmem:$0x8080] =	vst v63  }
0x333: {  	v3 =	vld [tilespmem:$0x30];
	_ =	sdelay $0x4  }
0x334: {  	v59 =	vshll.u32 v3, $0x1  }
0x335: {  	v3 =	vand.u32 $0x7, v3;
	v4 =	vand.u32 $0xFFFFFFF0, v59  }
0x336: {  	v3 =	vor.u32 v3, v4  }
0x337: {  	v4 =	vperm.xlane v3, v0;
	_ =	sdelay $0x1  }
0x338: {  	v3 =	vperm.xlane v3, v2;
	v4 =	vadd.s32 v1, v4;
	_ =	sdelay $0x1  }
0x339: {  	v3 =	vadd.s32 v1, v3;
	_ =	sdelay $0x2  }
0x33a: {  	[tilespmem:s19], [sflag:$0x1] =	stream.indirect_vreg.gather [hbm4b:s2+s3], $0x80, v4, vm0, $0xb8;
	[tilespmem:$0x8080] =	vst v63  }
0x33b: {  	_ = 	snop  }
0x33c: {  	[tilespmem:s20], [sflag:$0x1] =	stream.indirect_vreg.gather [hbm4b:s2+s3], $0x80, v3, vm0, $0xb8;
	[tilespmem:$0x8080] =	vst v63  }
0x33d: {  	v3 =	vld [tilespmem:$0x40];
	_ =	sdelay $0x4  }
0x33e: {  	v60 =	vshll.u32 v3, $0x1  }
0x33f: {  	v3 =	vand.u32 $0x7, v3;
	v4 =	vand.u32 $0xFFFFFFF0, v60  }
0x340: {  	v3 =	vor.u32 v3, v4  }
0x341: {  	v4 =	vperm.xlane v3, v0;
	_ =	sdelay $0x1  }
0x342: {  	v3 =	vperm.xlane v3, v2;
	v4 =	vadd.s32 v1, v4;
	_ =	sdelay $0x1  }
0x343: {  	v3 =	vadd.s32 v1, v3;
	_ =	sdelay $0x2  }
0x344: {  	[tilespmem:s21], [sflag:$0x1] =	stream.indirect_vreg.gather [hbm4b:s2+s3], $0x80, v4, vm0, $0xb8;
	[tilespmem:$0x8080] =	vst v63  }
0x345: {  	_ = 	snop  }
0x346: {  	[tilespmem:s22], [sflag:$0x1] =	stream.indirect_vreg.gather [hbm4b:s2+s3], $0x80, v3, vm0, $0xb8;
	[tilespmem:$0x8080] =	vst v63  }
0x347: {  	v3 =	vld [tilespmem:$0x50];
	_ =	sdelay $0x4  }
0x348: {  	v61 =	vshll.u32 v3, $0x1  }
0x349: {  	v3 =	vand.u32 $0x7, v3;
	v4 =	vand.u32 $0xFFFFFFF0, v61  }
0x34a: {  	v3 =	vor.u32 v3, v4  }
0x34b: {  	v4 =	vperm.xlane v3, v0;
	_ =	sdelay $0x1  }
0x34c: {  	v3 =	vperm.xlane v3, v2;
	v4 =	vadd.s32 v1, v4;
	_ =	sdelay $0x1  }
0x34d: {  	v3 =	vadd.s32 v1, v3;
	_ =	sdelay $0x2  }
0x34e: {  	[tilespmem:s23], [sflag:$0x1] =	stream.indirect_vreg.gather [hbm4b:s2+s3], $0x80, v4, vm0, $0xb8;
	[tilespmem:$0x8080] =	vst v63  }
0x34f: {  	_ = 	snop  }
0x350: {  	[tilespmem:s24], [sflag:$0x1] =	stream.indirect_vreg.gather [hbm4b:s2+s3], $0x80, v3, vm0, $0xb8;
	[tilespmem:$0x8080] =	vst v63  }
0x351: {  	v3 =	vld [tilespmem:$0x60];
	_ =	sdelay $0x4  }
0x352: {  	v62 =	vshll.u32 v3, $0x1  }
0x353: {  	v3 =	vand.u32 $0x7, v3;
	v4 =	vand.u32 $0xFFFFFFF0, v62  }
0x354: {  	v3 =	vor.u32 v3, v4  }
0x355: {  	v4 =	vperm.xlane v3, v0;
	_ =	sdelay $0x1  }
0x356: {  	v3 =	vperm.xlane v3, v2;
	v4 =	vadd.s32 v1, v4;
	_ =	sdelay $0x1  }
0x357: {  	v3 =	vadd.s32 v1, v3;
	_ =	sdelay $0x2  }
0x358: {  	[tilespmem:s25], [sflag:$0x1] =	stream.indirect_vreg.gather [hbm4b:s2+s3], $0x80, v4, vm0, $0xb8;
	[tilespmem:$0x8080] =	vst v63  }
0x359: {  	_ = 	snop  }
0x35a: {  	[tilespmem:s26], [sflag:$0x1] =	stream.indirect_vreg.gather [hbm4b:s2+s3], $0x80, v3, vm0, $0xb8;
	[tilespmem:$0x8080] =	vst v63  }
0x35b: {  	v3 =	vld [tilespmem:$0x70];
	_ =	sdelay $0x4  }
0x35c: {  	v63 =	vshll.u32 v3, $0x1  }
0x35d: {  	v3 =	vand.u32 $0x7, v3;
	v4 =	vand.u32 $0xFFFFFFF0, v63  }
0x35e: {  	v3 =	vor.u32 v3, v4  }
0x35f: {  	v4 =	vperm.xlane v3, v0;
	_ =	sdelay $0x1  }
0x360: {  	v3 =	vperm.xlane v3, v2;
	v4 =	vadd.s32 v1, v4;
	_ =	sdelay $0x1  }
0x361: {  	v3 =	vadd.s32 v1, v3;
	_ =	sdelay $0x2  }
0x362: {  	[tilespmem:s28], [sflag:$0x1] =	stream.indirect_vreg.gather [hbm4b:s2+s3], $0x80, v4, vm0, $0xb8;
	[tilespmem:$0x8080] =	vst v63  }
0x363: {  	_ = 	snop  }
0x364: {  	[tilespmem:s29], [sflag:$0x1] =	stream.indirect_vreg.gather [hbm4b:s2+s3], $0x80, v3, vm0, $0xb8;
	[tilespmem:$0x8080] =	vst v63  }
0x365: {  	_ =	swait.ge [sflag:s30], $0x8000  }
0x366: {  	[sflag:s30] =	ssyncset.done $0x0  }
0x367: {  	s0 =	rddreg [dreg:$0x15];
	[sflag:s30] =	ssyncadd.s32 $0xFFFF8000  }
0x368: {  	[hbm4b:s0+s31] =	stream.strided.scatter [tilespmem:s13], [sflag:$0x2], $0x8000, s1, s31, $0x38;
	[tilespmem:$0x8080] =	vst v63  }
0x369: {  	_ =	swait.ge [sflag:s12], $0x8000  }
0x36a: {  	[sflag:s12] =	ssyncset.done $0x0  }
0x36b: {  	s0 =	rddreg [dreg:$0x16];
	[sflag:s12] =	ssyncadd.s32 $0xFFFF8000  }
0x36c: {  	[tilespmem:s3], [sflag:$0x2] =	stream.linear.gather [hbm4b:s0+s3], $0x80, $0x38;
	[tilespmem:$0x8080] =	vst v63  }
0x36d: {  	_ =	swait.ge [sflag:s12], $0x80  }
0x36e: {  	[sflag:s12] =	ssyncset.done $0x0  }
0x36f: {  	[sflag:s12] =	ssyncadd.s32 $0xFFFFFF80  }
0x370: {  	v3 =	vld [tilespmem:$0x0];
	_ =	sdelay $0x4  }
0x371: {  	v8 =	vshll.u32 v3, $0x1  }
0x372: {  	v3 =	vand.u32 $0x7, v3;
	v4 =	vand.u32 $0xFFFFFFF0, v8  }
0x373: {  	v3 =	vor.u32 v3, v4  }
0x374: {  	v4 =	vperm.xlane v3, v0;
	_ =	sdelay $0x1  }
0x375: {  	v3 =	vperm.xlane v3, v2;
	v4 =	vadd.s32 v1, v4;
	_ =	sdelay $0x1  }
0x376: {  	v3 =	vadd.s32 v1, v3;
	_ =	sdelay $0x2  }
0x377: {  	[tilespmem:s13], [sflag:$0x1] =	stream.indirect_vreg.gather [hbm4b:s2+s3], $0x80, v4, vm0, $0xb8;
	[tilespmem:$0x8080] =	vst v63  }
0x378: {  	_ = 	snop  }
0x379: {  	[tilespmem:s14], [sflag:$0x1] =	stream.indirect_vreg.gather [hbm4b:s2+s3], $0x80, v3, vm0, $0xb8;
	[tilespmem:$0x8080] =	vst v63  }
0x37a: {  	v3 =	vld [tilespmem:$0x10];
	_ =	sdelay $0x4  }
0x37b: {  	v9 =	vshll.u32 v3, $0x1  }
0x37c: {  	v3 =	vand.u32 $0x7, v3;
	v4 =	vand.u32 $0xFFFFFFF0, v9  }
0x37d: {  	v3 =	vor.u32 v3, v4  }
0x37e: {  	v4 =	vperm.xlane v3, v0;
	_ =	sdelay $0x1  }
0x37f: {  	v3 =	vperm.xlane v3, v2;
	v4 =	vadd.s32 v1, v4;
	_ =	sdelay $0x1  }
0x380: {  	v3 =	vadd.s32 v1, v3;
	_ =	sdelay $0x2  }
0x381: {  	[tilespmem:s15], [sflag:$0x1] =	stream.indirect_vreg.gather [hbm4b:s2+s3], $0x80, v4, vm0, $0xb8;
	[tilespmem:$0x8080] =	vst v63  }
0x382: {  	_ = 	snop  }
0x383: {  	[tilespmem:s16], [sflag:$0x1] =	stream.indirect_vreg.gather [hbm4b:s2+s3], $0x80, v3, vm0, $0xb8;
	[tilespmem:$0x8080] =	vst v63  }
0x384: {  	v3 =	vld [tilespmem:$0x20];
	_ =	sdelay $0x4  }
0x385: {  	v10 =	vshll.u32 v3, $0x1  }
0x386: {  	v3 =	vand.u32 $0x7, v3;
	v4 =	vand.u32 $0xFFFFFFF0, v10  }
0x387: {  	v3 =	vor.u32 v3, v4  }
0x388: {  	v4 =	vperm.xlane v3, v0;
	_ =	sdelay $0x1  }
0x389: {  	v3 =	vperm.xlane v3, v2;
	v4 =	vadd.s32 v1, v4;
	_ =	sdelay $0x1  }
0x38a: {  	v3 =	vadd.s32 v1, v3;
	_ =	sdelay $0x2  }
0x38b: {  	[tilespmem:s17], [sflag:$0x1] =	stream.indirect_vreg.gather [hbm4b:s2+s3], $0x80, v4, vm0, $0xb8;
	[tilespmem:$0x8080] =	vst v63  }
0x38c: {  	_ = 	snop  }
0x38d: {  	[tilespmem:s18], [sflag:$0x1] =	stream.indirect_vreg.gather [hbm4b:s2+s3], $0x80, v3, vm0, $0xb8;
	[tilespmem:$0x8080] =	vst v63  }
0x38e: {  	v3 =	vld [tilespmem:$0x30];
	_ =	sdelay $0x4  }
0x38f: {  	v11 =	vshll.u32 v3, $0x1  }
0x390: {  	v3 =	vand.u32 $0x7, v3;
	v4 =	vand.u32 $0xFFFFFFF0, v11  }
0x391: {  	v3 =	vor.u32 v3, v4  }
0x392: {  	v4 =	vperm.xlane v3, v0;
	_ =	sdelay $0x1  }
0x393: {  	v3 =	vperm.xlane v3, v2;
	v4 =	vadd.s32 v1, v4;
	_ =	sdelay $0x1  }
0x394: {  	v3 =	vadd.s32 v1, v3;
	_ =	sdelay $0x2  }
0x395: {  	[tilespmem:s19], [sflag:$0x1] =	stream.indirect_vreg.gather [hbm4b:s2+s3], $0x80, v4, vm0, $0xb8;
	[tilespmem:$0x8080] =	vst v63  }
0x396: {  	_ = 	snop  }
0x397: {  	[tilespmem:s20], [sflag:$0x1] =	stream.indirect_vreg.gather [hbm4b:s2+s3], $0x80, v3, vm0, $0xb8;
	[tilespmem:$0x8080] =	vst v63  }
0x398: {  	v3 =	vld [tilespmem:$0x40];
	_ =	sdelay $0x4  }
0x399: {  	v12 =	vshll.u32 v3, $0x1  }
0x39a: {  	v3 =	vand.u32 $0x7, v3;
	v4 =	vand.u32 $0xFFFFFFF0, v12  }
0x39b: {  	v3 =	vor.u32 v3, v4  }
0x39c: {  	v4 =	vperm.xlane v3, v0;
	_ =	sdelay $0x1  }
0x39d: {  	v3 =	vperm.xlane v3, v2;
	v4 =	vadd.s32 v1, v4;
	_ =	sdelay $0x1  }
0x39e: {  	v3 =	vadd.s32 v1, v3;
	_ =	sdelay $0x2  }
0x39f: {  	[tilespmem:s21], [sflag:$0x1] =	stream.indirect_vreg.gather [hbm4b:s2+s3], $0x80, v4, vm0, $0xb8;
	[tilespmem:$0x8080] =	vst v63  }
0x3a0: {  	_ = 	snop  }
0x3a1: {  	[tilespmem:s22], [sflag:$0x1] =	stream.indirect_vreg.gather [hbm4b:s2+s3], $0x80, v3, vm0, $0xb8;
	[tilespmem:$0x8080] =	vst v63  }
0x3a2: {  	v3 =	vld [tilespmem:$0x50];
	_ =	sdelay $0x4  }
0x3a3: {  	v13 =	vshll.u32 v3, $0x1  }
0x3a4: {  	v3 =	vand.u32 $0x7, v3;
	v4 =	vand.u32 $0xFFFFFFF0, v13  }
0x3a5: {  	v3 =	vor.u32 v3, v4  }
0x3a6: {  	v4 =	vperm.xlane v3, v0;
	_ =	sdelay $0x1  }
0x3a7: {  	v3 =	vperm.xlane v3, v2;
	v4 =	vadd.s32 v1, v4;
	_ =	sdelay $0x1  }
0x3a8: {  	v3 =	vadd.s32 v1, v3;
	_ =	sdelay $0x2  }
0x3a9: {  	[tilespmem:s23], [sflag:$0x1] =	stream.indirect_vreg.gather [hbm4b:s2+s3], $0x80, v4, vm0, $0xb8;
	[tilespmem:$0x8080] =	vst v63  }
0x3aa: {  	_ = 	snop  }
0x3ab: {  	[tilespmem:s24], [sflag:$0x1] =	stream.indirect_vreg.gather [hbm4b:s2+s3], $0x80, v3, vm0, $0xb8;
	[tilespmem:$0x8080] =	vst v63  }
0x3ac: {  	v3 =	vld [tilespmem:$0x60];
	_ =	sdelay $0x4  }
0x3ad: {  	v14 =	vshll.u32 v3, $0x1  }
0x3ae: {  	v3 =	vand.u32 $0x7, v3;
	v4 =	vand.u32 $0xFFFFFFF0, v14  }
0x3af: {  	v3 =	vor.u32 v3, v4  }
0x3b0: {  	v4 =	vperm.xlane v3, v0;
	_ =	sdelay $0x1  }
0x3b1: {  	v3 =	vperm.xlane v3, v2;
	v4 =	vadd.s32 v1, v4;
	_ =	sdelay $0x1  }
0x3b2: {  	v3 =	vadd.s32 v1, v3;
	_ =	sdelay $0x2  }
0x3b3: {  	[tilespmem:s25], [sflag:$0x1] =	stream.indirect_vreg.gather [hbm4b:s2+s3], $0x80, v4, vm0, $0xb8;
	[tilespmem:$0x8080] =	vst v63  }
0x3b4: {  	_ = 	snop  }
0x3b5: {  	[tilespmem:s26], [sflag:$0x1] =	stream.indirect_vreg.gather [hbm4b:s2+s3], $0x80, v3, vm0, $0xb8;
	[tilespmem:$0x8080] =	vst v63  }
0x3b6: {  	v3 =	vld [tilespmem:$0x70];
	_ =	sdelay $0x4  }
0x3b7: {  	v15 =	vshll.u32 v3, $0x1  }
0x3b8: {  	v3 =	vand.u32 $0x7, v3;
	v4 =	vand.u32 $0xFFFFFFF0, v15  }
0x3b9: {  	v3 =	vor.u32 v3, v4  }
0x3ba: {  	v4 =	vperm.xlane v3, v0;
	_ =	sdelay $0x1  }
0x3bb: {  	v3 =	vperm.xlane v3, v2;
	v4 =	vadd.s32 v1, v4;
	_ =	sdelay $0x1  }
0x3bc: {  	v3 =	vadd.s32 v1, v3;
	_ =	sdelay $0x2  }
0x3bd: {  	[tilespmem:s28], [sflag:$0x1] =	stream.indirect_vreg.gather [hbm4b:s2+s3], $0x80, v4, vm0, $0xb8;
	[tilespmem:$0x8080] =	vst v63  }
0x3be: {  	_ = 	snop  }
0x3bf: {  	[tilespmem:s29], [sflag:$0x1] =	stream.indirect_vreg.gather [hbm4b:s2+s3], $0x80, v3, vm0, $0xb8;
	[tilespmem:$0x8080] =	vst v63  }
0x3c0: {  	_ =	swait.ge [sflag:s30], $0x8000  }
0x3c1: {  	[sflag:s30] =	ssyncset.done $0x0  }
0x3c2: {  	s0 =	rddreg [dreg:$0x17];
	[sflag:s30] =	ssyncadd.s32 $0xFFFF8000  }
0x3c3: {  	[hbm4b:s0+s31] =	stream.strided.scatter [tilespmem:s13], [sflag:$0x2], $0x8000, s1, s31, $0x38;
	[tilespmem:$0x8080] =	vst v63  }
0x3c4: {  	_ =	swait.ge [sflag:s12], $0x8000  }
0x3c5: {  	[sflag:s12] =	ssyncset.done $0x0  }
0x3c6: {  	s0 =	rddreg [dreg:$0x18];
	[sflag:s12] =	ssyncadd.s32 $0xFFFF8000  }
0x3c7: {  	[tilespmem:s3], [sflag:$0x2] =	stream.linear.gather [hbm4b:s0+s3], $0x80, $0x38;
	[tilespmem:$0x8080] =	vst v63  }
0x3c8: {  	_ =	swait.ge [sflag:s12], $0x80  }
0x3c9: {  	[sflag:s12] =	ssyncset.done $0x0  }
0x3ca: {  	[sflag:s12] =	ssyncadd.s32 $0xFFFFFF80  }
0x3cb: {  	v3 =	vld [tilespmem:$0x0];
	_ =	sdelay $0x4  }
0x3cc: {  	v16 =	vshll.u32 v3, $0x1  }
0x3cd: {  	v3 =	vand.u32 $0x7, v3;
	v4 =	vand.u32 $0xFFFFFFF0, v16  }
0x3ce: {  	v3 =	vor.u32 v3, v4  }
0x3cf: {  	v4 =	vperm.xlane v3, v0;
	_ =	sdelay $0x1  }
0x3d0: {  	v3 =	vperm.xlane v3, v2;
	v4 =	vadd.s32 v1, v4;
	_ =	sdelay $0x1  }
0x3d1: {  	v3 =	vadd.s32 v1, v3;
	_ =	sdelay $0x2  }
0x3d2: {  	[tilespmem:s13], [sflag:$0x1] =	stream.indirect_vreg.gather [hbm4b:s2+s3], $0x80, v4, vm0, $0xb8;
	[tilespmem:$0x8080] =	vst v63  }
0x3d3: {  	_ = 	snop  }
0x3d4: {  	[tilespmem:s14], [sflag:$0x1] =	stream.indirect_vreg.gather [hbm4b:s2+s3], $0x80, v3, vm0, $0xb8;
	[tilespmem:$0x8080] =	vst v63  }
0x3d5: {  	v3 =	vld [tilespmem:$0x10];
	_ =	sdelay $0x4  }
0x3d6: {  	v17 =	vshll.u32 v3, $0x1  }
0x3d7: {  	v3 =	vand.u32 $0x7, v3;
	v4 =	vand.u32 $0xFFFFFFF0, v17  }
0x3d8: {  	v3 =	vor.u32 v3, v4  }
0x3d9: {  	v4 =	vperm.xlane v3, v0;
	_ =	sdelay $0x1  }
0x3da: {  	v3 =	vperm.xlane v3, v2;
	v4 =	vadd.s32 v1, v4;
	_ =	sdelay $0x1  }
0x3db: {  	v3 =	vadd.s32 v1, v3;
	_ =	sdelay $0x2  }
0x3dc: {  	[tilespmem:s15], [sflag:$0x1] =	stream.indirect_vreg.gather [hbm4b:s2+s3], $0x80, v4, vm0, $0xb8;
	[tilespmem:$0x8080] =	vst v63  }
0x3dd: {  	_ = 	snop  }
0x3de: {  	[tilespmem:s16], [sflag:$0x1] =	stream.indirect_vreg.gather [hbm4b:s2+s3], $0x80, v3, vm0, $0xb8;
	[tilespmem:$0x8080] =	vst v63  }
0x3df: {  	v3 =	vld [tilespmem:$0x20];
	_ =	sdelay $0x4  }
0x3e0: {  	v18 =	vshll.u32 v3, $0x1  }
0x3e1: {  	v3 =	vand.u32 $0x7, v3;
	v4 =	vand.u32 $0xFFFFFFF0, v18  }
0x3e2: {  	v3 =	vor.u32 v3, v4  }
0x3e3: {  	v4 =	vperm.xlane v3, v0;
	_ =	sdelay $0x1  }
0x3e4: {  	v3 =	vperm.xlane v3, v2;
	v4 =	vadd.s32 v1, v4;
	_ =	sdelay $0x1  }
0x3e5: {  	v3 =	vadd.s32 v1, v3;
	_ =	sdelay $0x2  }
0x3e6: {  	[tilespmem:s17], [sflag:$0x1] =	stream.indirect_vreg.gather [hbm4b:s2+s3], $0x80, v4, vm0, $0xb8;
	[tilespmem:$0x8080] =	vst v63  }
0x3e7: {  	_ = 	snop  }
0x3e8: {  	[tilespmem:s18], [sflag:$0x1] =	stream.indirect_vreg.gather [hbm4b:s2+s3], $0x80, v3, vm0, $0xb8;
	[tilespmem:$0x8080] =	vst v63  }
0x3e9: {  	v3 =	vld [tilespmem:$0x30];
	_ =	sdelay $0x4  }
0x3ea: {  	v19 =	vshll.u32 v3, $0x1  }
0x3eb: {  	v3 =	vand.u32 $0x7, v3;
	v4 =	vand.u32 $0xFFFFFFF0, v19  }
0x3ec: {  	v3 =	vor.u32 v3, v4  }
0x3ed: {  	v4 =	vperm.xlane v3, v0;
	_ =	sdelay $0x1  }
0x3ee: {  	v3 =	vperm.xlane v3, v2;
	v4 =	vadd.s32 v1, v4;
	_ =	sdelay $0x1  }
0x3ef: {  	v3 =	vadd.s32 v1, v3;
	_ =	sdelay $0x2  }
0x3f0: {  	[tilespmem:s19], [sflag:$0x1] =	stream.indirect_vreg.gather [hbm4b:s2+s3], $0x80, v4, vm0, $0xb8;
	[tilespmem:$0x8080] =	vst v63  }
0x3f1: {  	_ = 	snop  }
0x3f2: {  	[tilespmem:s20], [sflag:$0x1] =	stream.indirect_vreg.gather [hbm4b:s2+s3], $0x80, v3, vm0, $0xb8;
	[tilespmem:$0x8080] =	vst v63  }
0x3f3: {  	v3 =	vld [tilespmem:$0x40];
	_ =	sdelay $0x4  }
0x3f4: {  	v20 =	vshll.u32 v3, $0x1  }
0x3f5: {  	v3 =	vand.u32 $0x7, v3;
	v4 =	vand.u32 $0xFFFFFFF0, v20  }
0x3f6: {  	v3 =	vor.u32 v3, v4  }
0x3f7: {  	v4 =	vperm.xlane v3, v0;
	_ =	sdelay $0x1  }
0x3f8: {  	v3 =	vperm.xlane v3, v2;
	v4 =	vadd.s32 v1, v4;
	_ =	sdelay $0x1  }
0x3f9: {  	v3 =	vadd.s32 v1, v3;
	_ =	sdelay $0x2  }
0x3fa: {  	[tilespmem:s21], [sflag:$0x1] =	stream.indirect_vreg.gather [hbm4b:s2+s3], $0x80, v4, vm0, $0xb8;
	[tilespmem:$0x8080] =	vst v63  }
0x3fb: {  	_ = 	snop  }
0x3fc: {  	[tilespmem:s22], [sflag:$0x1] =	stream.indirect_vreg.gather [hbm4b:s2+s3], $0x80, v3, vm0, $0xb8;
	[tilespmem:$0x8080] =	vst v63  }
0x3fd: {  	v3 =	vld [tilespmem:$0x50];
	_ =	sdelay $0x4  }
0x3fe: {  	v21 =	vshll.u32 v3, $0x1  }
0x3ff: {  	v3 =	vand.u32 $0x7, v3;
	v4 =	vand.u32 $0xFFFFFFF0, v21  }
0x400: {  	v3 =	vor.u32 v3, v4  }
0x401: {  	v4 =	vperm.xlane v3, v0;
	_ =	sdelay $0x1  }
0x402: {  	v3 =	vperm.xlane v3, v2;
	v4 =	vadd.s32 v1, v4;
	_ =	sdelay $0x1  }
0x403: {  	v3 =	vadd.s32 v1, v3;
	_ =	sdelay $0x2  }
0x404: {  	[tilespmem:s23], [sflag:$0x1] =	stream.indirect_vreg.gather [hbm4b:s2+s3], $0x80, v4, vm0, $0xb8;
	[tilespmem:$0x8080] =	vst v63  }
0x405: {  	_ = 	snop  }
0x406: {  	[tilespmem:s24], [sflag:$0x1] =	stream.indirect_vreg.gather [hbm4b:s2+s3], $0x80, v3, vm0, $0xb8;
	[tilespmem:$0x8080] =	vst v63  }
0x407: {  	v3 =	vld [tilespmem:$0x60];
	_ =	sdelay $0x4  }
0x408: {  	v22 =	vshll.u32 v3, $0x1  }
0x409: {  	v3 =	vand.u32 $0x7, v3;
	v4 =	vand.u32 $0xFFFFFFF0, v22  }
0x40a: {  	v3 =	vor.u32 v3, v4  }
0x40b: {  	v4 =	vperm.xlane v3, v0;
	_ =	sdelay $0x1  }
0x40c: {  	v3 =	vperm.xlane v3, v2;
	v4 =	vadd.s32 v1, v4;
	_ =	sdelay $0x1  }
0x40d: {  	v3 =	vadd.s32 v1, v3;
	_ =	sdelay $0x2  }
0x40e: {  	[tilespmem:s25], [sflag:$0x1] =	stream.indirect_vreg.gather [hbm4b:s2+s3], $0x80, v4, vm0, $0xb8;
	[tilespmem:$0x8080] =	vst v63  }
0x40f: {  	_ = 	snop  }
0x410: {  	[tilespmem:s26], [sflag:$0x1] =	stream.indirect_vreg.gather [hbm4b:s2+s3], $0x80, v3, vm0, $0xb8;
	[tilespmem:$0x8080] =	vst v63  }
0x411: {  	v3 =	vld [tilespmem:$0x70];
	_ =	sdelay $0x4  }
0x412: {  	v23 =	vshll.u32 v3, $0x1  }
0x413: {  	v3 =	vand.u32 $0x7, v3;
	v4 =	vand.u32 $0xFFFFFFF0, v23  }
0x414: {  	v3 =	vor.u32 v3, v4  }
0x415: {  	v4 =	vperm.xlane v3, v0;
	_ =	sdelay $0x1  }
0x416: {  	v3 =	vperm.xlane v3, v2;
	v4 =	vadd.s32 v1, v4;
	_ =	sdelay $0x1  }
0x417: {  	v3 =	vadd.s32 v1, v3;
	_ =	sdelay $0x2  }
0x418: {  	[tilespmem:s28], [sflag:$0x1] =	stream.indirect_vreg.gather [hbm4b:s2+s3], $0x80, v4, vm0, $0xb8;
	[tilespmem:$0x8080] =	vst v63  }
0x419: {  	_ = 	snop  }
0x41a: {  	[tilespmem:s29], [sflag:$0x1] =	stream.indirect_vreg.gather [hbm4b:s2+s3], $0x80, v3, vm0, $0xb8;
	[tilespmem:$0x8080] =	vst v63  }
0x41b: {  	_ =	swait.ge [sflag:s30], $0x8000  }
0x41c: {  	[sflag:s30] =	ssyncset.done $0x0  }
0x41d: {  	s0 =	rddreg [dreg:$0x19];
	[sflag:s30] =	ssyncadd.s32 $0xFFFF8000  }
0x41e: {  	[hbm4b:s0+s31] =	stream.strided.scatter [tilespmem:s13], [sflag:$0x2], $0x8000, s1, s31, $0x38;
	[tilespmem:$0x8080] =	vst v63  }
0x41f: {  	_ =	swait.ge [sflag:s12], $0x8000  }
0x420: {  	[sflag:s12] =	ssyncset.done $0x0  }
0x421: {  	s0 =	rddreg [dreg:$0x1a];
	[sflag:s12] =	ssyncadd.s32 $0xFFFF8000  }
0x422: {  	[tilespmem:s3], [sflag:$0x2] =	stream.linear.gather [hbm4b:s0+s3], $0x80, $0x38;
	[tilespmem:$0x8080] =	vst v63  }
0x423: {  	_ =	swait.ge [sflag:s12], $0x80  }
0x424: {  	[sflag:s12] =	ssyncset.done $0x0  }
0x425: {  	[sflag:s12] =	ssyncadd.s32 $0xFFFFFF80  }
0x426: {  	v3 =	vld [tilespmem:$0x0];
	_ =	sdelay $0x4  }
0x427: {  	v24 =	vshll.u32 v3, $0x1  }
0x428: {  	v3 =	vand.u32 $0x7, v3;
	v4 =	vand.u32 $0xFFFFFFF0, v24  }
0x429: {  	v3 =	vor.u32 v3, v4  }
0x42a: {  	v4 =	vperm.xlane v3, v0;
	_ =	sdelay $0x1  }
0x42b: {  	v3 =	vperm.xlane v3, v2;
	v4 =	vadd.s32 v1, v4;
	_ =	sdelay $0x1  }
0x42c: {  	v3 =	vadd.s32 v1, v3;
	_ =	sdelay $0x2  }
0x42d: {  	[tilespmem:s13], [sflag:$0x1] =	stream.indirect_vreg.gather [hbm4b:s2+s3], $0x80, v4, vm0, $0xb8;
	[tilespmem:$0x8080] =	vst v63  }
0x42e: {  	_ = 	snop  }
0x42f: {  	[tilespmem:s14], [sflag:$0x1] =	stream.indirect_vreg.gather [hbm4b:s2+s3], $0x80, v3, vm0, $0xb8;
	[tilespmem:$0x8080] =	vst v63  }
0x430: {  	v3 =	vld [tilespmem:$0x10];
	_ =	sdelay $0x4  }
0x431: {  	v25 =	vshll.u32 v3, $0x1  }
0x432: {  	v3 =	vand.u32 $0x7, v3;
	v4 =	vand.u32 $0xFFFFFFF0, v25  }
0x433: {  	v3 =	vor.u32 v3, v4  }
0x434: {  	v4 =	vperm.xlane v3, v0;
	_ =	sdelay $0x1  }
0x435: {  	v3 =	vperm.xlane v3, v2;
	v4 =	vadd.s32 v1, v4;
	_ =	sdelay $0x1  }
0x436: {  	v3 =	vadd.s32 v1, v3;
	_ =	sdelay $0x2  }
0x437: {  	[tilespmem:s15], [sflag:$0x1] =	stream.indirect_vreg.gather [hbm4b:s2+s3], $0x80, v4, vm0, $0xb8;
	[tilespmem:$0x8080] =	vst v63  }
0x438: {  	_ = 	snop  }
0x439: {  	[tilespmem:s16], [sflag:$0x1] =	stream.indirect_vreg.gather [hbm4b:s2+s3], $0x80, v3, vm0, $0xb8;
	[tilespmem:$0x8080] =	vst v63  }
0x43a: {  	v3 =	vld [tilespmem:$0x20];
	_ =	sdelay $0x4  }
0x43b: {  	v26 =	vshll.u32 v3, $0x1  }
0x43c: {  	v3 =	vand.u32 $0x7, v3;
	v4 =	vand.u32 $0xFFFFFFF0, v26  }
0x43d: {  	v3 =	vor.u32 v3, v4  }
0x43e: {  	v4 =	vperm.xlane v3, v0;
	_ =	sdelay $0x1  }
0x43f: {  	v3 =	vperm.xlane v3, v2;
	v4 =	vadd.s32 v1, v4;
	_ =	sdelay $0x1  }
0x440: {  	v3 =	vadd.s32 v1, v3;
	_ =	sdelay $0x2  }
0x441: {  	[tilespmem:s17], [sflag:$0x1] =	stream.indirect_vreg.gather [hbm4b:s2+s3], $0x80, v4, vm0, $0xb8;
	[tilespmem:$0x8080] =	vst v63  }
0x442: {  	_ = 	snop  }
0x443: {  	[tilespmem:s18], [sflag:$0x1] =	stream.indirect_vreg.gather [hbm4b:s2+s3], $0x80, v3, vm0, $0xb8;
	[tilespmem:$0x8080] =	vst v63  }
0x444: {  	v3 =	vld [tilespmem:$0x30];
	_ =	sdelay $0x4  }
0x445: {  	v27 =	vshll.u32 v3, $0x1  }
0x446: {  	v3 =	vand.u32 $0x7, v3;
	v4 =	vand.u32 $0xFFFFFFF0, v27  }
0x447: {  	v3 =	vor.u32 v3, v4  }
0x448: {  	v4 =	vperm.xlane v3, v0;
	_ =	sdelay $0x1  }
0x449: {  	v3 =	vperm.xlane v3, v2;
	v4 =	vadd.s32 v1, v4;
	_ =	sdelay $0x1  }
0x44a: {  	v3 =	vadd.s32 v1, v3;
	_ =	sdelay $0x2  }
0x44b: {  	[tilespmem:s19], [sflag:$0x1] =	stream.indirect_vreg.gather [hbm4b:s2+s3], $0x80, v4, vm0, $0xb8;
	[tilespmem:$0x8080] =	vst v63  }
0x44c: {  	_ = 	snop  }
0x44d: {  	[tilespmem:s20], [sflag:$0x1] =	stream.indirect_vreg.gather [hbm4b:s2+s3], $0x80, v3, vm0, $0xb8;
	[tilespmem:$0x8080] =	vst v63  }
0x44e: {  	v3 =	vld [tilespmem:$0x40];
	_ =	sdelay $0x4  }
0x44f: {  	v28 =	vshll.u32 v3, $0x1  }
0x450: {  	v3 =	vand.u32 $0x7, v3;
	v4 =	vand.u32 $0xFFFFFFF0, v28  }
0x451: {  	v3 =	vor.u32 v3, v4  }
0x452: {  	v4 =	vperm.xlane v3, v0;
	_ =	sdelay $0x1  }
0x453: {  	v3 =	vperm.xlane v3, v2;
	v4 =	vadd.s32 v1, v4;
	_ =	sdelay $0x1  }
0x454: {  	v3 =	vadd.s32 v1, v3;
	_ =	sdelay $0x2  }
0x455: {  	[tilespmem:s21], [sflag:$0x1] =	stream.indirect_vreg.gather [hbm4b:s2+s3], $0x80, v4, vm0, $0xb8;
	[tilespmem:$0x8080] =	vst v63  }
0x456: {  	_ = 	snop  }
0x457: {  	[tilespmem:s22], [sflag:$0x1] =	stream.indirect_vreg.gather [hbm4b:s2+s3], $0x80, v3, vm0, $0xb8;
	[tilespmem:$0x8080] =	vst v63  }
0x458: {  	v3 =	vld [tilespmem:$0x50];
	_ =	sdelay $0x4  }
0x459: {  	v29 =	vshll.u32 v3, $0x1  }
0x45a: {  	v3 =	vand.u32 $0x7, v3;
	v4 =	vand.u32 $0xFFFFFFF0, v29  }
0x45b: {  	v3 =	vor.u32 v3, v4  }
0x45c: {  	v4 =	vperm.xlane v3, v0;
	_ =	sdelay $0x1  }
0x45d: {  	v3 =	vperm.xlane v3, v2;
	v4 =	vadd.s32 v1, v4;
	_ =	sdelay $0x1  }
0x45e: {  	v3 =	vadd.s32 v1, v3;
	_ =	sdelay $0x2  }
0x45f: {  	[tilespmem:s23], [sflag:$0x1] =	stream.indirect_vreg.gather [hbm4b:s2+s3], $0x80, v4, vm0, $0xb8;
	[tilespmem:$0x8080] =	vst v63  }
0x460: {  	_ = 	snop  }
0x461: {  	[tilespmem:s24], [sflag:$0x1] =	stream.indirect_vreg.gather [hbm4b:s2+s3], $0x80, v3, vm0, $0xb8;
	[tilespmem:$0x8080] =	vst v63  }
0x462: {  	v3 =	vld [tilespmem:$0x60];
	_ =	sdelay $0x4  }
0x463: {  	v30 =	vshll.u32 v3, $0x1  }
0x464: {  	v3 =	vand.u32 $0x7, v3;
	v4 =	vand.u32 $0xFFFFFFF0, v30  }
0x465: {  	v3 =	vor.u32 v3, v4  }
0x466: {  	v4 =	vperm.xlane v3, v0;
	_ =	sdelay $0x1  }
0x467: {  	v3 =	vperm.xlane v3, v2;
	v4 =	vadd.s32 v1, v4;
	_ =	sdelay $0x1  }
0x468: {  	v3 =	vadd.s32 v1, v3;
	_ =	sdelay $0x2  }
0x469: {  	[tilespmem:s25], [sflag:$0x1] =	stream.indirect_vreg.gather [hbm4b:s2+s3], $0x80, v4, vm0, $0xb8;
	[tilespmem:$0x8080] =	vst v63  }
0x46a: {  	_ = 	snop  }
0x46b: {  	[tilespmem:s26], [sflag:$0x1] =	stream.indirect_vreg.gather [hbm4b:s2+s3], $0x80, v3, vm0, $0xb8;
	[tilespmem:$0x8080] =	vst v63  }
0x46c: {  	v3 =	vld [tilespmem:$0x70];
	_ =	sdelay $0x4  }
0x46d: {  	v31 =	vshll.u32 v3, $0x1  }
0x46e: {  	v3 =	vand.u32 $0x7, v3;
	v4 =	vand.u32 $0xFFFFFFF0, v31  }
0x46f: {  	v3 =	vor.u32 v3, v4  }
0x470: {  	v4 =	vperm.xlane v3, v0;
	_ =	sdelay $0x1  }
0x471: {  	v3 =	vperm.xlane v3, v2;
	v4 =	vadd.s32 v1, v4;
	_ =	sdelay $0x1  }
0x472: {  	v3 =	vadd.s32 v1, v3;
	_ =	sdelay $0x2  }
0x473: {  	[tilespmem:s28], [sflag:$0x1] =	stream.indirect_vreg.gather [hbm4b:s2+s3], $0x80, v4, vm0, $0xb8;
	[tilespmem:$0x8080] =	vst v63  }
0x474: {  	_ = 	snop  }
0x475: {  	[tilespmem:s29], [sflag:$0x1] =	stream.indirect_vreg.gather [hbm4b:s2+s3], $0x80, v3, vm0, $0xb8;
	[tilespmem:$0x8080] =	vst v63  }
0x476: {  	_ =	swait.ge [sflag:s30], $0x8000  }
0x477: {  	[sflag:s30] =	ssyncset.done $0x0  }
0x478: {  	s0 =	rddreg [dreg:$0x1b];
	[sflag:s30] =	ssyncadd.s32 $0xFFFF8000  }
0x479: {  	[hbm4b:s0+s31] =	stream.strided.scatter [tilespmem:s13], [sflag:$0x2], $0x8000, s1, s31, $0x38;
	[tilespmem:$0x8080] =	vst v63  }
0x47a: {  	_ =	swait.ge [sflag:s12], $0x8000  }
0x47b: {  	[sflag:s12] =	ssyncset.done $0x0  }
0x47c: {  	s0 =	rddreg [dreg:$0x1c];
	[sflag:s12] =	ssyncadd.s32 $0xFFFF8000  }
0x47d: {  	[tilespmem:s3], [sflag:$0x2] =	stream.linear.gather [hbm4b:s0+s3], $0x80, $0x38;
	[tilespmem:$0x8080] =	vst v63  }
0x47e: {  	_ =	swait.ge [sflag:s12], $0x80  }
0x47f: {  	[sflag:s12] =	ssyncset.done $0x0  }
0x480: {  	[sflag:s12] =	ssyncadd.s32 $0xFFFFFF80  }
0x481: {  	v3 =	vld [tilespmem:$0x0];
	_ =	sdelay $0x4  }
0x482: {  	v32 =	vshll.u32 v3, $0x1  }
0x483: {  	v3 =	vand.u32 $0x7, v3;
	v4 =	vand.u32 $0xFFFFFFF0, v32  }
0x484: {  	v3 =	vor.u32 v3, v4  }
0x485: {  	v4 =	vperm.xlane v3, v0;
	_ =	sdelay $0x1  }
0x486: {  	v3 =	vperm.xlane v3, v2;
	v4 =	vadd.s32 v1, v4;
	_ =	sdelay $0x1  }
0x487: {  	v3 =	vadd.s32 v1, v3;
	_ =	sdelay $0x2  }
0x488: {  	[tilespmem:s13], [sflag:$0x1] =	stream.indirect_vreg.gather [hbm4b:s2+s3], $0x80, v4, vm0, $0xb8;
	[tilespmem:$0x8080] =	vst v63  }
0x489: {  	_ = 	snop  }
0x48a: {  	[tilespmem:s14], [sflag:$0x1] =	stream.indirect_vreg.gather [hbm4b:s2+s3], $0x80, v3, vm0, $0xb8;
	[tilespmem:$0x8080] =	vst v63  }
0x48b: {  	v3 =	vld [tilespmem:$0x10];
	_ =	sdelay $0x4  }
0x48c: {  	v33 =	vshll.u32 v3, $0x1  }
0x48d: {  	v3 =	vand.u32 $0x7, v3;
	v4 =	vand.u32 $0xFFFFFFF0, v33  }
0x48e: {  	v3 =	vor.u32 v3, v4  }
0x48f: {  	v4 =	vperm.xlane v3, v0;
	_ =	sdelay $0x1  }
0x490: {  	v3 =	vperm.xlane v3, v2;
	v4 =	vadd.s32 v1, v4;
	_ =	sdelay $0x1  }
0x491: {  	v3 =	vadd.s32 v1, v3;
	_ =	sdelay $0x2  }
0x492: {  	[tilespmem:s15], [sflag:$0x1] =	stream.indirect_vreg.gather [hbm4b:s2+s3], $0x80, v4, vm0, $0xb8;
	[tilespmem:$0x8080] =	vst v63  }
0x493: {  	_ = 	snop  }
0x494: {  	[tilespmem:s16], [sflag:$0x1] =	stream.indirect_vreg.gather [hbm4b:s2+s3], $0x80, v3, vm0, $0xb8;
	[tilespmem:$0x8080] =	vst v63  }
0x495: {  	v3 =	vld [tilespmem:$0x20];
	_ =	sdelay $0x4  }
0x496: {  	v34 =	vshll.u32 v3, $0x1  }
0x497: {  	v3 =	vand.u32 $0x7, v3;
	v4 =	vand.u32 $0xFFFFFFF0, v34  }
0x498: {  	v3 =	vor.u32 v3, v4  }
0x499: {  	v4 =	vperm.xlane v3, v0;
	_ =	sdelay $0x1  }
0x49a: {  	v3 =	vperm.xlane v3, v2;
	v4 =	vadd.s32 v1, v4;
	_ =	sdelay $0x1  }
0x49b: {  	v3 =	vadd.s32 v1, v3;
	_ =	sdelay $0x2  }
0x49c: {  	[tilespmem:s17], [sflag:$0x1] =	stream.indirect_vreg.gather [hbm4b:s2+s3], $0x80, v4, vm0, $0xb8;
	[tilespmem:$0x8080] =	vst v63  }
0x49d: {  	_ = 	snop  }
0x49e: {  	[tilespmem:s18], [sflag:$0x1] =	stream.indirect_vreg.gather [hbm4b:s2+s3], $0x80, v3, vm0, $0xb8;
	[tilespmem:$0x8080] =	vst v63  }
0x49f: {  	v3 =	vld [tilespmem:$0x30];
	_ =	sdelay $0x4  }
0x4a0: {  	v35 =	vshll.u32 v3, $0x1  }
0x4a1: {  	v3 =	vand.u32 $0x7, v3;
	v4 =	vand.u32 $0xFFFFFFF0, v35  }
0x4a2: {  	v3 =	vor.u32 v3, v4  }
0x4a3: {  	v4 =	vperm.xlane v3, v0;
	_ =	sdelay $0x1  }
0x4a4: {  	v3 =	vperm.xlane v3, v2;
	v4 =	vadd.s32 v1, v4;
	_ =	sdelay $0x1  }
0x4a5: {  	v3 =	vadd.s32 v1, v3;
	_ =	sdelay $0x2  }
0x4a6: {  	[tilespmem:s19], [sflag:$0x1] =	stream.indirect_vreg.gather [hbm4b:s2+s3], $0x80, v4, vm0, $0xb8;
	[tilespmem:$0x8080] =	vst v63  }
0x4a7: {  	_ = 	snop  }
0x4a8: {  	[tilespmem:s20], [sflag:$0x1] =	stream.indirect_vreg.gather [hbm4b:s2+s3], $0x80, v3, vm0, $0xb8;
	[tilespmem:$0x8080] =	vst v63  }
0x4a9: {  	v3 =	vld [tilespmem:$0x40];
	_ =	sdelay $0x4  }
0x4aa: {  	v36 =	vshll.u32 v3, $0x1  }
0x4ab: {  	v3 =	vand.u32 $0x7, v3;
	v4 =	vand.u32 $0xFFFFFFF0, v36  }
0x4ac: {  	v3 =	vor.u32 v3, v4  }
0x4ad: {  	v4 =	vperm.xlane v3, v0;
	_ =	sdelay $0x1  }
0x4ae: {  	v3 =	vperm.xlane v3, v2;
	v4 =	vadd.s32 v1, v4;
	_ =	sdelay $0x1  }
0x4af: {  	v3 =	vadd.s32 v1, v3;
	_ =	sdelay $0x2  }
0x4b0: {  	[tilespmem:s21], [sflag:$0x1] =	stream.indirect_vreg.gather [hbm4b:s2+s3], $0x80, v4, vm0, $0xb8;
	[tilespmem:$0x8080] =	vst v63  }
0x4b1: {  	_ = 	snop  }
0x4b2: {  	[tilespmem:s22], [sflag:$0x1] =	stream.indirect_vreg.gather [hbm4b:s2+s3], $0x80, v3, vm0, $0xb8;
	[tilespmem:$0x8080] =	vst v63  }
0x4b3: {  	v3 =	vld [tilespmem:$0x50];
	_ =	sdelay $0x4  }
0x4b4: {  	v37 =	vshll.u32 v3, $0x1  }
0x4b5: {  	v3 =	vand.u32 $0x7, v3;
	v4 =	vand.u32 $0xFFFFFFF0, v37  }
0x4b6: {  	v3 =	vor.u32 v3, v4  }
0x4b7: {  	v4 =	vperm.xlane v3, v0;
	_ =	sdelay $0x1  }
0x4b8: {  	v3 =	vperm.xlane v3, v2;
	v4 =	vadd.s32 v1, v4;
	_ =	sdelay $0x1  }
0x4b9: {  	v3 =	vadd.s32 v1, v3;
	_ =	sdelay $0x2  }
0x4ba: {  	[tilespmem:s23], [sflag:$0x1] =	stream.indirect_vreg.gather [hbm4b:s2+s3], $0x80, v4, vm0, $0xb8;
	[tilespmem:$0x8080] =	vst v63  }
0x4bb: {  	_ = 	snop  }
0x4bc: {  	[tilespmem:s24], [sflag:$0x1] =	stream.indirect_vreg.gather [hbm4b:s2+s3], $0x80, v3, vm0, $0xb8;
	[tilespmem:$0x8080] =	vst v63  }
0x4bd: {  	v3 =	vld [tilespmem:$0x60];
	_ =	sdelay $0x4  }
0x4be: {  	v38 =	vshll.u32 v3, $0x1  }
0x4bf: {  	v3 =	vand.u32 $0x7, v3;
	v4 =	vand.u32 $0xFFFFFFF0, v38  }
0x4c0: {  	v3 =	vor.u32 v3, v4  }
0x4c1: {  	v4 =	vperm.xlane v3, v0;
	_ =	sdelay $0x1  }
0x4c2: {  	v3 =	vperm.xlane v3, v2;
	v4 =	vadd.s32 v1, v4;
	_ =	sdelay $0x1  }
0x4c3: {  	v3 =	vadd.s32 v1, v3;
	_ =	sdelay $0x2  }
0x4c4: {  	[tilespmem:s25], [sflag:$0x1] =	stream.indirect_vreg.gather [hbm4b:s2+s3], $0x80, v4, vm0, $0xb8;
	[tilespmem:$0x8080] =	vst v63  }
0x4c5: {  	_ = 	snop  }
0x4c6: {  	[tilespmem:s26], [sflag:$0x1] =	stream.indirect_vreg.gather [hbm4b:s2+s3], $0x80, v3, vm0, $0xb8;
	[tilespmem:$0x8080] =	vst v63  }
0x4c7: {  	v3 =	vld [tilespmem:$0x70];
	_ =	sdelay $0x4  }
0x4c8: {  	v39 =	vshll.u32 v3, $0x1  }
0x4c9: {  	v3 =	vand.u32 $0x7, v3;
	v4 =	vand.u32 $0xFFFFFFF0, v39  }
0x4ca: {  	v3 =	vor.u32 v3, v4  }
0x4cb: {  	v4 =	vperm.xlane v3, v0;
	_ =	sdelay $0x1  }
0x4cc: {  	v3 =	vperm.xlane v3, v2;
	v4 =	vadd.s32 v1, v4;
	_ =	sdelay $0x1  }
0x4cd: {  	v3 =	vadd.s32 v1, v3;
	_ =	sdelay $0x2  }
0x4ce: {  	[tilespmem:s28], [sflag:$0x1] =	stream.indirect_vreg.gather [hbm4b:s2+s3], $0x80, v4, vm0, $0xb8;
	[tilespmem:$0x8080] =	vst v63  }
0x4cf: {  	_ = 	snop  }
0x4d0: {  	[tilespmem:s29], [sflag:$0x1] =	stream.indirect_vreg.gather [hbm4b:s2+s3], $0x80, v3, vm0, $0xb8;
	[tilespmem:$0x8080] =	vst v63  }
0x4d1: {  	_ =	swait.ge [sflag:s30], $0x8000  }
0x4d2: {  	[sflag:s30] =	ssyncset.done $0x0  }
0x4d3: {  	[sflag:s30] =	ssyncadd.s32 $0xFFFF8000  }
0x4d4: {  	[hbm4b:s4+s31] =	stream.strided.scatter [tilespmem:s13], [sflag:$0x2], $0x8000, s1, s31, $0x38;
	[tilespmem:$0x8080] =	vst v63  }
0x4d5: {  	_ =	swait.ge [sflag:s12], $0x8000  }
0x4d6: {  	[sflag:s12] =	ssyncset.done $0x0  }
0x4d7: {  	[sflag:s12] =	ssyncadd.s32 $0xFFFF8000  }
0x4d8: {  	[tilespmem:s3], [sflag:$0x2] =	stream.linear.gather [hbm4b:s5+s3], $0x80, $0x38;
	[tilespmem:$0x8080] =	vst v63  }
0x4d9: {  	_ =	swait.ge [sflag:s12], $0x80  }
0x4da: {  	[sflag:s12] =	ssyncset.done $0x0  }
0x4db: {  	[sflag:s12] =	ssyncadd.s32 $0xFFFFFF80  }
0x4dc: {  	v3 =	vld [tilespmem:$0x0];
	_ =	sdelay $0x4  }
0x4dd: {  	v40 =	vshll.u32 v3, $0x1  }
0x4de: {  	v3 =	vand.u32 $0x7, v3;
	v4 =	vand.u32 $0xFFFFFFF0, v40  }
0x4df: {  	v3 =	vor.u32 v3, v4  }
0x4e0: {  	v4 =	vperm.xlane v3, v0;
	_ =	sdelay $0x1  }
0x4e1: {  	v3 =	vperm.xlane v3, v2;
	v4 =	vadd.s32 v1, v4;
	_ =	sdelay $0x1  }
0x4e2: {  	v3 =	vadd.s32 v1, v3;
	_ =	sdelay $0x2  }
0x4e3: {  	[tilespmem:s13], [sflag:$0x1] =	stream.indirect_vreg.gather [hbm4b:s2+s3], $0x80, v4, vm0, $0xb8;
	[tilespmem:$0x8080] =	vst v63  }
0x4e4: {  	_ = 	snop  }
0x4e5: {  	[tilespmem:s14], [sflag:$0x1] =	stream.indirect_vreg.gather [hbm4b:s2+s3], $0x80, v3, vm0, $0xb8;
	[tilespmem:$0x8080] =	vst v63  }
0x4e6: {  	v3 =	vld [tilespmem:$0x10];
	_ =	sdelay $0x4  }
0x4e7: {  	v41 =	vshll.u32 v3, $0x1  }
0x4e8: {  	v3 =	vand.u32 $0x7, v3;
	v4 =	vand.u32 $0xFFFFFFF0, v41  }
0x4e9: {  	v3 =	vor.u32 v3, v4  }
0x4ea: {  	v4 =	vperm.xlane v3, v0;
	_ =	sdelay $0x1  }
0x4eb: {  	v3 =	vperm.xlane v3, v2;
	v4 =	vadd.s32 v1, v4;
	_ =	sdelay $0x1  }
0x4ec: {  	v3 =	vadd.s32 v1, v3;
	_ =	sdelay $0x2  }
0x4ed: {  	[tilespmem:s15], [sflag:$0x1] =	stream.indirect_vreg.gather [hbm4b:s2+s3], $0x80, v4, vm0, $0xb8;
	[tilespmem:$0x8080] =	vst v63  }
0x4ee: {  	_ = 	snop  }
0x4ef: {  	[tilespmem:s16], [sflag:$0x1] =	stream.indirect_vreg.gather [hbm4b:s2+s3], $0x80, v3, vm0, $0xb8;
	[tilespmem:$0x8080] =	vst v63  }
0x4f0: {  	v3 =	vld [tilespmem:$0x20];
	_ =	sdelay $0x4  }
0x4f1: {  	v42 =	vshll.u32 v3, $0x1  }
0x4f2: {  	v3 =	vand.u32 $0x7, v3;
	v4 =	vand.u32 $0xFFFFFFF0, v42  }
0x4f3: {  	v3 =	vor.u32 v3, v4  }
0x4f4: {  	v4 =	vperm.xlane v3, v0;
	_ =	sdelay $0x1  }
0x4f5: {  	v3 =	vperm.xlane v3, v2;
	v4 =	vadd.s32 v1, v4;
	_ =	sdelay $0x1  }
0x4f6: {  	v3 =	vadd.s32 v1, v3;
	_ =	sdelay $0x2  }
0x4f7: {  	[tilespmem:s17], [sflag:$0x1] =	stream.indirect_vreg.gather [hbm4b:s2+s3], $0x80, v4, vm0, $0xb8;
	[tilespmem:$0x8080] =	vst v63  }
0x4f8: {  	_ = 	snop  }
0x4f9: {  	[tilespmem:s18], [sflag:$0x1] =	stream.indirect_vreg.gather [hbm4b:s2+s3], $0x80, v3, vm0, $0xb8;
	[tilespmem:$0x8080] =	vst v63  }
0x4fa: {  	v3 =	vld [tilespmem:$0x30];
	_ =	sdelay $0x4  }
0x4fb: {  	v43 =	vshll.u32 v3, $0x1  }
0x4fc: {  	v3 =	vand.u32 $0x7, v3;
	v4 =	vand.u32 $0xFFFFFFF0, v43  }
0x4fd: {  	v3 =	vor.u32 v3, v4  }
0x4fe: {  	v4 =	vperm.xlane v3, v0;
	_ =	sdelay $0x1  }
0x4ff: {  	v3 =	vperm.xlane v3, v2;
	v4 =	vadd.s32 v1, v4;
	_ =	sdelay $0x1  }
0x500: {  	v3 =	vadd.s32 v1, v3;
	_ =	sdelay $0x2  }
0x501: {  	[tilespmem:s19], [sflag:$0x1] =	stream.indirect_vreg.gather [hbm4b:s2+s3], $0x80, v4, vm0, $0xb8;
	[tilespmem:$0x8080] =	vst v63  }
0x502: {  	_ = 	snop  }
0x503: {  	[tilespmem:s20], [sflag:$0x1] =	stream.indirect_vreg.gather [hbm4b:s2+s3], $0x80, v3, vm0, $0xb8;
	[tilespmem:$0x8080] =	vst v63  }
0x504: {  	v3 =	vld [tilespmem:$0x40];
	_ =	sdelay $0x4  }
0x505: {  	v44 =	vshll.u32 v3, $0x1  }
0x506: {  	v3 =	vand.u32 $0x7, v3;
	v4 =	vand.u32 $0xFFFFFFF0, v44  }
0x507: {  	v3 =	vor.u32 v3, v4  }
0x508: {  	v4 =	vperm.xlane v3, v0;
	_ =	sdelay $0x1  }
0x509: {  	v3 =	vperm.xlane v3, v2;
	v4 =	vadd.s32 v1, v4;
	_ =	sdelay $0x1  }
0x50a: {  	v3 =	vadd.s32 v1, v3;
	_ =	sdelay $0x2  }
0x50b: {  	[tilespmem:s21], [sflag:$0x1] =	stream.indirect_vreg.gather [hbm4b:s2+s3], $0x80, v4, vm0, $0xb8;
	[tilespmem:$0x8080] =	vst v63  }
0x50c: {  	_ = 	snop  }
0x50d: {  	[tilespmem:s22], [sflag:$0x1] =	stream.indirect_vreg.gather [hbm4b:s2+s3], $0x80, v3, vm0, $0xb8;
	[tilespmem:$0x8080] =	vst v63  }
0x50e: {  	v3 =	vld [tilespmem:$0x50];
	_ =	sdelay $0x4  }
0x50f: {  	v45 =	vshll.u32 v3, $0x1  }
0x510: {  	v3 =	vand.u32 $0x7, v3;
	v4 =	vand.u32 $0xFFFFFFF0, v45  }
0x511: {  	v3 =	vor.u32 v3, v4  }
0x512: {  	v4 =	vperm.xlane v3, v0;
	_ =	sdelay $0x1  }
0x513: {  	v3 =	vperm.xlane v3, v2;
	v4 =	vadd.s32 v1, v4;
	_ =	sdelay $0x1  }
0x514: {  	v3 =	vadd.s32 v1, v3;
	_ =	sdelay $0x2  }
0x515: {  	[tilespmem:s23], [sflag:$0x1] =	stream.indirect_vreg.gather [hbm4b:s2+s3], $0x80, v4, vm0, $0xb8;
	[tilespmem:$0x8080] =	vst v63  }
0x516: {  	_ = 	snop  }
0x517: {  	[tilespmem:s24], [sflag:$0x1] =	stream.indirect_vreg.gather [hbm4b:s2+s3], $0x80, v3, vm0, $0xb8;
	[tilespmem:$0x8080] =	vst v63  }
0x518: {  	v3 =	vld [tilespmem:$0x60];
	_ =	sdelay $0x4  }
0x519: {  	v46 =	vshll.u32 v3, $0x1  }
0x51a: {  	v3 =	vand.u32 $0x7, v3;
	v4 =	vand.u32 $0xFFFFFFF0, v46  }
0x51b: {  	v3 =	vor.u32 v3, v4  }
0x51c: {  	v4 =	vperm.xlane v3, v0;
	_ =	sdelay $0x1  }
0x51d: {  	v3 =	vperm.xlane v3, v2;
	v4 =	vadd.s32 v1, v4;
	_ =	sdelay $0x1  }
0x51e: {  	v3 =	vadd.s32 v1, v3;
	_ =	sdelay $0x2  }
0x51f: {  	[tilespmem:s25], [sflag:$0x1] =	stream.indirect_vreg.gather [hbm4b:s2+s3], $0x80, v4, vm0, $0xb8;
	[tilespmem:$0x8080] =	vst v63  }
0x520: {  	_ = 	snop  }
0x521: {  	[tilespmem:s26], [sflag:$0x1] =	stream.indirect_vreg.gather [hbm4b:s2+s3], $0x80, v3, vm0, $0xb8;
	[tilespmem:$0x8080] =	vst v63  }
0x522: {  	v3 =	vld [tilespmem:$0x70];
	_ =	sdelay $0x4  }
0x523: {  	v47 =	vshll.u32 v3, $0x1  }
0x524: {  	v3 =	vand.u32 $0x7, v3;
	v4 =	vand.u32 $0xFFFFFFF0, v47  }
0x525: {  	v3 =	vor.u32 v3, v4  }
0x526: {  	v4 =	vperm.xlane v3, v0;
	_ =	sdelay $0x1  }
0x527: {  	v3 =	vperm.xlane v3, v2;
	v4 =	vadd.s32 v1, v4;
	_ =	sdelay $0x1  }
0x528: {  	v3 =	vadd.s32 v1, v3;
	_ =	sdelay $0x2  }
0x529: {  	[tilespmem:s28], [sflag:$0x1] =	stream.indirect_vreg.gather [hbm4b:s2+s3], $0x80, v4, vm0, $0xb8;
	[tilespmem:$0x8080] =	vst v63  }
0x52a: {  	_ = 	snop  }
0x52b: {  	[tilespmem:s29], [sflag:$0x1] =	stream.indirect_vreg.gather [hbm4b:s2+s3], $0x80, v3, vm0, $0xb8;
	[tilespmem:$0x8080] =	vst v63  }
0x52c: {  	_ =	swait.ge [sflag:s30], $0x8000  }
0x52d: {  	[sflag:s30] =	ssyncset.done $0x0  }
0x52e: {  	[sflag:s30] =	ssyncadd.s32 $0xFFFF8000  }
0x52f: {  	[hbm4b:s6+s31] =	stream.strided.scatter [tilespmem:s13], [sflag:$0x2], $0x8000, s1, s31, $0x38;
	[tilespmem:$0x8080] =	vst v63  }
0x530: {  	_ =	swait.ge [sflag:s12], $0x8000  }
0x531: {  	[sflag:s12] =	ssyncset.done $0x0  }
0x532: {  	[sflag:s12] =	ssyncadd.s32 $0xFFFF8000  }
0x533: {  	[tilespmem:s3], [sflag:$0x2] =	stream.linear.gather [hbm4b:s7+s3], $0x80, $0x38;
	[tilespmem:$0x8080] =	vst v63  }
0x534: {  	_ =	swait.ge [sflag:s12], $0x80  }
0x535: {  	[sflag:s12] =	ssyncset.done $0x0  }
0x536: {  	[sflag:s12] =	ssyncadd.s32 $0xFFFFFF80  }
0x537: {  	v3 =	vld [tilespmem:$0x0];
	_ =	sdelay $0x4  }
0x538: {  	v48 =	vshll.u32 v3, $0x1  }
0x539: {  	v3 =	vand.u32 $0x7, v3;
	v4 =	vand.u32 $0xFFFFFFF0, v48  }
0x53a: {  	v3 =	vor.u32 v3, v4  }
0x53b: {  	v4 =	vperm.xlane v3, v0;
	_ =	sdelay $0x1  }
0x53c: {  	v3 =	vperm.xlane v3, v2;
	v4 =	vadd.s32 v1, v4;
	_ =	sdelay $0x1  }
0x53d: {  	v3 =	vadd.s32 v1, v3;
	_ =	sdelay $0x2  }
0x53e: {  	[tilespmem:s13], [sflag:$0x1] =	stream.indirect_vreg.gather [hbm4b:s2+s3], $0x80, v4, vm0, $0xb8;
	[tilespmem:$0x8080] =	vst v63  }
0x53f: {  	_ = 	snop  }
0x540: {  	[tilespmem:s14], [sflag:$0x1] =	stream.indirect_vreg.gather [hbm4b:s2+s3], $0x80, v3, vm0, $0xb8;
	[tilespmem:$0x8080] =	vst v63  }
0x541: {  	v3 =	vld [tilespmem:$0x10];
	_ =	sdelay $0x4  }
0x542: {  	v49 =	vshll.u32 v3, $0x1  }
0x543: {  	v3 =	vand.u32 $0x7, v3;
	v4 =	vand.u32 $0xFFFFFFF0, v49  }
0x544: {  	v3 =	vor.u32 v3, v4  }
0x545: {  	v4 =	vperm.xlane v3, v0;
	_ =	sdelay $0x1  }
0x546: {  	v3 =	vperm.xlane v3, v2;
	v4 =	vadd.s32 v1, v4;
	_ =	sdelay $0x1  }
0x547: {  	v3 =	vadd.s32 v1, v3;
	_ =	sdelay $0x2  }
0x548: {  	[tilespmem:s15], [sflag:$0x1] =	stream.indirect_vreg.gather [hbm4b:s2+s3], $0x80, v4, vm0, $0xb8;
	[tilespmem:$0x8080] =	vst v63  }
0x549: {  	_ = 	snop  }
0x54a: {  	[tilespmem:s16], [sflag:$0x1] =	stream.indirect_vreg.gather [hbm4b:s2+s3], $0x80, v3, vm0, $0xb8;
	[tilespmem:$0x8080] =	vst v63  }
0x54b: {  	v3 =	vld [tilespmem:$0x20];
	_ =	sdelay $0x4  }
0x54c: {  	v50 =	vshll.u32 v3, $0x1  }
0x54d: {  	v3 =	vand.u32 $0x7, v3;
	v4 =	vand.u32 $0xFFFFFFF0, v50  }
0x54e: {  	v3 =	vor.u32 v3, v4  }
0x54f: {  	v4 =	vperm.xlane v3, v0;
	_ =	sdelay $0x1  }
0x550: {  	v3 =	vperm.xlane v3, v2;
	v4 =	vadd.s32 v1, v4;
	_ =	sdelay $0x1  }
0x551: {  	v3 =	vadd.s32 v1, v3;
	_ =	sdelay $0x2  }
0x552: {  	[tilespmem:s17], [sflag:$0x1] =	stream.indirect_vreg.gather [hbm4b:s2+s3], $0x80, v4, vm0, $0xb8;
	[tilespmem:$0x8080] =	vst v63  }
0x553: {  	_ = 	snop  }
0x554: {  	[tilespmem:s18], [sflag:$0x1] =	stream.indirect_vreg.gather [hbm4b:s2+s3], $0x80, v3, vm0, $0xb8;
	[tilespmem:$0x8080] =	vst v63  }
0x555: {  	v3 =	vld [tilespmem:$0x30];
	_ =	sdelay $0x4  }
0x556: {  	v51 =	vshll.u32 v3, $0x1  }
0x557: {  	v3 =	vand.u32 $0x7, v3;
	v4 =	vand.u32 $0xFFFFFFF0, v51  }
0x558: {  	v3 =	vor.u32 v3, v4  }
0x559: {  	v4 =	vperm.xlane v3, v0;
	_ =	sdelay $0x1  }
0x55a: {  	v3 =	vperm.xlane v3, v2;
	v4 =	vadd.s32 v1, v4;
	_ =	sdelay $0x1  }
0x55b: {  	v3 =	vadd.s32 v1, v3;
	_ =	sdelay $0x2  }
0x55c: {  	[tilespmem:s19], [sflag:$0x1] =	stream.indirect_vreg.gather [hbm4b:s2+s3], $0x80, v4, vm0, $0xb8;
	[tilespmem:$0x8080] =	vst v63  }
0x55d: {  	_ = 	snop  }
0x55e: {  	[tilespmem:s20], [sflag:$0x1] =	stream.indirect_vreg.gather [hbm4b:s2+s3], $0x80, v3, vm0, $0xb8;
	[tilespmem:$0x8080] =	vst v63  }
0x55f: {  	v3 =	vld [tilespmem:$0x40];
	_ =	sdelay $0x4  }
0x560: {  	v52 =	vshll.u32 v3, $0x1  }
0x561: {  	v3 =	vand.u32 $0x7, v3;
	v4 =	vand.u32 $0xFFFFFFF0, v52  }
0x562: {  	v3 =	vor.u32 v3, v4  }
0x563: {  	v4 =	vperm.xlane v3, v0;
	_ =	sdelay $0x1  }
0x564: {  	v3 =	vperm.xlane v3, v2;
	v4 =	vadd.s32 v1, v4;
	_ =	sdelay $0x1  }
0x565: {  	v3 =	vadd.s32 v1, v3;
	_ =	sdelay $0x2  }
0x566: {  	[tilespmem:s21], [sflag:$0x1] =	stream.indirect_vreg.gather [hbm4b:s2+s3], $0x80, v4, vm0, $0xb8;
	[tilespmem:$0x8080] =	vst v63  }
0x567: {  	_ = 	snop  }
0x568: {  	[tilespmem:s22], [sflag:$0x1] =	stream.indirect_vreg.gather [hbm4b:s2+s3], $0x80, v3, vm0, $0xb8;
	[tilespmem:$0x8080] =	vst v63  }
0x569: {  	v3 =	vld [tilespmem:$0x50];
	_ =	sdelay $0x4  }
0x56a: {  	v53 =	vshll.u32 v3, $0x1  }
0x56b: {  	v3 =	vand.u32 $0x7, v3;
	v4 =	vand.u32 $0xFFFFFFF0, v53  }
0x56c: {  	v3 =	vor.u32 v3, v4  }
0x56d: {  	v4 =	vperm.xlane v3, v0;
	_ =	sdelay $0x1  }
0x56e: {  	v3 =	vperm.xlane v3, v2;
	v4 =	vadd.s32 v1, v4;
	_ =	sdelay $0x1  }
0x56f: {  	v3 =	vadd.s32 v1, v3;
	_ =	sdelay $0x2  }
0x570: {  	[tilespmem:s23], [sflag:$0x1] =	stream.indirect_vreg.gather [hbm4b:s2+s3], $0x80, v4, vm0, $0xb8;
	[tilespmem:$0x8080] =	vst v63  }
0x571: {  	_ = 	snop  }
0x572: {  	[tilespmem:s24], [sflag:$0x1] =	stream.indirect_vreg.gather [hbm4b:s2+s3], $0x80, v3, vm0, $0xb8;
	[tilespmem:$0x8080] =	vst v63  }
0x573: {  	v3 =	vld [tilespmem:$0x60];
	_ =	sdelay $0x4  }
0x574: {  	v54 =	vshll.u32 v3, $0x1  }
0x575: {  	v3 =	vand.u32 $0x7, v3;
	v4 =	vand.u32 $0xFFFFFFF0, v54  }
0x576: {  	v3 =	vor.u32 v3, v4  }
0x577: {  	v4 =	vperm.xlane v3, v0;
	_ =	sdelay $0x1  }
0x578: {  	v3 =	vperm.xlane v3, v2;
	v4 =	vadd.s32 v1, v4;
	_ =	sdelay $0x1  }
0x579: {  	v3 =	vadd.s32 v1, v3;
	_ =	sdelay $0x2  }
0x57a: {  	[tilespmem:s25], [sflag:$0x1] =	stream.indirect_vreg.gather [hbm4b:s2+s3], $0x80, v4, vm0, $0xb8;
	[tilespmem:$0x8080] =	vst v63  }
0x57b: {  	_ = 	snop  }
0x57c: {  	[tilespmem:s26], [sflag:$0x1] =	stream.indirect_vreg.gather [hbm4b:s2+s3], $0x80, v3, vm0, $0xb8;
	[tilespmem:$0x8080] =	vst v63  }
0x57d: {  	v3 =	vld [tilespmem:$0x70];
	_ =	sdelay $0x4  }
0x57e: {  	v55 =	vshll.u32 v3, $0x1  }
0x57f: {  	v3 =	vand.u32 $0x7, v3;
	v4 =	vand.u32 $0xFFFFFFF0, v55  }
0x580: {  	v3 =	vor.u32 v3, v4  }
0x581: {  	v4 =	vperm.xlane v3, v0;
	_ =	sdelay $0x1  }
0x582: {  	v3 =	vperm.xlane v3, v2;
	v4 =	vadd.s32 v1, v4;
	_ =	sdelay $0x1  }
0x583: {  	v3 =	vadd.s32 v1, v3;
	_ =	sdelay $0x2  }
0x584: {  	[tilespmem:s28], [sflag:$0x1] =	stream.indirect_vreg.gather [hbm4b:s2+s3], $0x80, v4, vm0, $0xb8;
	[tilespmem:$0x8080] =	vst v63  }
0x585: {  	_ = 	snop  }
0x586: {  	[tilespmem:s29], [sflag:$0x1] =	stream.indirect_vreg.gather [hbm4b:s2+s3], $0x80, v3, vm0, $0xb8;
	[tilespmem:$0x8080] =	vst v63  }
0x587: {  	_ =	swait.ge [sflag:s30], $0x8000  }
0x588: {  	[sflag:s30] =	ssyncset.done $0x0  }
0x589: {  	[sflag:s30] =	ssyncadd.s32 $0xFFFF8000  }
0x58a: {  	[hbm4b:s8+s31] =	stream.strided.scatter [tilespmem:s13], [sflag:$0x2], $0x8000, s1, s31, $0x38;
	[tilespmem:$0x8080] =	vst v63  }
0x58b: {  	_ =	swait.ge [sflag:s12], $0x8000  }
0x58c: {  	[sflag:s12] =	ssyncset.done $0x0  }
0x58d: {  	[sflag:s12] =	ssyncadd.s32 $0xFFFF8000  }
0x58e: {  	[tilespmem:s3], [sflag:$0x2] =	stream.linear.gather [hbm4b:s9+s3], $0x80, $0x38;
	[tilespmem:$0x8080] =	vst v63  }
0x58f: {  	_ =	swait.ge [sflag:s12], $0x80  }
0x590: {  	[sflag:s12] =	ssyncset.done $0x0  }
0x591: {  	[sflag:s12] =	ssyncadd.s32 $0xFFFFFF80  }
0x592: {  	v3 =	vld [tilespmem:$0x0];
	_ =	sdelay $0x4  }
0x593: {  	v56 =	vshll.u32 v3, $0x1  }
0x594: {  	v3 =	vand.u32 $0x7, v3;
	v4 =	vand.u32 $0xFFFFFFF0, v56  }
0x595: {  	v3 =	vor.u32 v3, v4  }
0x596: {  	v4 =	vperm.xlane v3, v0;
	_ =	sdelay $0x1  }
0x597: {  	v3 =	vperm.xlane v3, v2;
	v4 =	vadd.s32 v1, v4;
	_ =	sdelay $0x1  }
0x598: {  	v3 =	vadd.s32 v1, v3;
	_ =	sdelay $0x2  }
0x599: {  	[tilespmem:s13], [sflag:$0x1] =	stream.indirect_vreg.gather [hbm4b:s2+s3], $0x80, v4, vm0, $0xb8;
	[tilespmem:$0x8080] =	vst v63  }
0x59a: {  	_ = 	snop  }
0x59b: {  	[tilespmem:s14], [sflag:$0x1] =	stream.indirect_vreg.gather [hbm4b:s2+s3], $0x80, v3, vm0, $0xb8;
	[tilespmem:$0x8080] =	vst v63  }
0x59c: {  	v3 =	vld [tilespmem:$0x10];
	_ =	sdelay $0x4  }
0x59d: {  	v57 =	vshll.u32 v3, $0x1  }
0x59e: {  	v3 =	vand.u32 $0x7, v3;
	v4 =	vand.u32 $0xFFFFFFF0, v57  }
0x59f: {  	v3 =	vor.u32 v3, v4  }
0x5a0: {  	v4 =	vperm.xlane v3, v0;
	_ =	sdelay $0x1  }
0x5a1: {  	v3 =	vperm.xlane v3, v2;
	v4 =	vadd.s32 v1, v4;
	_ =	sdelay $0x1  }
0x5a2: {  	v3 =	vadd.s32 v1, v3;
	_ =	sdelay $0x2  }
0x5a3: {  	[tilespmem:s15], [sflag:$0x1] =	stream.indirect_vreg.gather [hbm4b:s2+s3], $0x80, v4, vm0, $0xb8;
	[tilespmem:$0x8080] =	vst v63  }
0x5a4: {  	_ = 	snop  }
0x5a5: {  	[tilespmem:s16], [sflag:$0x1] =	stream.indirect_vreg.gather [hbm4b:s2+s3], $0x80, v3, vm0, $0xb8;
	[tilespmem:$0x8080] =	vst v63  }
0x5a6: {  	v3 =	vld [tilespmem:$0x20];
	_ =	sdelay $0x4  }
0x5a7: {  	v58 =	vshll.u32 v3, $0x1  }
0x5a8: {  	v3 =	vand.u32 $0x7, v3;
	v4 =	vand.u32 $0xFFFFFFF0, v58  }
0x5a9: {  	v3 =	vor.u32 v3, v4  }
0x5aa: {  	v4 =	vperm.xlane v3, v0;
	_ =	sdelay $0x1  }
0x5ab: {  	v3 =	vperm.xlane v3, v2;
	v4 =	vadd.s32 v1, v4;
	_ =	sdelay $0x1  }
0x5ac: {  	v3 =	vadd.s32 v1, v3;
	_ =	sdelay $0x2  }
0x5ad: {  	[tilespmem:s17], [sflag:$0x1] =	stream.indirect_vreg.gather [hbm4b:s2+s3], $0x80, v4, vm0, $0xb8;
	[tilespmem:$0x8080] =	vst v63  }
0x5ae: {  	_ = 	snop  }
0x5af: {  	[tilespmem:s18], [sflag:$0x1] =	stream.indirect_vreg.gather [hbm4b:s2+s3], $0x80, v3, vm0, $0xb8;
	[tilespmem:$0x8080] =	vst v63  }
0x5b0: {  	v3 =	vld [tilespmem:$0x30];
	_ =	sdelay $0x4  }
0x5b1: {  	v59 =	vshll.u32 v3, $0x1  }
0x5b2: {  	v3 =	vand.u32 $0x7, v3;
	v4 =	vand.u32 $0xFFFFFFF0, v59  }
0x5b3: {  	v3 =	vor.u32 v3, v4  }
0x5b4: {  	v4 =	vperm.xlane v3, v0;
	_ =	sdelay $0x1  }
0x5b5: {  	v3 =	vperm.xlane v3, v2;
	v4 =	vadd.s32 v1, v4;
	_ =	sdelay $0x1  }
0x5b6: {  	v3 =	vadd.s32 v1, v3;
	_ =	sdelay $0x2  }
0x5b7: {  	[tilespmem:s19], [sflag:$0x1] =	stream.indirect_vreg.gather [hbm4b:s2+s3], $0x80, v4, vm0, $0xb8;
	[tilespmem:$0x8080] =	vst v63  }
0x5b8: {  	_ = 	snop  }
0x5b9: {  	[tilespmem:s20], [sflag:$0x1] =	stream.indirect_vreg.gather [hbm4b:s2+s3], $0x80, v3, vm0, $0xb8;
	[tilespmem:$0x8080] =	vst v63  }
0x5ba: {  	v3 =	vld [tilespmem:$0x40];
	_ =	sdelay $0x4  }
0x5bb: {  	v60 =	vshll.u32 v3, $0x1  }
0x5bc: {  	v3 =	vand.u32 $0x7, v3;
	v4 =	vand.u32 $0xFFFFFFF0, v60  }
0x5bd: {  	v3 =	vor.u32 v3, v4  }
0x5be: {  	v4 =	vperm.xlane v3, v0;
	_ =	sdelay $0x1  }
0x5bf: {  	v3 =	vperm.xlane v3, v2;
	v4 =	vadd.s32 v1, v4;
	_ =	sdelay $0x1  }
0x5c0: {  	v3 =	vadd.s32 v1, v3;
	_ =	sdelay $0x2  }
0x5c1: {  	[tilespmem:s21], [sflag:$0x1] =	stream.indirect_vreg.gather [hbm4b:s2+s3], $0x80, v4, vm0, $0xb8;
	[tilespmem:$0x8080] =	vst v63  }
0x5c2: {  	_ = 	snop  }
0x5c3: {  	[tilespmem:s22], [sflag:$0x1] =	stream.indirect_vreg.gather [hbm4b:s2+s3], $0x80, v3, vm0, $0xb8;
	[tilespmem:$0x8080] =	vst v63  }
0x5c4: {  	v3 =	vld [tilespmem:$0x50];
	_ =	sdelay $0x4  }
0x5c5: {  	v61 =	vshll.u32 v3, $0x1  }
0x5c6: {  	v3 =	vand.u32 $0x7, v3;
	v4 =	vand.u32 $0xFFFFFFF0, v61  }
0x5c7: {  	v3 =	vor.u32 v3, v4  }
0x5c8: {  	v4 =	vperm.xlane v3, v0;
	_ =	sdelay $0x1  }
0x5c9: {  	v3 =	vperm.xlane v3, v2;
	v4 =	vadd.s32 v1, v4;
	_ =	sdelay $0x1  }
0x5ca: {  	v3 =	vadd.s32 v1, v3;
	_ =	sdelay $0x2  }
0x5cb: {  	[tilespmem:s23], [sflag:$0x1] =	stream.indirect_vreg.gather [hbm4b:s2+s3], $0x80, v4, vm0, $0xb8;
	[tilespmem:$0x8080] =	vst v63  }
0x5cc: {  	_ = 	snop  }
0x5cd: {  	[tilespmem:s24], [sflag:$0x1] =	stream.indirect_vreg.gather [hbm4b:s2+s3], $0x80, v3, vm0, $0xb8;
	[tilespmem:$0x8080] =	vst v63  }
0x5ce: {  	v3 =	vld [tilespmem:$0x60];
	_ =	sdelay $0x4  }
0x5cf: {  	v62 =	vshll.u32 v3, $0x1  }
0x5d0: {  	v3 =	vand.u32 $0x7, v3;
	v4 =	vand.u32 $0xFFFFFFF0, v62  }
0x5d1: {  	v3 =	vor.u32 v3, v4  }
0x5d2: {  	v4 =	vperm.xlane v3, v0;
	_ =	sdelay $0x1  }
0x5d3: {  	v3 =	vperm.xlane v3, v2;
	v4 =	vadd.s32 v1, v4;
	_ =	sdelay $0x1  }
0x5d4: {  	v3 =	vadd.s32 v1, v3;
	_ =	sdelay $0x2  }
0x5d5: {  	[tilespmem:s25], [sflag:$0x1] =	stream.indirect_vreg.gather [hbm4b:s2+s3], $0x80, v4, vm0, $0xb8;
	[tilespmem:$0x8080] =	vst v63  }
0x5d6: {  	_ = 	snop  }
0x5d7: {  	[tilespmem:s26], [sflag:$0x1] =	stream.indirect_vreg.gather [hbm4b:s2+s3], $0x80, v3, vm0, $0xb8;
	[tilespmem:$0x8080] =	vst v63  }
0x5d8: {  	v3 =	vld [tilespmem:$0x70];
	_ =	sdelay $0x4  }
0x5d9: {  	v63 =	vshll.u32 v3, $0x1  }
0x5da: {  	v3 =	vand.u32 $0x7, v3;
	v4 =	vand.u32 $0xFFFFFFF0, v63  }
0x5db: {  	v3 =	vor.u32 v3, v4  }
0x5dc: {  	v4 =	vperm.xlane v3, v0;
	_ =	sdelay $0x1  }
0x5dd: {  	v3 =	vperm.xlane v3, v2;
	v4 =	vadd.s32 v1, v4;
	_ =	sdelay $0x1  }
0x5de: {  	v3 =	vadd.s32 v1, v3;
	_ =	sdelay $0x2  }
0x5df: {  	[tilespmem:s28], [sflag:$0x1] =	stream.indirect_vreg.gather [hbm4b:s2+s3], $0x80, v4, vm0, $0xb8;
	[tilespmem:$0x8080] =	vst v63  }
0x5e0: {  	_ = 	snop  }
0x5e1: {  	[tilespmem:s29], [sflag:$0x1] =	stream.indirect_vreg.gather [hbm4b:s2+s3], $0x80, v3, vm0, $0xb8;
	[tilespmem:$0x8080] =	vst v63  }
0x5e2: {  	_ =	swait.ge [sflag:s30], $0x8000  }
0x5e3: {  	p0 =	sne.s32 s11, $0x1;
	[sflag:s30] =	ssyncset.done $0x0  }
.Ltmp0:
0x5e4: {  	[sflag:s30] =	ssyncadd.s32 $0xFFFF8000;
	(pc) =	sbr.rel @p0 .LBB2_1-.Ltmp0, $4  }
0x5e5: {  	[hbm4b:s10+s31] =	stream.strided.scatter [tilespmem:s13], [sflag:$0x2], $0x8000, s1, s31, $0x38;
	[tilespmem:$0x8080] =	vst v63  }
0x5e6: {  	_ =	swait.ge [sflag:s12], $0x8000  }
0x5e7: {  	[sflag:s12] =	ssyncset.done $0x0  }
0x5e8: {  	s11 =	sadd.s32 $0xFFFFFFFF, s11;
	[sflag:s12] =	ssyncadd.s32 $0xFFFF8000  }
0x5e9: {  	_ =	sfence.sel $0x180000  }
0x5ea: {  	[bflag:$0x0] =	sbarrier.arrive $0xFFFF  }
0x5eb: {  	_ =	strace $0x90000047  }
0x5ec: {  	s0 =	stileid.u32;
	[bflag:$0x2] =	sbarrier.arrive $0xFFFF  }
0x5ed: {  	p0 =	sne.s32 s0, $0x0;
	s0 =	rddreg [dreg:$0x3]  }
0x5ee: {  	s0 =	sadd.s32 @!p0 $0x100000, s0  }
0x5ef: {  	[sflag:s0] =	ssyncadd.tile.s32 @!p0 $0x1;
	_ =	shalt  }
.Lfunc_end2:
_tile_overlayer_lowered:
.L_overlay_start_2:
0x5f0: {  	(tag) =	ssettag $0x2  }
0x5f1: {  	s0 =	rddreg [dreg:$0x0];
	s2 =	stileid.u32  }
0x5f2: {  	s1 =	rddreg [dreg:$0x1];
	p0 =	sne.s32 s2, $0x0  }
0x5f3: {  	s3 =	rddreg [dreg:$0x2];
	[bflag:$0x3] =	sbarrier.arrive $0xFFFF;
	s2 =	simm.s32 @!p0 $0x1C02  }
0x5f4: {  	[timem:s3], [sflag:s2] =	dma.local @!p0 [hbm:s0], s1  }
0x5f5: {  	s0 =	simm.s32 @!p0 $0x2  }
0x5f6: {  	_ =	swait.ge @!p0 [sflag:s0], s1  }
0x5f7: {  	s1 =	ssub.s32 @!p0 $0x0, s1;
	[sflag:s0] =	ssyncset.done @!p0 $0x0  }
0x5f8: {  	[sflag:s0] =	ssyncadd.s32 @!p0 s1  }
0x5f9: {  	[bflag:$0x3] =	sbarrier.arrive $0xFFFF  }
0x5fa: {  	_ =	shalt  }

</sc_bundles>
